<compile_context>
chip_gen: v7x
topology: tpu7x:2x2x1
jax: 0.10.2.dev20260603
libtpu: 0.0.44.dev20260713+nightly
codegen_flags: <defaults>
</compile_context>

<pallas_src>
import functools

import jax
import jax.numpy as jnp
from jax import lax
from jax.experimental import pallas as pl
from jax.experimental.pallas import tpu as pltpu
from jax.experimental.pallas import tpu_sc as plsc

MP_STEPS = 3

NC = 2
NS = 16
NW = NC * NS
NBUF = 3



def _make_sc_aggregate(N, D, E, K):
    assert E % NW == 0
    ew = E // NW
    chunks = ew // K
    rem = ew - chunks * K
    assert rem % 8 == 0 and K % 8 == 0
    r0 = ((N // NS) + 15) // 16 * 16
    r1 = N - r0 * (NS - 1)
    assert r1 > 0 and r1 % 16 == 0

    mesh = plsc.VectorSubcoreMesh(core_axis_name="c", subcore_axis_name="s")

    @functools.partial(
        pl.kernel,
        out_type=jax.ShapeDtypeStruct((NC, N, D), jnp.float32),
        mesh=mesh,
        scratch_types=[
            pltpu.VMEM((K,), jnp.int32),
            pltpu.VMEM((K,), jnp.int32),
            pltpu.VMEM((K,), jnp.int32),
            pltpu.VMEM((K,), jnp.int32),
            pltpu.VMEM((K,), jnp.int32),
            pltpu.VMEM((K,), jnp.int32),
            pltpu.VMEM((max(rem, 8),), jnp.int32),
            pltpu.VMEM((NBUF, K, D), jnp.float32),
            pltpu.VMEM((max(rem, 8),), jnp.int32),
            pltpu.VMEM((max(rem, 1), D), jnp.float32),
            pltpu.VMEM_SHARED((N, D), jnp.float32),
            pltpu.SemaphoreType.DMA((NBUF,)),
            pltpu.SemaphoreType.DMA((NBUF,)),
            pltpu.SemaphoreType.DMA((NBUF,)),
            pltpu.SemaphoreType.DMA((2,)),
            pltpu.SemaphoreType.DMA,
            pltpu.SemaphoreType.DMA((NBUF,)),
        ],
    )
    def sc_agg(h_hbm, edge_hbm, zeros_hbm, parts_hbm,
               idx_s0, idx_s1, idx_s2, idx_d0, idx_d1, idx_d2,
               idx_sr, rows, idx_dr, rows_r, acc,
               sem_r, sem_d, sem_w, sem_x, sem_z, sem_si):
        cid = lax.axis_index("c")
        sid = lax.axis_index("s")
        wid = cid * NS + sid

        row0 = sid * r0

        @pl.when(sid < NS - 1)
        def _():
            pltpu.async_copy(zeros_hbm.at[pl.ds(row0, r0)],
                             acc.at[pl.ds(row0, r0)], sem_z)

        @pl.when(sid == NS - 1)
        def _():
            pltpu.async_copy(zeros_hbm.at[pl.ds((NS - 1) * r0, r1)],
                             acc.at[pl.ds((NS - 1) * r0, r1)], sem_z)

        base0 = wid * ew
        dst0 = E + base0

        sbufs = (idx_s0, idx_s1, idx_s2)
        dbufs = (idx_d0, idx_d1, idx_d2)

        def start_idx(i, bb):
            pltpu.async_copy(edge_hbm.at[pl.ds(base0 + i * K, K)],
                             sbufs[bb], sem_si.at[bb])
            pltpu.async_copy(edge_hbm.at[pl.ds(dst0 + i * K, K)],
                             dbufs[bb], sem_d.at[bb])

        def start(i, bb):
            pltpu.make_async_copy(edge_hbm.at[pl.ds(base0 + i * K, K)],
                                  sbufs[bb], sem_si.at[bb]).wait()
            pltpu.async_copy(h_hbm.at[sbufs[bb]],
                             rows.at[bb], sem_r.at[bb])

        def wait_scatter(bb):
            pltpu.make_async_copy(rows.at[bb], acc.at[dbufs[bb]],
                                  sem_w.at[bb]).wait()

        def finish(i, bb):
            pltpu.make_async_copy(h_hbm.at[sbufs[bb]],
                                  rows.at[bb], sem_r.at[bb]).wait()
            pltpu.make_async_copy(edge_hbm.at[pl.ds(dst0 + i * K, K)],
                                  dbufs[bb], sem_d.at[bb]).wait()
            pltpu.async_copy(rows.at[bb], acc.at[dbufs[bb]],
                             sem_w.at[bb], add=True)

        if rem:
            pltpu.async_copy(edge_hbm.at[pl.ds(base0 + chunks * K, rem)],
                             idx_sr, sem_x.at[0])
            pltpu.async_copy(edge_hbm.at[pl.ds(dst0 + chunks * K, rem)],
                             idx_dr, sem_x.at[1])

        start_idx(0, 0)
        start_idx(1, 1)
        start(0, 0)

        @pl.when(sid < NS - 1)
        def _():
            pltpu.make_async_copy(zeros_hbm.at[pl.ds(row0, r0)],
                                  acc.at[pl.ds(row0, r0)], sem_z).wait()

        @pl.when(sid == NS - 1)
        def _():
            pltpu.make_async_copy(zeros_hbm.at[pl.ds((NS - 1) * r0, r1)],
                                  acc.at[pl.ds((NS - 1) * r0, r1)], sem_z).wait()

        plsc.subcore_barrier()

        def body(i, _):
            def turn(bb):
                nbb = (bb + 1) % NBUF

                @pl.when(i >= NBUF - 1)
                def _():
                    wait_scatter(nbb)

                @pl.when(i + 2 < chunks)
                def _():
                    start_idx(i + 2, (bb + 2) % NBUF)

                @pl.when(i + 1 < chunks)
                def _():
                    start(i + 1, nbb)
                finish(i, bb)

            for b in range(NBUF):
                @pl.when(lax.rem(i, NBUF) == b)
                def _(b=b):
                    turn(b)

            return ()

        lax.fori_loop(0, chunks, body, (), unroll=False)
        for j in range(max(chunks - NBUF + 1, 0), chunks):
            wait_scatter(j % NBUF)

        if rem:
            pltpu.make_async_copy(edge_hbm.at[pl.ds(base0 + chunks * K, rem)],
                                  idx_sr, sem_x.at[0]).wait()
            pltpu.async_copy(h_hbm.at[idx_sr], rows_r, sem_x.at[0])
            pltpu.make_async_copy(h_hbm.at[idx_sr], rows_r, sem_x.at[0]).wait()
            pltpu.make_async_copy(edge_hbm.at[pl.ds(dst0 + chunks * K, rem)],
                                  idx_dr, sem_x.at[1]).wait()
            pltpu.async_copy(rows_r, acc.at[idx_dr], sem_x.at[0], add=True)
            pltpu.make_async_copy(rows_r, acc.at[idx_dr], sem_x.at[0]).wait()

        plsc.subcore_barrier()

        @pl.when(sid < NS - 1)
        def _():
            pltpu.sync_copy(acc.at[pl.ds(row0, r0)],
                            parts_hbm.at[cid, pl.ds(row0, r0)])

        @pl.when(sid == NS - 1)
        def _():
            pltpu.sync_copy(acc.at[pl.ds((NS - 1) * r0, r1)],
                            parts_hbm.at[cid, pl.ds((NS - 1) * r0, r1)])

    return sc_agg



def _embed_body(x_ref, w_ref, b_ref, o_ref):
    o_ref[...] = jnp.tanh(
        jnp.dot(x_ref[...], w_ref[...], preferred_element_type=jnp.float32)
        + b_ref[...])


def _pre_body(h_ref, x0_ref, ws_ref, b_ref, o_ref):
    o_ref[...] = (
        jnp.dot(h_ref[...], ws_ref[...], preferred_element_type=jnp.float32)
        + x0_ref[...] + b_ref[...])


def _fin_body(p_ref, s_ref, wu_ref, o_ref):
    agg = p_ref[0] + p_ref[1]
    acc = jnp.dot(agg, wu_ref[...], preferred_element_type=jnp.float32)
    o_ref[...] = jnp.maximum(acc + s_ref[...], 0.0)


def _make_embed(N, D, BN):
    grid = N // BN
    return pl.pallas_call(
        _embed_body,
        grid=(grid,),
        in_specs=[
            pl.BlockSpec((BN, D), lambda i: (i, 0)),
            pl.BlockSpec((D, D), lambda i: (0, 0)),
            pl.BlockSpec((1, D), lambda i: (0, 0)),
        ],
        out_specs=pl.BlockSpec((BN, D), lambda i: (i, 0)),
        out_shape=jax.ShapeDtypeStruct((N, D), jnp.float32),
    )


def _make_pre(N, D, BN):
    grid = N // BN
    return pl.pallas_call(
        _pre_body,
        grid=(grid,),
        in_specs=[
            pl.BlockSpec((BN, D), lambda i: (i, 0)),
            pl.BlockSpec((BN, D), lambda i: (i, 0)),
            pl.BlockSpec((D, D), lambda i: (0, 0)),
            pl.BlockSpec((1, D), lambda i: (0, 0)),
        ],
        out_specs=pl.BlockSpec((BN, D), lambda i: (i, 0)),
        out_shape=jax.ShapeDtypeStruct((N, D), jnp.float32),
    )


def _make_fin(N, D, BN):
    grid = N // BN
    return pl.pallas_call(
        _fin_body,
        grid=(grid,),
        in_specs=[
            pl.BlockSpec((NC, BN, D), lambda i: (0, i, 0)),
            pl.BlockSpec((BN, D), lambda i: (i, 0)),
            pl.BlockSpec((D, D), lambda i: (0, 0)),
        ],
        out_specs=pl.BlockSpec((BN, D), lambda i: (i, 0)),
        out_shape=jax.ShapeDtypeStruct((N, D), jnp.float32),
    )



def kernel(node_input, edge_index, W_embed, b_embed, W_upd, W_self, b_upd):
    N, D = node_input.shape
    E = edge_index.shape[1]

    sc_agg = _make_sc_aggregate(N, D, E, K=112)
    embed = _make_embed(N, D, BN=2000)
    pre = _make_pre(N, D, BN=2000)
    fin = _make_fin(N, D, BN=2000)

    edges = edge_index.reshape(2 * E)
    zeros = jnp.zeros((N, D), jnp.float32)
    b_e = b_embed.reshape(1, D)
    b_u = b_upd.reshape(1, D)

    h = embed(node_input, W_embed, b_e)
    x0 = h
    for _ in range(MP_STEPS):
        parts = sc_agg(h, edges, zeros)
        s = pre(h, x0, W_self, b_u)
        h = fin(parts, s, W_upd)
    return h

# --- scband reference (transcript-rebuilt; emitter-appended) ---
"""Pipeline reference for scband-gnn-27762668601790 (READ-ONLY COPY).

The authoritative reference and input builder live on the scoring server;
editing this copy changes nothing except your own understanding.
"""

import jax, jax.numpy as jnp
import numpy as np

N = 10000
E = 320000
D = 128
MP_STEPS = 3


def setup_inputs(seed: int = 0) -> dict:
    key = jax.random.key(seed)
    ks = jax.random.split(key, 8)
    node_input = jax.random.normal(ks[0], (N, D), dtype=jnp.float32)
    edge_index = jax.random.randint(ks[1], (2, E), 0, N, dtype=jnp.int32)
    scale = 1.0 / np.sqrt(D)
    W_embed = jax.random.normal(ks[2], (D, D), dtype=jnp.float32) * scale
    b_embed = jnp.zeros((D,), dtype=jnp.float32)
    W_upd = jax.random.normal(ks[3], (D, D), dtype=jnp.float32) * scale
    W_self = jax.random.normal(ks[4], (D, D), dtype=jnp.float32) * scale
    b_upd = jnp.zeros((D,), dtype=jnp.float32)
    return {
        "node_input": node_input,
        "edge_index": edge_index,
        "W_embed": W_embed,
        "b_embed": b_embed,
        "W_upd": W_upd,
        "W_self": W_self,
        "b_upd": b_upd,
    }


def reference(node_input, edge_index, W_embed, b_embed, W_upd, W_self, b_upd):
    # initialize(): embed raw node features; keep a copy of the initial embedding
    h = jnp.tanh(node_input @ W_embed + b_embed)
    x0 = h  # '<element>_input' kept around like in the torch scaffold
    src = edge_index[0]
    dst = edge_index[1]
    # mp_steps of step(): gather neighbor states (identity message fn),
    # scatter-add aggregate onto destination nodes, then node update
    for _ in range(MP_STEPS):
        msgs = jnp.take(h, src, axis=0)                       # gather  [E, D]
        agg = jax.ops.segment_sum(msgs, dst, num_segments=N)  # scatter-add [N, D]
        h = jax.nn.relu(agg @ W_upd + h @ W_self + x0 + b_upd)
    # readout_fn: final node embeddings (single step output, output_all_steps=False)
    return h

if __name__ == "__main__":
    import jax
    _d = setup_inputs()
    print(jax.jit(kernel)(*tuple(_d.values())))

</pallas_src>

<mosaic_0001>
#map = affine_map<(d0, d1) -> (0, 0)>
#map1 = affine_map<(d0, d1) -> (0)>
#map2 = affine_map<(d0, d1) -> (0, 0, 0)>
module attributes {stable_mosaic.version = 14 : i64} {
  func.func @sc_agg(%arg0: i32, %arg1: i32, %arg2: memref<10000x128xf32, #tpu.memory_space<hbm>>, %arg3: memref<640000xi32, #tpu.memory_space<hbm>>, %arg4: memref<10000x128xf32, #tpu.memory_space<hbm>>, %arg5: memref<2x10000x128xf32, #tpu.memory_space<hbm>>, %arg6: memref<112xi32, #tpu.memory_space<vmem>>, %arg7: memref<112xi32, #tpu.memory_space<vmem>>, %arg8: memref<112xi32, #tpu.memory_space<vmem>>, %arg9: memref<112xi32, #tpu.memory_space<vmem>>, %arg10: memref<112xi32, #tpu.memory_space<vmem>>, %arg11: memref<112xi32, #tpu.memory_space<vmem>>, %arg12: memref<32xi32, #tpu.memory_space<vmem>>, %arg13: memref<3x112x128xf32, #tpu.memory_space<vmem>>, %arg14: memref<32xi32, #tpu.memory_space<vmem>>, %arg15: memref<32x128xf32, #tpu.memory_space<vmem>>, %arg16: memref<10000x128xf32, #tpu.memory_space<vmem_shared>>, %arg17: memref<3x!tpu.dma_semaphore, #tpu.memory_space<semaphore_mem>>, %arg18: memref<3x!tpu.dma_semaphore, #tpu.memory_space<semaphore_mem>>, %arg19: memref<3x!tpu.dma_semaphore, #tpu.memory_space<semaphore_mem>>, %arg20: memref<2x!tpu.dma_semaphore, #tpu.memory_space<semaphore_mem>>, %arg21: memref<!tpu.dma_semaphore, #tpu.memory_space<semaphore_mem>>, %arg22: memref<3x!tpu.dma_semaphore, #tpu.memory_space<semaphore_mem>>) attributes {dimension_semantics = [#tpu.dimension_semantics<core_parallel>, #tpu.dimension_semantics<subcore_parallel>], iteration_bounds = array<i64: 2, 16>, scalar_prefetch = 0 : i64, scratch_operands = 17 : i64, tpu.core_type = #tpu.core_type<sc_vector_subcore>, window_params = [{transform_indices = #map}, {transform_indices = #map1}, {transform_indices = #map}, {transform_indices = #map2}]} {
    %mul3A = arith.constant 16 : i32
    %mul3A_0 = arith.muli %arg0, %mul3A : i32
    %add3A = arith.addi %mul3A_0, %arg1 : i32
    %mul3A_1 = arith.constant 640 : i32
    %mul3A_2 = arith.muli %arg1, %mul3A_1 : i32
    %lt3A = arith.constant 15 : i32
    %lt3A_3 = arith.cmpi slt, %arg1, %lt3A : i32
    %convert_element_type3A = arith.extui %lt3A_3 : i1 to i32
    %cond3A = arith.constant 0 : i32
    %cond3A_4 = arith.cmpi ne, %convert_element_type3A, %cond3A : i32
    scf.if %cond3A_4 {
      %dma_start3A_156 = arith.constant 0 : i32
      %dma_start3A_157 = tpu.memref_slice %arg16[%mul3A_2, %dma_start3A_156] : memref<10000x128xf32, #tpu.memory_space<vmem_shared>> -> memref<640x128xf32, #tpu.memory_space<vmem_shared>>
      %dma_start3A_158 = arith.constant 0 : i32
      %dma_start3A_159 = tpu.memref_slice %arg4[%mul3A_2, %dma_start3A_158] : memref<10000x128xf32, #tpu.memory_space<hbm>> -> memref<640x128xf32, #tpu.memory_space<hbm>>
      tpu.enqueue_dma source(%dma_start3A_159 : memref<640x128xf32, #tpu.memory_space<hbm>>) target(%dma_start3A_157 : memref<640x128xf32, #tpu.memory_space<vmem_shared>>) target_semaphore(%arg21 : memref<!tpu.dma_semaphore, #tpu.memory_space<semaphore_mem>>)
    } else {
    }
    %eq3A = arith.constant 15 : i32
    %eq3A_5 = arith.cmpi eq, %arg1, %eq3A : i32
    %convert_element_type3A_6 = arith.extui %eq3A_5 : i1 to i32
    %cond3A_7 = arith.constant 0 : i32
    %cond3A_8 = arith.cmpi ne, %convert_element_type3A_6, %cond3A_7 : i32
    scf.if %cond3A_8 {
      %dma_start3A_156 = arith.constant 9600 : i32
      %dma_start3A_157 = arith.constant 0 : i32
      %dma_start3A_158 = tpu.memref_slice %arg16[%dma_start3A_156, %dma_start3A_157] : memref<10000x128xf32, #tpu.memory_space<vmem_shared>> -> memref<400x128xf32, #tpu.memory_space<vmem_shared>>
      %dma_start3A_159 = arith.constant 9600 : i32
      %dma_start3A_160 = arith.constant 0 : i32
      %dma_start3A_161 = tpu.memref_slice %arg4[%dma_start3A_159, %dma_start3A_160] : memref<10000x128xf32, #tpu.memory_space<hbm>> -> memref<400x128xf32, #tpu.memory_space<hbm>>
      tpu.enqueue_dma source(%dma_start3A_161 : memref<400x128xf32, #tpu.memory_space<hbm>>) target(%dma_start3A_158 : memref<400x128xf32, #tpu.memory_space<vmem_shared>>) target_semaphore(%arg21 : memref<!tpu.dma_semaphore, #tpu.memory_space<semaphore_mem>>)
    } else {
    }
    %mul3A_9 = arith.constant 10000 : i32
    %mul3A_10 = arith.muli %add3A, %mul3A_9 : i32
    %add3A_11 = arith.constant 320000 : i32
    %add3A_12 = arith.addi %add3A_11, %mul3A_10 : i32
    %add3A_13 = arith.constant 9968 : i32
    %add3A_14 = arith.addi %mul3A_10, %add3A_13 : i32
    %dma_start3A = arith.constant 0 : i32
    %dma_start3A_15 = tpu.memref_slice %arg3[%add3A_14] : memref<640000xi32, #tpu.memory_space<hbm>> -> memref<32xi32, #tpu.memory_space<hbm>>
    %dma_start3A_16 = tpu.memref_slice %arg20[%dma_start3A] : memref<2x!tpu.dma_semaphore, #tpu.memory_space<semaphore_mem>> -> memref<1x!tpu.dma_semaphore, #tpu.memory_space<semaphore_mem>>
    %dma_start3A_17 = tpu.memref_squeeze %dma_start3A_16 : memref<1x!tpu.dma_semaphore, #tpu.memory_space<semaphore_mem>> -> memref<!tpu.dma_semaphore, #tpu.memory_space<semaphore_mem>>
    %dma_start3A_18 = tpu.memref_slice %arg3[%add3A_14] : memref<640000xi32, #tpu.memory_space<hbm>> -> memref<32xi32, #tpu.memory_space<hbm>>
    tpu.enqueue_dma source(%dma_start3A_18 : memref<32xi32, #tpu.memory_space<hbm>>) target(%arg12 : memref<32xi32, #tpu.memory_space<vmem>>) target_semaphore(%dma_start3A_17 : memref<!tpu.dma_semaphore, #tpu.memory_space<semaphore_mem>>)
    %add3A_19 = arith.constant 9968 : i32
    %add3A_20 = arith.addi %add3A_12, %add3A_19 : i32
    %dma_start3A_21 = arith.constant 1 : i32
    %dma_start3A_22 = tpu.memref_slice %arg3[%add3A_20] : memref<640000xi32, #tpu.memory_space<hbm>> -> memref<32xi32, #tpu.memory_space<hbm>>
    %dma_start3A_23 = tpu.memref_slice %arg20[%dma_start3A_21] : memref<2x!tpu.dma_semaphore, #tpu.memory_space<semaphore_mem>> -> memref<1x!tpu.dma_semaphore, #tpu.memory_space<semaphore_mem>>
    %dma_start3A_24 = tpu.memref_squeeze %dma_start3A_23 : memref<1x!tpu.dma_semaphore, #tpu.memory_space<semaphore_mem>> -> memref<!tpu.dma_semaphore, #tpu.memory_space<semaphore_mem>>
    %dma_start3A_25 = tpu.memref_slice %arg3[%add3A_20] : memref<640000xi32, #tpu.memory_space<hbm>> -> memref<32xi32, #tpu.memory_space<hbm>>
    tpu.enqueue_dma source(%dma_start3A_25 : memref<32xi32, #tpu.memory_space<hbm>>) target(%arg14 : memref<32xi32, #tpu.memory_space<vmem>>) target_semaphore(%dma_start3A_24 : memref<!tpu.dma_semaphore, #tpu.memory_space<semaphore_mem>>)
    %add3A_26 = arith.constant 0 : i32
    %add3A_27 = arith.addi %mul3A_10, %add3A_26 : i32
    %dma_start3A_28 = arith.constant 0 : i32
    %dma_start3A_29 = tpu.memref_slice %arg3[%add3A_27] : memref<640000xi32, #tpu.memory_space<hbm>> -> memref<112xi32, #tpu.memory_space<hbm>>
    %dma_start3A_30 = tpu.memref_slice %arg22[%dma_start3A_28] : memref<3x!tpu.dma_semaphore, #tpu.memory_space<semaphore_mem>> -> memref<1x!tpu.dma_semaphore, #tpu.memory_space<semaphore_mem>>
    %dma_start3A_31 = tpu.memref_squeeze %dma_start3A_30 : memref<1x!tpu.dma_semaphore, #tpu.memory_space<semaphore_mem>> -> memref<!tpu.dma_semaphore, #tpu.memory_space<semaphore_mem>>
    %dma_start3A_32 = tpu.memref_slice %arg3[%add3A_27] : memref<640000xi32, #tpu.memory_space<hbm>> -> memref<112xi32, #tpu.memory_space<hbm>>
    tpu.enqueue_dma source(%dma_start3A_32 : memref<112xi32, #tpu.memory_space<hbm>>) target(%arg6 : memref<112xi32, #tpu.memory_space<vmem>>) target_semaphore(%dma_start3A_31 : memref<!tpu.dma_semaphore, #tpu.memory_space<semaphore_mem>>)
    %add3A_33 = arith.constant 0 : i32
    %add3A_34 = arith.addi %add3A_12, %add3A_33 : i32
    %dma_start3A_35 = arith.constant 0 : i32
    %dma_start3A_36 = tpu.memref_slice %arg3[%add3A_34] : memref<640000xi32, #tpu.memory_space<hbm>> -> memref<112xi32, #tpu.memory_space<hbm>>
    %dma_start3A_37 = tpu.memref_slice %arg18[%dma_start3A_35] : memref<3x!tpu.dma_semaphore, #tpu.memory_space<semaphore_mem>> -> memref<1x!tpu.dma_semaphore, #tpu.memory_space<semaphore_mem>>
    %dma_start3A_38 = tpu.memref_squeeze %dma_start3A_37 : memref<1x!tpu.dma_semaphore, #tpu.memory_space<semaphore_mem>> -> memref<!tpu.dma_semaphore, #tpu.memory_space<semaphore_mem>>
    %dma_start3A_39 = tpu.memref_slice %arg3[%add3A_34] : memref<640000xi32, #tpu.memory_space<hbm>> -> memref<112xi32, #tpu.memory_space<hbm>>
    tpu.enqueue_dma source(%dma_start3A_39 : memref<112xi32, #tpu.memory_space<hbm>>) target(%arg9 : memref<112xi32, #tpu.memory_space<vmem>>) target_semaphore(%dma_start3A_38 : memref<!tpu.dma_semaphore, #tpu.memory_space<semaphore_mem>>)
    %add3A_40 = arith.constant 112 : i32
    %add3A_41 = arith.addi %mul3A_10, %add3A_40 : i32
    %dma_start3A_42 = arith.constant 1 : i32
    %dma_start3A_43 = tpu.memref_slice %arg3[%add3A_41] : memref<640000xi32, #tpu.memory_space<hbm>> -> memref<112xi32, #tpu.memory_space<hbm>>
    %dma_start3A_44 = tpu.memref_slice %arg22[%dma_start3A_42] : memref<3x!tpu.dma_semaphore, #tpu.memory_space<semaphore_mem>> -> memref<1x!tpu.dma_semaphore, #tpu.memory_space<semaphore_mem>>
    %dma_start3A_45 = tpu.memref_squeeze %dma_start3A_44 : memref<1x!tpu.dma_semaphore, #tpu.memory_space<semaphore_mem>> -> memref<!tpu.dma_semaphore, #tpu.memory_space<semaphore_mem>>
    %dma_start3A_46 = tpu.memref_slice %arg3[%add3A_41] : memref<640000xi32, #tpu.memory_space<hbm>> -> memref<112xi32, #tpu.memory_space<hbm>>
    tpu.enqueue_dma source(%dma_start3A_46 : memref<112xi32, #tpu.memory_space<hbm>>) target(%arg7 : memref<112xi32, #tpu.memory_space<vmem>>) target_semaphore(%dma_start3A_45 : memref<!tpu.dma_semaphore, #tpu.memory_space<semaphore_mem>>)
    %add3A_47 = arith.constant 112 : i32
    %add3A_48 = arith.addi %add3A_12, %add3A_47 : i32
    %dma_start3A_49 = arith.constant 1 : i32
    %dma_start3A_50 = tpu.memref_slice %arg3[%add3A_48] : memref<640000xi32, #tpu.memory_space<hbm>> -> memref<112xi32, #tpu.memory_space<hbm>>
    %dma_start3A_51 = tpu.memref_slice %arg18[%dma_start3A_49] : memref<3x!tpu.dma_semaphore, #tpu.memory_space<semaphore_mem>> -> memref<1x!tpu.dma_semaphore, #tpu.memory_space<semaphore_mem>>
    %dma_start3A_52 = tpu.memref_squeeze %dma_start3A_51 : memref<1x!tpu.dma_semaphore, #tpu.memory_space<semaphore_mem>> -> memref<!tpu.dma_semaphore, #tpu.memory_space<semaphore_mem>>
    %dma_start3A_53 = tpu.memref_slice %arg3[%add3A_48] : memref<640000xi32, #tpu.memory_space<hbm>> -> memref<112xi32, #tpu.memory_space<hbm>>
    tpu.enqueue_dma source(%dma_start3A_53 : memref<112xi32, #tpu.memory_space<hbm>>) target(%arg10 : memref<112xi32, #tpu.memory_space<vmem>>) target_semaphore(%dma_start3A_52 : memref<!tpu.dma_semaphore, #tpu.memory_space<semaphore_mem>>)
    %add3A_54 = arith.constant 0 : i32
    %add3A_55 = arith.addi %mul3A_10, %add3A_54 : i32
    %dma_wait3A = arith.constant 0 : i32
    %dma_wait3A_56 = tpu.memref_slice %arg3[%add3A_55] : memref<640000xi32, #tpu.memory_space<hbm>> -> memref<112xi32, #tpu.memory_space<hbm>>
    %dma_wait3A_57 = tpu.memref_slice %arg22[%dma_wait3A] : memref<3x!tpu.dma_semaphore, #tpu.memory_space<semaphore_mem>> -> memref<1x!tpu.dma_semaphore, #tpu.memory_space<semaphore_mem>>
    %dma_wait3A_58 = tpu.memref_squeeze %dma_wait3A_57 : memref<1x!tpu.dma_semaphore, #tpu.memory_space<semaphore_mem>> -> memref<!tpu.dma_semaphore, #tpu.memory_space<semaphore_mem>>
    %dma_wait3A_59 = tpu.memref_slice %arg3[%add3A_55] : memref<640000xi32, #tpu.memory_space<hbm>> -> memref<112xi32, #tpu.memory_space<hbm>>
    tpu.wait_dma2 semaphore(%dma_wait3A_58 : memref<!tpu.dma_semaphore, #tpu.memory_space<semaphore_mem>>) src(%dma_wait3A_59 : memref<112xi32, #tpu.memory_space<hbm>>) dst(%arg6 : memref<112xi32, #tpu.memory_space<vmem>>)
    %dma_start3A_60 = arith.constant 0 : i32
    %dma_start3A_61 = arith.constant 0 : i32
    %dma_start3A_62 = arith.constant 0 : i32
    %dma_start3A_63 = arith.constant 0 : i32
    %dma_start3A_64 = tpu.memref_slice %arg13[%dma_start3A_60, %dma_start3A_62, %dma_start3A_63] : memref<3x112x128xf32, #tpu.memory_space<vmem>> -> memref<1x112x128xf32, #tpu.memory_space<vmem>>
    %dma_start3A_65 = tpu.memref_squeeze %dma_start3A_64 : memref<1x112x128xf32, #tpu.memory_space<vmem>> -> memref<112x128xf32, #tpu.memory_space<vmem>>
    %dma_start3A_66 = arith.constant 0 : i32
    %dma_start3A_67 = arith.constant 0 : i32
    %dma_start3A_68 = tpu.memref_slice %arg2[%dma_start3A_66, %dma_start3A_67] : memref<10000x128xf32, #tpu.memory_space<hbm>> -> memref<10000x128xf32, #tpu.memory_space<hbm>>
    %dma_start3A_69 = tpu.memref_slice %arg17[%dma_start3A_61] : memref<3x!tpu.dma_semaphore, #tpu.memory_space<semaphore_mem>> -> memref<1x!tpu.dma_semaphore, #tpu.memory_space<semaphore_mem>>
    %dma_start3A_70 = tpu.memref_squeeze %dma_start3A_69 : memref<1x!tpu.dma_semaphore, #tpu.memory_space<semaphore_mem>> -> memref<!tpu.dma_semaphore, #tpu.memory_space<semaphore_mem>>
    tpu.enqueue_indirect_dma source(%dma_start3A_68 : memref<10000x128xf32, #tpu.memory_space<hbm>>) target(%dma_start3A_65 : memref<112x128xf32, #tpu.memory_space<vmem>>) offsets(%arg6 : memref<112xi32, #tpu.memory_space<vmem>>) semaphore(%dma_start3A_70 : memref<!tpu.dma_semaphore, #tpu.memory_space<semaphore_mem>>)
    %lt3A_71 = arith.constant 15 : i32
    %lt3A_72 = arith.cmpi slt, %arg1, %lt3A_71 : i32
    %convert_element_type3A_73 = arith.extui %lt3A_72 : i1 to i32
    %cond3A_74 = arith.constant 0 : i32
    %cond3A_75 = arith.cmpi ne, %convert_element_type3A_73, %cond3A_74 : i32
    scf.if %cond3A_75 {
      %dma_wait3A_156 = arith.constant 0 : i32
      %dma_wait3A_157 = tpu.memref_slice %arg16[%mul3A_2, %dma_wait3A_156] : memref<10000x128xf32, #tpu.memory_space<vmem_shared>> -> memref<640x128xf32, #tpu.memory_space<vmem_shared>>
      %dma_wait3A_158 = arith.constant 0 : i32
      %dma_wait3A_159 = tpu.memref_slice %arg4[%mul3A_2, %dma_wait3A_158] : memref<10000x128xf32, #tpu.memory_space<hbm>> -> memref<640x128xf32, #tpu.memory_space<hbm>>
      tpu.wait_dma2 semaphore(%arg21 : memref<!tpu.dma_semaphore, #tpu.memory_space<semaphore_mem>>) src(%dma_wait3A_159 : memref<640x128xf32, #tpu.memory_space<hbm>>) dst(%dma_wait3A_157 : memref<640x128xf32, #tpu.memory_space<vmem_shared>>)
    } else {
    }
    %eq3A_76 = arith.constant 15 : i32
    %eq3A_77 = arith.cmpi eq, %arg1, %eq3A_76 : i32
    %convert_element_type3A_78 = arith.extui %eq3A_77 : i1 to i32
    %cond3A_79 = arith.constant 0 : i32
    %cond3A_80 = arith.cmpi ne, %convert_element_type3A_78, %cond3A_79 : i32
    scf.if %cond3A_80 {
      %dma_wait3A_156 = arith.constant 9600 : i32
      %dma_wait3A_157 = arith.constant 0 : i32
      %dma_wait3A_158 = tpu.memref_slice %arg16[%dma_wait3A_156, %dma_wait3A_157] : memref<10000x128xf32, #tpu.memory_space<vmem_shared>> -> memref<400x128xf32, #tpu.memory_space<vmem_shared>>
      %dma_wait3A_159 = arith.constant 9600 : i32
      %dma_wait3A_160 = arith.constant 0 : i32
      %dma_wait3A_161 = tpu.memref_slice %arg4[%dma_wait3A_159, %dma_wait3A_160] : memref<10000x128xf32, #tpu.memory_space<hbm>> -> memref<400x128xf32, #tpu.memory_space<hbm>>
      tpu.wait_dma2 semaphore(%arg21 : memref<!tpu.dma_semaphore, #tpu.memory_space<semaphore_mem>>) src(%dma_wait3A_161 : memref<400x128xf32, #tpu.memory_space<hbm>>) dst(%dma_wait3A_158 : memref<400x128xf32, #tpu.memory_space<vmem_shared>>)
    } else {
    }
    %barrier3A = arith.constant 0 : index
    tpu.barrier barrier_id(%barrier3A)
    %scan3A = arith.constant 0 : i32
    %scan3A_81 = arith.constant 89 : i32
    %scan3A_82 = arith.addi %scan3A, %scan3A_81 : i32
    %scan3A_83 = arith.constant 1 : i32
    scf.for %scan3A_156 = %scan3A to %scan3A_82 step %scan3A_83  : i32 {
      %rem3A = arith.constant 3 : i32
      %rem3A_157 = arith.remsi %scan3A_156, %rem3A : i32
      %eq3A_158 = arith.constant 0 : i32
      %eq3A_159 = arith.cmpi eq, %rem3A_157, %eq3A_158 : i32
      %convert_element_type3A_160 = arith.extui %eq3A_159 : i1 to i32
      %cond3A_161 = arith.constant 0 : i32
      %cond3A_162 = arith.cmpi ne, %convert_element_type3A_160, %cond3A_161 : i32
      scf.if %cond3A_162 {
        %ge3A = arith.constant 2 : i32
        %ge3A_177 = arith.cmpi sge, %scan3A_156, %ge3A : i32
        %convert_element_type3A_178 = arith.extui %ge3A_177 : i1 to i32
        %cond3A_179 = arith.constant 0 : i32
        %cond3A_180 = arith.cmpi ne, %convert_element_type3A_178, %cond3A_179 : i32
        scf.if %cond3A_180 {
          %dma_wait3A_225 = arith.constant 1 : i32
          %dma_wait3A_226 = arith.constant 1 : i32
          %dma_wait3A_227 = arith.constant 0 : i32
          %dma_wait3A_228 = arith.constant 0 : i32
          %dma_wait3A_229 = tpu.memref_slice %arg13[%dma_wait3A_225, %dma_wait3A_227, %dma_wait3A_228] : memref<3x112x128xf32, #tpu.memory_space<vmem>> -> memref<1x112x128xf32, #tpu.memory_space<vmem>>
          %dma_wait3A_230 = tpu.memref_squeeze %dma_wait3A_229 : memref<1x112x128xf32, #tpu.memory_space<vmem>> -> memref<112x128xf32, #tpu.memory_space<vmem>>
          %dma_wait3A_231 = arith.constant 0 : i32
          %dma_wait3A_232 = arith.constant 0 : i32
          %dma_wait3A_233 = tpu.memref_slice %arg16[%dma_wait3A_231, %dma_wait3A_232] : memref<10000x128xf32, #tpu.memory_space<vmem_shared>> -> memref<10000x128xf32, #tpu.memory_space<vmem_shared>>
          %dma_wait3A_234 = tpu.memref_slice %arg19[%dma_wait3A_226] : memref<3x!tpu.dma_semaphore, #tpu.memory_space<semaphore_mem>> -> memref<1x!tpu.dma_semaphore, #tpu.memory_space<semaphore_mem>>
          %dma_wait3A_235 = tpu.memref_squeeze %dma_wait3A_234 : memref<1x!tpu.dma_semaphore, #tpu.memory_space<semaphore_mem>> -> memref<!tpu.dma_semaphore, #tpu.memory_space<semaphore_mem>>
          tpu.wait_indirect_dma semaphore(%dma_wait3A_235 : memref<!tpu.dma_semaphore, #tpu.memory_space<semaphore_mem>>) src(%dma_wait3A_230 : memref<112x128xf32, #tpu.memory_space<vmem>>) dst(%dma_wait3A_233 : memref<10000x128xf32, #tpu.memory_space<vmem_shared>>)
        } else {
        }
        %add3A_181 = arith.constant 2 : i32
        %add3A_182 = arith.addi %scan3A_156, %add3A_181 : i32
        %lt3A_183 = arith.constant 89 : i32
        %lt3A_184 = arith.cmpi slt, %add3A_182, %lt3A_183 : i32
        %convert_element_type3A_185 = arith.extui %lt3A_184 : i1 to i32
        %cond3A_186 = arith.constant 0 : i32
        %cond3A_187 = arith.cmpi ne, %convert_element_type3A_185, %cond3A_186 : i32
        scf.if %cond3A_187 {
          %add3A_225 = arith.constant 2 : i32
          %add3A_226 = arith.addi %scan3A_156, %add3A_225 : i32
          %mul3A_227 = arith.constant 112 : i32
          %mul3A_228 = arith.muli %add3A_226, %mul3A_227 : i32
          %add3A_229 = arith.addi %mul3A_10, %mul3A_228 : i32
          %dma_start3A_230 = arith.constant 2 : i32
          %dma_start3A_231 = tpu.memref_slice %arg3[%add3A_229] : memref<640000xi32, #tpu.memory_space<hbm>> -> memref<112xi32, #tpu.memory_space<hbm>>
          %dma_start3A_232 = tpu.memref_slice %arg22[%dma_start3A_230] : memref<3x!tpu.dma_semaphore, #tpu.memory_space<semaphore_mem>> -> memref<1x!tpu.dma_semaphore, #tpu.memory_space<semaphore_mem>>
          %dma_start3A_233 = tpu.memref_squeeze %dma_start3A_232 : memref<1x!tpu.dma_semaphore, #tpu.memory_space<semaphore_mem>> -> memref<!tpu.dma_semaphore, #tpu.memory_space<semaphore_mem>>
          %dma_start3A_234 = tpu.memref_slice %arg3[%add3A_229] : memref<640000xi32, #tpu.memory_space<hbm>> -> memref<112xi32, #tpu.memory_space<hbm>>
          tpu.enqueue_dma source(%dma_start3A_234 : memref<112xi32, #tpu.memory_space<hbm>>) target(%arg8 : memref<112xi32, #tpu.memory_space<vmem>>) target_semaphore(%dma_start3A_233 : memref<!tpu.dma_semaphore, #tpu.memory_space<semaphore_mem>>)
          %mul3A_235 = arith.constant 112 : i32
          %mul3A_236 = arith.muli %add3A_226, %mul3A_235 : i32
          %add3A_237 = arith.addi %add3A_12, %mul3A_236 : i32
          %dma_start3A_238 = arith.constant 2 : i32
          %dma_start3A_239 = tpu.memref_slice %arg3[%add3A_237] : memref<640000xi32, #tpu.memory_space<hbm>> -> memref<112xi32, #tpu.memory_space<hbm>>
          %dma_start3A_240 = tpu.memref_slice %arg18[%dma_start3A_238] : memref<3x!tpu.dma_semaphore, #tpu.memory_space<semaphore_mem>> -> memref<1x!tpu.dma_semaphore, #tpu.memory_space<semaphore_mem>>
          %dma_start3A_241 = tpu.memref_squeeze %dma_start3A_240 : memref<1x!tpu.dma_semaphore, #tpu.memory_space<semaphore_mem>> -> memref<!tpu.dma_semaphore, #tpu.memory_space<semaphore_mem>>
          %dma_start3A_242 = tpu.memref_slice %arg3[%add3A_237] : memref<640000xi32, #tpu.memory_space<hbm>> -> memref<112xi32, #tpu.memory_space<hbm>>
          tpu.enqueue_dma source(%dma_start3A_242 : memref<112xi32, #tpu.memory_space<hbm>>) target(%arg11 : memref<112xi32, #tpu.memory_space<vmem>>) target_semaphore(%dma_start3A_241 : memref<!tpu.dma_semaphore, #tpu.memory_space<semaphore_mem>>)
        } else {
        }
        %add3A_188 = arith.constant 1 : i32
        %add3A_189 = arith.addi %scan3A_156, %add3A_188 : i32
        %lt3A_190 = arith.constant 89 : i32
        %lt3A_191 = arith.cmpi slt, %add3A_189, %lt3A_190 : i32
        %convert_element_type3A_192 = arith.extui %lt3A_191 : i1 to i32
        %cond3A_193 = arith.constant 0 : i32
        %cond3A_194 = arith.cmpi ne, %convert_element_type3A_192, %cond3A_193 : i32
        scf.if %cond3A_194 {
          %add3A_225 = arith.constant 1 : i32
          %add3A_226 = arith.addi %scan3A_156, %add3A_225 : i32
          %mul3A_227 = arith.constant 112 : i32
          %mul3A_228 = arith.muli %add3A_226, %mul3A_227 : i32
          %add3A_229 = arith.addi %mul3A_10, %mul3A_228 : i32
          %dma_wait3A_230 = arith.constant 1 : i32
          %dma_wait3A_231 = tpu.memref_slice %arg3[%add3A_229] : memref<640000xi32, #tpu.memory_space<hbm>> -> memref<112xi32, #tpu.memory_space<hbm>>
          %dma_wait3A_232 = tpu.memref_slice %arg22[%dma_wait3A_230] : memref<3x!tpu.dma_semaphore, #tpu.memory_space<semaphore_mem>> -> memref<1x!tpu.dma_semaphore, #tpu.memory_space<semaphore_mem>>
          %dma_wait3A_233 = tpu.memref_squeeze %dma_wait3A_232 : memref<1x!tpu.dma_semaphore, #tpu.memory_space<semaphore_mem>> -> memref<!tpu.dma_semaphore, #tpu.memory_space<semaphore_mem>>
          %dma_wait3A_234 = tpu.memref_slice %arg3[%add3A_229] : memref<640000xi32, #tpu.memory_space<hbm>> -> memref<112xi32, #tpu.memory_space<hbm>>
          tpu.wait_dma2 semaphore(%dma_wait3A_233 : memref<!tpu.dma_semaphore, #tpu.memory_space<semaphore_mem>>) src(%dma_wait3A_234 : memref<112xi32, #tpu.memory_space<hbm>>) dst(%arg7 : memref<112xi32, #tpu.memory_space<vmem>>)
          %dma_start3A_235 = arith.constant 1 : i32
          %dma_start3A_236 = arith.constant 1 : i32
          %dma_start3A_237 = arith.constant 0 : i32
          %dma_start3A_238 = arith.constant 0 : i32
          %dma_start3A_239 = tpu.memref_slice %arg13[%dma_start3A_235, %dma_start3A_237, %dma_start3A_238] : memref<3x112x128xf32, #tpu.memory_space<vmem>> -> memref<1x112x128xf32, #tpu.memory_space<vmem>>
          %dma_start3A_240 = tpu.memref_squeeze %dma_start3A_239 : memref<1x112x128xf32, #tpu.memory_space<vmem>> -> memref<112x128xf32, #tpu.memory_space<vmem>>
          %dma_start3A_241 = arith.constant 0 : i32
          %dma_start3A_242 = arith.constant 0 : i32
          %dma_start3A_243 = tpu.memref_slice %arg2[%dma_start3A_241, %dma_start3A_242] : memref<10000x128xf32, #tpu.memory_space<hbm>> -> memref<10000x128xf32, #tpu.memory_space<hbm>>
          %dma_start3A_244 = tpu.memref_slice %arg17[%dma_start3A_236] : memref<3x!tpu.dma_semaphore, #tpu.memory_space<semaphore_mem>> -> memref<1x!tpu.dma_semaphore, #tpu.memory_space<semaphore_mem>>
          %dma_start3A_245 = tpu.memref_squeeze %dma_start3A_244 : memref<1x!tpu.dma_semaphore, #tpu.memory_space<semaphore_mem>> -> memref<!tpu.dma_semaphore, #tpu.memory_space<semaphore_mem>>
          tpu.enqueue_indirect_dma source(%dma_start3A_243 : memref<10000x128xf32, #tpu.memory_space<hbm>>) target(%dma_start3A_240 : memref<112x128xf32, #tpu.memory_space<vmem>>) offsets(%arg7 : memref<112xi32, #tpu.memory_space<vmem>>) semaphore(%dma_start3A_245 : memref<!tpu.dma_semaphore, #tpu.memory_space<semaphore_mem>>)
        } else {
        }
        %dma_wait3A_195 = arith.constant 0 : i32
        %dma_wait3A_196 = arith.constant 0 : i32
        %dma_wait3A_197 = arith.constant 0 : i32
        %dma_wait3A_198 = arith.constant 0 : i32
        %dma_wait3A_199 = tpu.memref_slice %arg13[%dma_wait3A_195, %dma_wait3A_197, %dma_wait3A_198] : memref<3x112x128xf32, #tpu.memory_space<vmem>> -> memref<1x112x128xf32, #tpu.memory_space<vmem>>
        %dma_wait3A_200 = tpu.memref_squeeze %dma_wait3A_199 : memref<1x112x128xf32, #tpu.memory_space<vmem>> -> memref<112x128xf32, #tpu.memory_space<vmem>>
        %dma_wait3A_201 = arith.constant 0 : i32
        %dma_wait3A_202 = arith.constant 0 : i32
        %dma_wait3A_203 = tpu.memref_slice %arg2[%dma_wait3A_201, %dma_wait3A_202] : memref<10000x128xf32, #tpu.memory_space<hbm>> -> memref<10000x128xf32, #tpu.memory_space<hbm>>
        %dma_wait3A_204 = tpu.memref_slice %arg17[%dma_wait3A_196] : memref<3x!tpu.dma_semaphore, #tpu.memory_space<semaphore_mem>> -> memref<1x!tpu.dma_semaphore, #tpu.memory_space<semaphore_mem>>
        %dma_wait3A_205 = tpu.memref_squeeze %dma_wait3A_204 : memref<1x!tpu.dma_semaphore, #tpu.memory_space<semaphore_mem>> -> memref<!tpu.dma_semaphore, #tpu.memory_space<semaphore_mem>>
        tpu.wait_indirect_dma semaphore(%dma_wait3A_205 : memref<!tpu.dma_semaphore, #tpu.memory_space<semaphore_mem>>) src(%dma_wait3A_203 : memref<10000x128xf32, #tpu.memory_space<hbm>>) dst(%dma_wait3A_200 : memref<112x128xf32, #tpu.memory_space<vmem>>)
        %mul3A_206 = arith.constant 112 : i32
        %mul3A_207 = arith.muli %scan3A_156, %mul3A_206 : i32
        %add3A_208 = arith.addi %add3A_12, %mul3A_207 : i32
        %dma_wait3A_209 = arith.constant 0 : i32
        %dma_wait3A_210 = tpu.memref_slice %arg3[%add3A_208] : memref<640000xi32, #tpu.memory_space<hbm>> -> memref<112xi32, #tpu.memory_space<hbm>>
        %dma_wait3A_211 = tpu.memref_slice %arg18[%dma_wait3A_209] : memref<3x!tpu.dma_semaphore, #tpu.memory_space<semaphore_mem>> -> memref<1x!tpu.dma_semaphore, #tpu.memory_space<semaphore_mem>>
        %dma_wait3A_212 = tpu.memref_squeeze %dma_wait3A_211 : memref<1x!tpu.dma_semaphore, #tpu.memory_space<semaphore_mem>> -> memref<!tpu.dma_semaphore, #tpu.memory_space<semaphore_mem>>
        %dma_wait3A_213 = tpu.memref_slice %arg3[%add3A_208] : memref<640000xi32, #tpu.memory_space<hbm>> -> memref<112xi32, #tpu.memory_space<hbm>>
        tpu.wait_dma2 semaphore(%dma_wait3A_212 : memref<!tpu.dma_semaphore, #tpu.memory_space<semaphore_mem>>) src(%dma_wait3A_213 : memref<112xi32, #tpu.memory_space<hbm>>) dst(%arg9 : memref<112xi32, #tpu.memory_space<vmem>>)
        %dma_start3A_214 = arith.constant 0 : i32
        %dma_start3A_215 = arith.constant 0 : i32
        %dma_start3A_216 = arith.constant 0 : i32
        %dma_start3A_217 = arith.constant 0 : i32
        %dma_start3A_218 = tpu.memref_slice %arg13[%dma_start3A_214, %dma_start3A_216, %dma_start3A_217] : memref<3x112x128xf32, #tpu.memory_space<vmem>> -> memref<1x112x128xf32, #tpu.memory_space<vmem>>
        %dma_start3A_219 = tpu.memref_squeeze %dma_start3A_218 : memref<1x112x128xf32, #tpu.memory_space<vmem>> -> memref<112x128xf32, #tpu.memory_space<vmem>>
        %dma_start3A_220 = arith.constant 0 : i32
        %dma_start3A_221 = arith.constant 0 : i32
        %dma_start3A_222 = tpu.memref_slice %arg16[%dma_start3A_220, %dma_start3A_221] : memref<10000x128xf32, #tpu.memory_space<vmem_shared>> -> memref<10000x128xf32, #tpu.memory_space<vmem_shared>>
        %dma_start3A_223 = tpu.memref_slice %arg19[%dma_start3A_215] : memref<3x!tpu.dma_semaphore, #tpu.memory_space<semaphore_mem>> -> memref<1x!tpu.dma_semaphore, #tpu.memory_space<semaphore_mem>>
        %dma_start3A_224 = tpu.memref_squeeze %dma_start3A_223 : memref<1x!tpu.dma_semaphore, #tpu.memory_space<semaphore_mem>> -> memref<!tpu.dma_semaphore, #tpu.memory_space<semaphore_mem>>
        tpu.enqueue_indirect_dma source(%dma_start3A_219 : memref<112x128xf32, #tpu.memory_space<vmem>>) target(%dma_start3A_222 : memref<10000x128xf32, #tpu.memory_space<vmem_shared>>) offsets(%arg9 : memref<112xi32, #tpu.memory_space<vmem>>) semaphore(%dma_start3A_224 : memref<!tpu.dma_semaphore, #tpu.memory_space<semaphore_mem>>) {add = true}
      } else {
      }
      %rem3A_163 = arith.constant 3 : i32
      %rem3A_164 = arith.remsi %scan3A_156, %rem3A_163 : i32
      %eq3A_165 = arith.constant 1 : i32
      %eq3A_166 = arith.cmpi eq, %rem3A_164, %eq3A_165 : i32
      %convert_element_type3A_167 = arith.extui %eq3A_166 : i1 to i32
      %cond3A_168 = arith.constant 0 : i32
      %cond3A_169 = arith.cmpi ne, %convert_element_type3A_167, %cond3A_168 : i32
      scf.if %cond3A_169 {
        %ge3A = arith.constant 2 : i32
        %ge3A_177 = arith.cmpi sge, %scan3A_156, %ge3A : i32
        %convert_element_type3A_178 = arith.extui %ge3A_177 : i1 to i32
        %cond3A_179 = arith.constant 0 : i32
        %cond3A_180 = arith.cmpi ne, %convert_element_type3A_178, %cond3A_179 : i32
        scf.if %cond3A_180 {
          %dma_wait3A_225 = arith.constant 2 : i32
          %dma_wait3A_226 = arith.constant 2 : i32
          %dma_wait3A_227 = arith.constant 0 : i32
          %dma_wait3A_228 = arith.constant 0 : i32
          %dma_wait3A_229 = tpu.memref_slice %arg13[%dma_wait3A_225, %dma_wait3A_227, %dma_wait3A_228] : memref<3x112x128xf32, #tpu.memory_space<vmem>> -> memref<1x112x128xf32, #tpu.memory_space<vmem>>
          %dma_wait3A_230 = tpu.memref_squeeze %dma_wait3A_229 : memref<1x112x128xf32, #tpu.memory_space<vmem>> -> memref<112x128xf32, #tpu.memory_space<vmem>>
          %dma_wait3A_231 = arith.constant 0 : i32
          %dma_wait3A_232 = arith.constant 0 : i32
          %dma_wait3A_233 = tpu.memref_slice %arg16[%dma_wait3A_231, %dma_wait3A_232] : memref<10000x128xf32, #tpu.memory_space<vmem_shared>> -> memref<10000x128xf32, #tpu.memory_space<vmem_shared>>
          %dma_wait3A_234 = tpu.memref_slice %arg19[%dma_wait3A_226] : memref<3x!tpu.dma_semaphore, #tpu.memory_space<semaphore_mem>> -> memref<1x!tpu.dma_semaphore, #tpu.memory_space<semaphore_mem>>
          %dma_wait3A_235 = tpu.memref_squeeze %dma_wait3A_234 : memref<1x!tpu.dma_semaphore, #tpu.memory_space<semaphore_mem>> -> memref<!tpu.dma_semaphore, #tpu.memory_space<semaphore_mem>>
          tpu.wait_indirect_dma semaphore(%dma_wait3A_235 : memref<!tpu.dma_semaphore, #tpu.memory_space<semaphore_mem>>) src(%dma_wait3A_230 : memref<112x128xf32, #tpu.memory_space<vmem>>) dst(%dma_wait3A_233 : memref<10000x128xf32, #tpu.memory_space<vmem_shared>>)
        } else {
        }
        %add3A_181 = arith.constant 2 : i32
        %add3A_182 = arith.addi %scan3A_156, %add3A_181 : i32
        %lt3A_183 = arith.constant 89 : i32
        %lt3A_184 = arith.cmpi slt, %add3A_182, %lt3A_183 : i32
        %convert_element_type3A_185 = arith.extui %lt3A_184 : i1 to i32
        %cond3A_186 = arith.constant 0 : i32
        %cond3A_187 = arith.cmpi ne, %convert_element_type3A_185, %cond3A_186 : i32
        scf.if %cond3A_187 {
          %add3A_225 = arith.constant 2 : i32
          %add3A_226 = arith.addi %scan3A_156, %add3A_225 : i32
          %mul3A_227 = arith.constant 112 : i32
          %mul3A_228 = arith.muli %add3A_226, %mul3A_227 : i32
          %add3A_229 = arith.addi %mul3A_10, %mul3A_228 : i32
          %dma_start3A_230 = arith.constant 0 : i32
          %dma_start3A_231 = tpu.memref_slice %arg3[%add3A_229] : memref<640000xi32, #tpu.memory_space<hbm>> -> memref<112xi32, #tpu.memory_space<hbm>>
          %dma_start3A_232 = tpu.memref_slice %arg22[%dma_start3A_230] : memref<3x!tpu.dma_semaphore, #tpu.memory_space<semaphore_mem>> -> memref<1x!tpu.dma_semaphore, #tpu.memory_space<semaphore_mem>>
          %dma_start3A_233 = tpu.memref_squeeze %dma_start3A_232 : memref<1x!tpu.dma_semaphore, #tpu.memory_space<semaphore_mem>> -> memref<!tpu.dma_semaphore, #tpu.memory_space<semaphore_mem>>
          %dma_start3A_234 = tpu.memref_slice %arg3[%add3A_229] : memref<640000xi32, #tpu.memory_space<hbm>> -> memref<112xi32, #tpu.memory_space<hbm>>
          tpu.enqueue_dma source(%dma_start3A_234 : memref<112xi32, #tpu.memory_space<hbm>>) target(%arg6 : memref<112xi32, #tpu.memory_space<vmem>>) target_semaphore(%dma_start3A_233 : memref<!tpu.dma_semaphore, #tpu.memory_space<semaphore_mem>>)
          %mul3A_235 = arith.constant 112 : i32
          %mul3A_236 = arith.muli %add3A_226, %mul3A_235 : i32
          %add3A_237 = arith.addi %add3A_12, %mul3A_236 : i32
          %dma_start3A_238 = arith.constant 0 : i32
          %dma_start3A_239 = tpu.memref_slice %arg3[%add3A_237] : memref<640000xi32, #tpu.memory_space<hbm>> -> memref<112xi32, #tpu.memory_space<hbm>>
          %dma_start3A_240 = tpu.memref_slice %arg18[%dma_start3A_238] : memref<3x!tpu.dma_semaphore, #tpu.memory_space<semaphore_mem>> -> memref<1x!tpu.dma_semaphore, #tpu.memory_space<semaphore_mem>>
          %dma_start3A_241 = tpu.memref_squeeze %dma_start3A_240 : memref<1x!tpu.dma_semaphore, #tpu.memory_space<semaphore_mem>> -> memref<!tpu.dma_semaphore, #tpu.memory_space<semaphore_mem>>
          %dma_start3A_242 = tpu.memref_slice %arg3[%add3A_237] : memref<640000xi32, #tpu.memory_space<hbm>> -> memref<112xi32, #tpu.memory_space<hbm>>
          tpu.enqueue_dma source(%dma_start3A_242 : memref<112xi32, #tpu.memory_space<hbm>>) target(%arg9 : memref<112xi32, #tpu.memory_space<vmem>>) target_semaphore(%dma_start3A_241 : memref<!tpu.dma_semaphore, #tpu.memory_space<semaphore_mem>>)
        } else {
        }
        %add3A_188 = arith.constant 1 : i32
        %add3A_189 = arith.addi %scan3A_156, %add3A_188 : i32
        %lt3A_190 = arith.constant 89 : i32
        %lt3A_191 = arith.cmpi slt, %add3A_189, %lt3A_190 : i32
        %convert_element_type3A_192 = arith.extui %lt3A_191 : i1 to i32
        %cond3A_193 = arith.constant 0 : i32
        %cond3A_194 = arith.cmpi ne, %convert_element_type3A_192, %cond3A_193 : i32
        scf.if %cond3A_194 {
          %add3A_225 = arith.constant 1 : i32
          %add3A_226 = arith.addi %scan3A_156, %add3A_225 : i32
          %mul3A_227 = arith.constant 112 : i32
          %mul3A_228 = arith.muli %add3A_226, %mul3A_227 : i32
          %add3A_229 = arith.addi %mul3A_10, %mul3A_228 : i32
          %dma_wait3A_230 = arith.constant 2 : i32
          %dma_wait3A_231 = tpu.memref_slice %arg3[%add3A_229] : memref<640000xi32, #tpu.memory_space<hbm>> -> memref<112xi32, #tpu.memory_space<hbm>>
          %dma_wait3A_232 = tpu.memref_slice %arg22[%dma_wait3A_230] : memref<3x!tpu.dma_semaphore, #tpu.memory_space<semaphore_mem>> -> memref<1x!tpu.dma_semaphore, #tpu.memory_space<semaphore_mem>>
          %dma_wait3A_233 = tpu.memref_squeeze %dma_wait3A_232 : memref<1x!tpu.dma_semaphore, #tpu.memory_space<semaphore_mem>> -> memref<!tpu.dma_semaphore, #tpu.memory_space<semaphore_mem>>
          %dma_wait3A_234 = tpu.memref_slice %arg3[%add3A_229] : memref<640000xi32, #tpu.memory_space<hbm>> -> memref<112xi32, #tpu.memory_space<hbm>>
          tpu.wait_dma2 semaphore(%dma_wait3A_233 : memref<!tpu.dma_semaphore, #tpu.memory_space<semaphore_mem>>) src(%dma_wait3A_234 : memref<112xi32, #tpu.memory_space<hbm>>) dst(%arg8 : memref<112xi32, #tpu.memory_space<vmem>>)
          %dma_start3A_235 = arith.constant 2 : i32
          %dma_start3A_236 = arith.constant 2 : i32
          %dma_start3A_237 = arith.constant 0 : i32
          %dma_start3A_238 = arith.constant 0 : i32
          %dma_start3A_239 = tpu.memref_slice %arg13[%dma_start3A_235, %dma_start3A_237, %dma_start3A_238] : memref<3x112x128xf32, #tpu.memory_space<vmem>> -> memref<1x112x128xf32, #tpu.memory_space<vmem>>
          %dma_start3A_240 = tpu.memref_squeeze %dma_start3A_239 : memref<1x112x128xf32, #tpu.memory_space<vmem>> -> memref<112x128xf32, #tpu.memory_space<vmem>>
          %dma_start3A_241 = arith.constant 0 : i32
          %dma_start3A_242 = arith.constant 0 : i32
          %dma_start3A_243 = tpu.memref_slice %arg2[%dma_start3A_241, %dma_start3A_242] : memref<10000x128xf32, #tpu.memory_space<hbm>> -> memref<10000x128xf32, #tpu.memory_space<hbm>>
          %dma_start3A_244 = tpu.memref_slice %arg17[%dma_start3A_236] : memref<3x!tpu.dma_semaphore, #tpu.memory_space<semaphore_mem>> -> memref<1x!tpu.dma_semaphore, #tpu.memory_space<semaphore_mem>>
          %dma_start3A_245 = tpu.memref_squeeze %dma_start3A_244 : memref<1x!tpu.dma_semaphore, #tpu.memory_space<semaphore_mem>> -> memref<!tpu.dma_semaphore, #tpu.memory_space<semaphore_mem>>
          tpu.enqueue_indirect_dma source(%dma_start3A_243 : memref<10000x128xf32, #tpu.memory_space<hbm>>) target(%dma_start3A_240 : memref<112x128xf32, #tpu.memory_space<vmem>>) offsets(%arg8 : memref<112xi32, #tpu.memory_space<vmem>>) semaphore(%dma_start3A_245 : memref<!tpu.dma_semaphore, #tpu.memory_space<semaphore_mem>>)
        } else {
        }
        %dma_wait3A_195 = arith.constant 1 : i32
        %dma_wait3A_196 = arith.constant 1 : i32
        %dma_wait3A_197 = arith.constant 0 : i32
        %dma_wait3A_198 = arith.constant 0 : i32
        %dma_wait3A_199 = tpu.memref_slice %arg13[%dma_wait3A_195, %dma_wait3A_197, %dma_wait3A_198] : memref<3x112x128xf32, #tpu.memory_space<vmem>> -> memref<1x112x128xf32, #tpu.memory_space<vmem>>
        %dma_wait3A_200 = tpu.memref_squeeze %dma_wait3A_199 : memref<1x112x128xf32, #tpu.memory_space<vmem>> -> memref<112x128xf32, #tpu.memory_space<vmem>>
        %dma_wait3A_201 = arith.constant 0 : i32
        %dma_wait3A_202 = arith.constant 0 : i32
        %dma_wait3A_203 = tpu.memref_slice %arg2[%dma_wait3A_201, %dma_wait3A_202] : memref<10000x128xf32, #tpu.memory_space<hbm>> -> memref<10000x128xf32, #tpu.memory_space<hbm>>
        %dma_wait3A_204 = tpu.memref_slice %arg17[%dma_wait3A_196] : memref<3x!tpu.dma_semaphore, #tpu.memory_space<semaphore_mem>> -> memref<1x!tpu.dma_semaphore, #tpu.memory_space<semaphore_mem>>
        %dma_wait3A_205 = tpu.memref_squeeze %dma_wait3A_204 : memref<1x!tpu.dma_semaphore, #tpu.memory_space<semaphore_mem>> -> memref<!tpu.dma_semaphore, #tpu.memory_space<semaphore_mem>>
        tpu.wait_indirect_dma semaphore(%dma_wait3A_205 : memref<!tpu.dma_semaphore, #tpu.memory_space<semaphore_mem>>) src(%dma_wait3A_203 : memref<10000x128xf32, #tpu.memory_space<hbm>>) dst(%dma_wait3A_200 : memref<112x128xf32, #tpu.memory_space<vmem>>)
        %mul3A_206 = arith.constant 112 : i32
        %mul3A_207 = arith.muli %scan3A_156, %mul3A_206 : i32
        %add3A_208 = arith.addi %add3A_12, %mul3A_207 : i32
        %dma_wait3A_209 = arith.constant 1 : i32
        %dma_wait3A_210 = tpu.memref_slice %arg3[%add3A_208] : memref<640000xi32, #tpu.memory_space<hbm>> -> memref<112xi32, #tpu.memory_space<hbm>>
        %dma_wait3A_211 = tpu.memref_slice %arg18[%dma_wait3A_209] : memref<3x!tpu.dma_semaphore, #tpu.memory_space<semaphore_mem>> -> memref<1x!tpu.dma_semaphore, #tpu.memory_space<semaphore_mem>>
        %dma_wait3A_212 = tpu.memref_squeeze %dma_wait3A_211 : memref<1x!tpu.dma_semaphore, #tpu.memory_space<semaphore_mem>> -> memref<!tpu.dma_semaphore, #tpu.memory_space<semaphore_mem>>
        %dma_wait3A_213 = tpu.memref_slice %arg3[%add3A_208] : memref<640000xi32, #tpu.memory_space<hbm>> -> memref<112xi32, #tpu.memory_space<hbm>>
        tpu.wait_dma2 semaphore(%dma_wait3A_212 : memref<!tpu.dma_semaphore, #tpu.memory_space<semaphore_mem>>) src(%dma_wait3A_213 : memref<112xi32, #tpu.memory_space<hbm>>) dst(%arg10 : memref<112xi32, #tpu.memory_space<vmem>>)
        %dma_start3A_214 = arith.constant 1 : i32
        %dma_start3A_215 = arith.constant 1 : i32
        %dma_start3A_216 = arith.constant 0 : i32
        %dma_start3A_217 = arith.constant 0 : i32
        %dma_start3A_218 = tpu.memref_slice %arg13[%dma_start3A_214, %dma_start3A_216, %dma_start3A_217] : memref<3x112x128xf32, #tpu.memory_space<vmem>> -> memref<1x112x128xf32, #tpu.memory_space<vmem>>
        %dma_start3A_219 = tpu.memref_squeeze %dma_start3A_218 : memref<1x112x128xf32, #tpu.memory_space<vmem>> -> memref<112x128xf32, #tpu.memory_space<vmem>>
        %dma_start3A_220 = arith.constant 0 : i32
        %dma_start3A_221 = arith.constant 0 : i32
        %dma_start3A_222 = tpu.memref_slice %arg16[%dma_start3A_220, %dma_start3A_221] : memref<10000x128xf32, #tpu.memory_space<vmem_shared>> -> memref<10000x128xf32, #tpu.memory_space<vmem_shared>>
        %dma_start3A_223 = tpu.memref_slice %arg19[%dma_start3A_215] : memref<3x!tpu.dma_semaphore, #tpu.memory_space<semaphore_mem>> -> memref<1x!tpu.dma_semaphore, #tpu.memory_space<semaphore_mem>>
        %dma_start3A_224 = tpu.memref_squeeze %dma_start3A_223 : memref<1x!tpu.dma_semaphore, #tpu.memory_space<semaphore_mem>> -> memref<!tpu.dma_semaphore, #tpu.memory_space<semaphore_mem>>
        tpu.enqueue_indirect_dma source(%dma_start3A_219 : memref<112x128xf32, #tpu.memory_space<vmem>>) target(%dma_start3A_222 : memref<10000x128xf32, #tpu.memory_space<vmem_shared>>) offsets(%arg10 : memref<112xi32, #tpu.memory_space<vmem>>) semaphore(%dma_start3A_224 : memref<!tpu.dma_semaphore, #tpu.memory_space<semaphore_mem>>) {add = true}
      } else {
      }
      %rem3A_170 = arith.constant 3 : i32
      %rem3A_171 = arith.remsi %scan3A_156, %rem3A_170 : i32
      %eq3A_172 = arith.constant 2 : i32
      %eq3A_173 = arith.cmpi eq, %rem3A_171, %eq3A_172 : i32
      %convert_element_type3A_174 = arith.extui %eq3A_173 : i1 to i32
      %cond3A_175 = arith.constant 0 : i32
      %cond3A_176 = arith.cmpi ne, %convert_element_type3A_174, %cond3A_175 : i32
      scf.if %cond3A_176 {
        %ge3A = arith.constant 2 : i32
        %ge3A_177 = arith.cmpi sge, %scan3A_156, %ge3A : i32
        %convert_element_type3A_178 = arith.extui %ge3A_177 : i1 to i32
        %cond3A_179 = arith.constant 0 : i32
        %cond3A_180 = arith.cmpi ne, %convert_element_type3A_178, %cond3A_179 : i32
        scf.if %cond3A_180 {
          %dma_wait3A_225 = arith.constant 0 : i32
          %dma_wait3A_226 = arith.constant 0 : i32
          %dma_wait3A_227 = arith.constant 0 : i32
          %dma_wait3A_228 = arith.constant 0 : i32
          %dma_wait3A_229 = tpu.memref_slice %arg13[%dma_wait3A_225, %dma_wait3A_227, %dma_wait3A_228] : memref<3x112x128xf32, #tpu.memory_space<vmem>> -> memref<1x112x128xf32, #tpu.memory_space<vmem>>
          %dma_wait3A_230 = tpu.memref_squeeze %dma_wait3A_229 : memref<1x112x128xf32, #tpu.memory_space<vmem>> -> memref<112x128xf32, #tpu.memory_space<vmem>>
          %dma_wait3A_231 = arith.constant 0 : i32
          %dma_wait3A_232 = arith.constant 0 : i32
          %dma_wait3A_233 = tpu.memref_slice %arg16[%dma_wait3A_231, %dma_wait3A_232] : memref<10000x128xf32, #tpu.memory_space<vmem_shared>> -> memref<10000x128xf32, #tpu.memory_space<vmem_shared>>
          %dma_wait3A_234 = tpu.memref_slice %arg19[%dma_wait3A_226] : memref<3x!tpu.dma_semaphore, #tpu.memory_space<semaphore_mem>> -> memref<1x!tpu.dma_semaphore, #tpu.memory_space<semaphore_mem>>
          %dma_wait3A_235 = tpu.memref_squeeze %dma_wait3A_234 : memref<1x!tpu.dma_semaphore, #tpu.memory_space<semaphore_mem>> -> memref<!tpu.dma_semaphore, #tpu.memory_space<semaphore_mem>>
          tpu.wait_indirect_dma semaphore(%dma_wait3A_235 : memref<!tpu.dma_semaphore, #tpu.memory_space<semaphore_mem>>) src(%dma_wait3A_230 : memref<112x128xf32, #tpu.memory_space<vmem>>) dst(%dma_wait3A_233 : memref<10000x128xf32, #tpu.memory_space<vmem_shared>>)
        } else {
        }
        %add3A_181 = arith.constant 2 : i32
        %add3A_182 = arith.addi %scan3A_156, %add3A_181 : i32
        %lt3A_183 = arith.constant 89 : i32
        %lt3A_184 = arith.cmpi slt, %add3A_182, %lt3A_183 : i32
        %convert_element_type3A_185 = arith.extui %lt3A_184 : i1 to i32
        %cond3A_186 = arith.constant 0 : i32
        %cond3A_187 = arith.cmpi ne, %convert_element_type3A_185, %cond3A_186 : i32
        scf.if %cond3A_187 {
          %add3A_225 = arith.constant 2 : i32
          %add3A_226 = arith.addi %scan3A_156, %add3A_225 : i32
          %mul3A_227 = arith.constant 112 : i32
          %mul3A_228 = arith.muli %add3A_226, %mul3A_227 : i32
          %add3A_229 = arith.addi %mul3A_10, %mul3A_228 : i32
          %dma_start3A_230 = arith.constant 1 : i32
          %dma_start3A_231 = tpu.memref_slice %arg3[%add3A_229] : memref<640000xi32, #tpu.memory_space<hbm>> -> memref<112xi32, #tpu.memory_space<hbm>>
          %dma_start3A_232 = tpu.memref_slice %arg22[%dma_start3A_230] : memref<3x!tpu.dma_semaphore, #tpu.memory_space<semaphore_mem>> -> memref<1x!tpu.dma_semaphore, #tpu.memory_space<semaphore_mem>>
          %dma_start3A_233 = tpu.memref_squeeze %dma_start3A_232 : memref<1x!tpu.dma_semaphore, #tpu.memory_space<semaphore_mem>> -> memref<!tpu.dma_semaphore, #tpu.memory_space<semaphore_mem>>
          %dma_start3A_234 = tpu.memref_slice %arg3[%add3A_229] : memref<640000xi32, #tpu.memory_space<hbm>> -> memref<112xi32, #tpu.memory_space<hbm>>
          tpu.enqueue_dma source(%dma_start3A_234 : memref<112xi32, #tpu.memory_space<hbm>>) target(%arg7 : memref<112xi32, #tpu.memory_space<vmem>>) target_semaphore(%dma_start3A_233 : memref<!tpu.dma_semaphore, #tpu.memory_space<semaphore_mem>>)
          %mul3A_235 = arith.constant 112 : i32
          %mul3A_236 = arith.muli %add3A_226, %mul3A_235 : i32
          %add3A_237 = arith.addi %add3A_12, %mul3A_236 : i32
          %dma_start3A_238 = arith.constant 1 : i32
          %dma_start3A_239 = tpu.memref_slice %arg3[%add3A_237] : memref<640000xi32, #tpu.memory_space<hbm>> -> memref<112xi32, #tpu.memory_space<hbm>>
          %dma_start3A_240 = tpu.memref_slice %arg18[%dma_start3A_238] : memref<3x!tpu.dma_semaphore, #tpu.memory_space<semaphore_mem>> -> memref<1x!tpu.dma_semaphore, #tpu.memory_space<semaphore_mem>>
          %dma_start3A_241 = tpu.memref_squeeze %dma_start3A_240 : memref<1x!tpu.dma_semaphore, #tpu.memory_space<semaphore_mem>> -> memref<!tpu.dma_semaphore, #tpu.memory_space<semaphore_mem>>
          %dma_start3A_242 = tpu.memref_slice %arg3[%add3A_237] : memref<640000xi32, #tpu.memory_space<hbm>> -> memref<112xi32, #tpu.memory_space<hbm>>
          tpu.enqueue_dma source(%dma_start3A_242 : memref<112xi32, #tpu.memory_space<hbm>>) target(%arg10 : memref<112xi32, #tpu.memory_space<vmem>>) target_semaphore(%dma_start3A_241 : memref<!tpu.dma_semaphore, #tpu.memory_space<semaphore_mem>>)
        } else {
        }
        %add3A_188 = arith.constant 1 : i32
        %add3A_189 = arith.addi %scan3A_156, %add3A_188 : i32
        %lt3A_190 = arith.constant 89 : i32
        %lt3A_191 = arith.cmpi slt, %add3A_189, %lt3A_190 : i32
        %convert_element_type3A_192 = arith.extui %lt3A_191 : i1 to i32
        %cond3A_193 = arith.constant 0 : i32
        %cond3A_194 = arith.cmpi ne, %convert_element_type3A_192, %cond3A_193 : i32
        scf.if %cond3A_194 {
          %add3A_225 = arith.constant 1 : i32
          %add3A_226 = arith.addi %scan3A_156, %add3A_225 : i32
          %mul3A_227 = arith.constant 112 : i32
          %mul3A_228 = arith.muli %add3A_226, %mul3A_227 : i32
          %add3A_229 = arith.addi %mul3A_10, %mul3A_228 : i32
          %dma_wait3A_230 = arith.constant 0 : i32
          %dma_wait3A_231 = tpu.memref_slice %arg3[%add3A_229] : memref<640000xi32, #tpu.memory_space<hbm>> -> memref<112xi32, #tpu.memory_space<hbm>>
          %dma_wait3A_232 = tpu.memref_slice %arg22[%dma_wait3A_230] : memref<3x!tpu.dma_semaphore, #tpu.memory_space<semaphore_mem>> -> memref<1x!tpu.dma_semaphore, #tpu.memory_space<semaphore_mem>>
          %dma_wait3A_233 = tpu.memref_squeeze %dma_wait3A_232 : memref<1x!tpu.dma_semaphore, #tpu.memory_space<semaphore_mem>> -> memref<!tpu.dma_semaphore, #tpu.memory_space<semaphore_mem>>
          %dma_wait3A_234 = tpu.memref_slice %arg3[%add3A_229] : memref<640000xi32, #tpu.memory_space<hbm>> -> memref<112xi32, #tpu.memory_space<hbm>>
          tpu.wait_dma2 semaphore(%dma_wait3A_233 : memref<!tpu.dma_semaphore, #tpu.memory_space<semaphore_mem>>) src(%dma_wait3A_234 : memref<112xi32, #tpu.memory_space<hbm>>) dst(%arg6 : memref<112xi32, #tpu.memory_space<vmem>>)
          %dma_start3A_235 = arith.constant 0 : i32
          %dma_start3A_236 = arith.constant 0 : i32
          %dma_start3A_237 = arith.constant 0 : i32
          %dma_start3A_238 = arith.constant 0 : i32
          %dma_start3A_239 = tpu.memref_slice %arg13[%dma_start3A_235, %dma_start3A_237, %dma_start3A_238] : memref<3x112x128xf32, #tpu.memory_space<vmem>> -> memref<1x112x128xf32, #tpu.memory_space<vmem>>
          %dma_start3A_240 = tpu.memref_squeeze %dma_start3A_239 : memref<1x112x128xf32, #tpu.memory_space<vmem>> -> memref<112x128xf32, #tpu.memory_space<vmem>>
          %dma_start3A_241 = arith.constant 0 : i32
          %dma_start3A_242 = arith.constant 0 : i32
          %dma_start3A_243 = tpu.memref_slice %arg2[%dma_start3A_241, %dma_start3A_242] : memref<10000x128xf32, #tpu.memory_space<hbm>> -> memref<10000x128xf32, #tpu.memory_space<hbm>>
          %dma_start3A_244 = tpu.memref_slice %arg17[%dma_start3A_236] : memref<3x!tpu.dma_semaphore, #tpu.memory_space<semaphore_mem>> -> memref<1x!tpu.dma_semaphore, #tpu.memory_space<semaphore_mem>>
          %dma_start3A_245 = tpu.memref_squeeze %dma_start3A_244 : memref<1x!tpu.dma_semaphore, #tpu.memory_space<semaphore_mem>> -> memref<!tpu.dma_semaphore, #tpu.memory_space<semaphore_mem>>
          tpu.enqueue_indirect_dma source(%dma_start3A_243 : memref<10000x128xf32, #tpu.memory_space<hbm>>) target(%dma_start3A_240 : memref<112x128xf32, #tpu.memory_space<vmem>>) offsets(%arg6 : memref<112xi32, #tpu.memory_space<vmem>>) semaphore(%dma_start3A_245 : memref<!tpu.dma_semaphore, #tpu.memory_space<semaphore_mem>>)
        } else {
        }
        %dma_wait3A_195 = arith.constant 2 : i32
        %dma_wait3A_196 = arith.constant 2 : i32
        %dma_wait3A_197 = arith.constant 0 : i32
        %dma_wait3A_198 = arith.constant 0 : i32
        %dma_wait3A_199 = tpu.memref_slice %arg13[%dma_wait3A_195, %dma_wait3A_197, %dma_wait3A_198] : memref<3x112x128xf32, #tpu.memory_space<vmem>> -> memref<1x112x128xf32, #tpu.memory_space<vmem>>
        %dma_wait3A_200 = tpu.memref_squeeze %dma_wait3A_199 : memref<1x112x128xf32, #tpu.memory_space<vmem>> -> memref<112x128xf32, #tpu.memory_space<vmem>>
        %dma_wait3A_201 = arith.constant 0 : i32
        %dma_wait3A_202 = arith.constant 0 : i32
        %dma_wait3A_203 = tpu.memref_slice %arg2[%dma_wait3A_201, %dma_wait3A_202] : memref<10000x128xf32, #tpu.memory_space<hbm>> -> memref<10000x128xf32, #tpu.memory_space<hbm>>
        %dma_wait3A_204 = tpu.memref_slice %arg17[%dma_wait3A_196] : memref<3x!tpu.dma_semaphore, #tpu.memory_space<semaphore_mem>> -> memref<1x!tpu.dma_semaphore, #tpu.memory_space<semaphore_mem>>
        %dma_wait3A_205 = tpu.memref_squeeze %dma_wait3A_204 : memref<1x!tpu.dma_semaphore, #tpu.memory_space<semaphore_mem>> -> memref<!tpu.dma_semaphore, #tpu.memory_space<semaphore_mem>>
        tpu.wait_indirect_dma semaphore(%dma_wait3A_205 : memref<!tpu.dma_semaphore, #tpu.memory_space<semaphore_mem>>) src(%dma_wait3A_203 : memref<10000x128xf32, #tpu.memory_space<hbm>>) dst(%dma_wait3A_200 : memref<112x128xf32, #tpu.memory_space<vmem>>)
        %mul3A_206 = arith.constant 112 : i32
        %mul3A_207 = arith.muli %scan3A_156, %mul3A_206 : i32
        %add3A_208 = arith.addi %add3A_12, %mul3A_207 : i32
        %dma_wait3A_209 = arith.constant 2 : i32
        %dma_wait3A_210 = tpu.memref_slice %arg3[%add3A_208] : memref<640000xi32, #tpu.memory_space<hbm>> -> memref<112xi32, #tpu.memory_space<hbm>>
        %dma_wait3A_211 = tpu.memref_slice %arg18[%dma_wait3A_209] : memref<3x!tpu.dma_semaphore, #tpu.memory_space<semaphore_mem>> -> memref<1x!tpu.dma_semaphore, #tpu.memory_space<semaphore_mem>>
        %dma_wait3A_212 = tpu.memref_squeeze %dma_wait3A_211 : memref<1x!tpu.dma_semaphore, #tpu.memory_space<semaphore_mem>> -> memref<!tpu.dma_semaphore, #tpu.memory_space<semaphore_mem>>
        %dma_wait3A_213 = tpu.memref_slice %arg3[%add3A_208] : memref<640000xi32, #tpu.memory_space<hbm>> -> memref<112xi32, #tpu.memory_space<hbm>>
        tpu.wait_dma2 semaphore(%dma_wait3A_212 : memref<!tpu.dma_semaphore, #tpu.memory_space<semaphore_mem>>) src(%dma_wait3A_213 : memref<112xi32, #tpu.memory_space<hbm>>) dst(%arg11 : memref<112xi32, #tpu.memory_space<vmem>>)
        %dma_start3A_214 = arith.constant 2 : i32
        %dma_start3A_215 = arith.constant 2 : i32
        %dma_start3A_216 = arith.constant 0 : i32
        %dma_start3A_217 = arith.constant 0 : i32
        %dma_start3A_218 = tpu.memref_slice %arg13[%dma_start3A_214, %dma_start3A_216, %dma_start3A_217] : memref<3x112x128xf32, #tpu.memory_space<vmem>> -> memref<1x112x128xf32, #tpu.memory_space<vmem>>
        %dma_start3A_219 = tpu.memref_squeeze %dma_start3A_218 : memref<1x112x128xf32, #tpu.memory_space<vmem>> -> memref<112x128xf32, #tpu.memory_space<vmem>>
        %dma_start3A_220 = arith.constant 0 : i32
        %dma_start3A_221 = arith.constant 0 : i32
        %dma_start3A_222 = tpu.memref_slice %arg16[%dma_start3A_220, %dma_start3A_221] : memref<10000x128xf32, #tpu.memory_space<vmem_shared>> -> memref<10000x128xf32, #tpu.memory_space<vmem_shared>>
        %dma_start3A_223 = tpu.memref_slice %arg19[%dma_start3A_215] : memref<3x!tpu.dma_semaphore, #tpu.memory_space<semaphore_mem>> -> memref<1x!tpu.dma_semaphore, #tpu.memory_space<semaphore_mem>>
        %dma_start3A_224 = tpu.memref_squeeze %dma_start3A_223 : memref<1x!tpu.dma_semaphore, #tpu.memory_space<semaphore_mem>> -> memref<!tpu.dma_semaphore, #tpu.memory_space<semaphore_mem>>
        tpu.enqueue_indirect_dma source(%dma_start3A_219 : memref<112x128xf32, #tpu.memory_space<vmem>>) target(%dma_start3A_222 : memref<10000x128xf32, #tpu.memory_space<vmem_shared>>) offsets(%arg11 : memref<112xi32, #tpu.memory_space<vmem>>) semaphore(%dma_start3A_224 : memref<!tpu.dma_semaphore, #tpu.memory_space<semaphore_mem>>) {add = true}
      } else {
      }
    }
    %scan3A_84 = arith.constant 89 : i32
    %dma_wait3A_85 = arith.constant 0 : i32
    %dma_wait3A_86 = arith.constant 0 : i32
    %dma_wait3A_87 = arith.constant 0 : i32
    %dma_wait3A_88 = arith.constant 0 : i32
    %dma_wait3A_89 = tpu.memref_slice %arg13[%dma_wait3A_85, %dma_wait3A_87, %dma_wait3A_88] : memref<3x112x128xf32, #tpu.memory_space<vmem>> -> memref<1x112x128xf32, #tpu.memory_space<vmem>>
    %dma_wait3A_90 = tpu.memref_squeeze %dma_wait3A_89 : memref<1x112x128xf32, #tpu.memory_space<vmem>> -> memref<112x128xf32, #tpu.memory_space<vmem>>
    %dma_wait3A_91 = arith.constant 0 : i32
    %dma_wait3A_92 = arith.constant 0 : i32
    %dma_wait3A_93 = tpu.memref_slice %arg16[%dma_wait3A_91, %dma_wait3A_92] : memref<10000x128xf32, #tpu.memory_space<vmem_shared>> -> memref<10000x128xf32, #tpu.memory_space<vmem_shared>>
    %dma_wait3A_94 = tpu.memref_slice %arg19[%dma_wait3A_86] : memref<3x!tpu.dma_semaphore, #tpu.memory_space<semaphore_mem>> -> memref<1x!tpu.dma_semaphore, #tpu.memory_space<semaphore_mem>>
    %dma_wait3A_95 = tpu.memref_squeeze %dma_wait3A_94 : memref<1x!tpu.dma_semaphore, #tpu.memory_space<semaphore_mem>> -> memref<!tpu.dma_semaphore, #tpu.memory_space<semaphore_mem>>
    tpu.wait_indirect_dma semaphore(%dma_wait3A_95 : memref<!tpu.dma_semaphore, #tpu.memory_space<semaphore_mem>>) src(%dma_wait3A_90 : memref<112x128xf32, #tpu.memory_space<vmem>>) dst(%dma_wait3A_93 : memref<10000x128xf32, #tpu.memory_space<vmem_shared>>)
    %dma_wait3A_96 = arith.constant 1 : i32
    %dma_wait3A_97 = arith.constant 1 : i32
    %dma_wait3A_98 = arith.constant 0 : i32
    %dma_wait3A_99 = arith.constant 0 : i32
    %dma_wait3A_100 = tpu.memref_slice %arg13[%dma_wait3A_96, %dma_wait3A_98, %dma_wait3A_99] : memref<3x112x128xf32, #tpu.memory_space<vmem>> -> memref<1x112x128xf32, #tpu.memory_space<vmem>>
    %dma_wait3A_101 = tpu.memref_squeeze %dma_wait3A_100 : memref<1x112x128xf32, #tpu.memory_space<vmem>> -> memref<112x128xf32, #tpu.memory_space<vmem>>
    %dma_wait3A_102 = arith.constant 0 : i32
    %dma_wait3A_103 = arith.constant 0 : i32
    %dma_wait3A_104 = tpu.memref_slice %arg16[%dma_wait3A_102, %dma_wait3A_103] : memref<10000x128xf32, #tpu.memory_space<vmem_shared>> -> memref<10000x128xf32, #tpu.memory_space<vmem_shared>>
    %dma_wait3A_105 = tpu.memref_slice %arg19[%dma_wait3A_97] : memref<3x!tpu.dma_semaphore, #tpu.memory_space<semaphore_mem>> -> memref<1x!tpu.dma_semaphore, #tpu.memory_space<semaphore_mem>>
    %dma_wait3A_106 = tpu.memref_squeeze %dma_wait3A_105 : memref<1x!tpu.dma_semaphore, #tpu.memory_space<semaphore_mem>> -> memref<!tpu.dma_semaphore, #tpu.memory_space<semaphore_mem>>
    tpu.wait_indirect_dma semaphore(%dma_wait3A_106 : memref<!tpu.dma_semaphore, #tpu.memory_space<semaphore_mem>>) src(%dma_wait3A_101 : memref<112x128xf32, #tpu.memory_space<vmem>>) dst(%dma_wait3A_104 : memref<10000x128xf32, #tpu.memory_space<vmem_shared>>)
    %add3A_107 = arith.constant 9968 : i32
    %add3A_108 = arith.addi %mul3A_10, %add3A_107 : i32
    %dma_wait3A_109 = arith.constant 0 : i32
    %dma_wait3A_110 = tpu.memref_slice %arg3[%add3A_108] : memref<640000xi32, #tpu.memory_space<hbm>> -> memref<32xi32, #tpu.memory_space<hbm>>
    %dma_wait3A_111 = tpu.memref_slice %arg20[%dma_wait3A_109] : memref<2x!tpu.dma_semaphore, #tpu.memory_space<semaphore_mem>> -> memref<1x!tpu.dma_semaphore, #tpu.memory_space<semaphore_mem>>
    %dma_wait3A_112 = tpu.memref_squeeze %dma_wait3A_111 : memref<1x!tpu.dma_semaphore, #tpu.memory_space<semaphore_mem>> -> memref<!tpu.dma_semaphore, #tpu.memory_space<semaphore_mem>>
    %dma_wait3A_113 = tpu.memref_slice %arg3[%add3A_108] : memref<640000xi32, #tpu.memory_space<hbm>> -> memref<32xi32, #tpu.memory_space<hbm>>
    tpu.wait_dma2 semaphore(%dma_wait3A_112 : memref<!tpu.dma_semaphore, #tpu.memory_space<semaphore_mem>>) src(%dma_wait3A_113 : memref<32xi32, #tpu.memory_space<hbm>>) dst(%arg12 : memref<32xi32, #tpu.memory_space<vmem>>)
    %dma_start3A_114 = arith.constant 0 : i32
    %dma_start3A_115 = arith.constant 0 : i32
    %dma_start3A_116 = arith.constant 0 : i32
    %dma_start3A_117 = tpu.memref_slice %arg2[%dma_start3A_115, %dma_start3A_116] : memref<10000x128xf32, #tpu.memory_space<hbm>> -> memref<10000x128xf32, #tpu.memory_space<hbm>>
    %dma_start3A_118 = tpu.memref_slice %arg20[%dma_start3A_114] : memref<2x!tpu.dma_semaphore, #tpu.memory_space<semaphore_mem>> -> memref<1x!tpu.dma_semaphore, #tpu.memory_space<semaphore_mem>>
    %dma_start3A_119 = tpu.memref_squeeze %dma_start3A_118 : memref<1x!tpu.dma_semaphore, #tpu.memory_space<semaphore_mem>> -> memref<!tpu.dma_semaphore, #tpu.memory_space<semaphore_mem>>
    tpu.enqueue_indirect_dma source(%dma_start3A_117 : memref<10000x128xf32, #tpu.memory_space<hbm>>) target(%arg15 : memref<32x128xf32, #tpu.memory_space<vmem>>) offsets(%arg12 : memref<32xi32, #tpu.memory_space<vmem>>) semaphore(%dma_start3A_119 : memref<!tpu.dma_semaphore, #tpu.memory_space<semaphore_mem>>)
    %dma_wait3A_120 = arith.constant 0 : i32
    %dma_wait3A_121 = arith.constant 0 : i32
    %dma_wait3A_122 = arith.constant 0 : i32
    %dma_wait3A_123 = tpu.memref_slice %arg2[%dma_wait3A_121, %dma_wait3A_122] : memref<10000x128xf32, #tpu.memory_space<hbm>> -> memref<10000x128xf32, #tpu.memory_space<hbm>>
    %dma_wait3A_124 = tpu.memref_slice %arg20[%dma_wait3A_120] : memref<2x!tpu.dma_semaphore, #tpu.memory_space<semaphore_mem>> -> memref<1x!tpu.dma_semaphore, #tpu.memory_space<semaphore_mem>>
    %dma_wait3A_125 = tpu.memref_squeeze %dma_wait3A_124 : memref<1x!tpu.dma_semaphore, #tpu.memory_space<semaphore_mem>> -> memref<!tpu.dma_semaphore, #tpu.memory_space<semaphore_mem>>
    tpu.wait_indirect_dma semaphore(%dma_wait3A_125 : memref<!tpu.dma_semaphore, #tpu.memory_space<semaphore_mem>>) src(%dma_wait3A_123 : memref<10000x128xf32, #tpu.memory_space<hbm>>) dst(%arg15 : memref<32x128xf32, #tpu.memory_space<vmem>>)
    %add3A_126 = arith.constant 9968 : i32
    %add3A_127 = arith.addi %add3A_12, %add3A_126 : i32
    %dma_wait3A_128 = arith.constant 1 : i32
    %dma_wait3A_129 = tpu.memref_slice %arg3[%add3A_127] : memref<640000xi32, #tpu.memory_space<hbm>> -> memref<32xi32, #tpu.memory_space<hbm>>
    %dma_wait3A_130 = tpu.memref_slice %arg20[%dma_wait3A_128] : memref<2x!tpu.dma_semaphore, #tpu.memory_space<semaphore_mem>> -> memref<1x!tpu.dma_semaphore, #tpu.memory_space<semaphore_mem>>
    %dma_wait3A_131 = tpu.memref_squeeze %dma_wait3A_130 : memref<1x!tpu.dma_semaphore, #tpu.memory_space<semaphore_mem>> -> memref<!tpu.dma_semaphore, #tpu.memory_space<semaphore_mem>>
    %dma_wait3A_132 = tpu.memref_slice %arg3[%add3A_127] : memref<640000xi32, #tpu.memory_space<hbm>> -> memref<32xi32, #tpu.memory_space<hbm>>
    tpu.wait_dma2 semaphore(%dma_wait3A_131 : memref<!tpu.dma_semaphore, #tpu.memory_space<semaphore_mem>>) src(%dma_wait3A_132 : memref<32xi32, #tpu.memory_space<hbm>>) dst(%arg14 : memref<32xi32, #tpu.memory_space<vmem>>)
    %dma_start3A_133 = arith.constant 0 : i32
    %dma_start3A_134 = arith.constant 0 : i32
    %dma_start3A_135 = arith.constant 0 : i32
    %dma_start3A_136 = tpu.memref_slice %arg16[%dma_start3A_134, %dma_start3A_135] : memref<10000x128xf32, #tpu.memory_space<vmem_shared>> -> memref<10000x128xf32, #tpu.memory_space<vmem_shared>>
    %dma_start3A_137 = tpu.memref_slice %arg20[%dma_start3A_133] : memref<2x!tpu.dma_semaphore, #tpu.memory_space<semaphore_mem>> -> memref<1x!tpu.dma_semaphore, #tpu.memory_space<semaphore_mem>>
    %dma_start3A_138 = tpu.memref_squeeze %dma_start3A_137 : memref<1x!tpu.dma_semaphore, #tpu.memory_space<semaphore_mem>> -> memref<!tpu.dma_semaphore, #tpu.memory_space<semaphore_mem>>
    tpu.enqueue_indirect_dma source(%arg15 : memref<32x128xf32, #tpu.memory_space<vmem>>) target(%dma_start3A_136 : memref<10000x128xf32, #tpu.memory_space<vmem_shared>>) offsets(%arg14 : memref<32xi32, #tpu.memory_space<vmem>>) semaphore(%dma_start3A_138 : memref<!tpu.dma_semaphore, #tpu.memory_space<semaphore_mem>>) {add = true}
    %dma_wait3A_139 = arith.constant 0 : i32
    %dma_wait3A_140 = arith.constant 0 : i32
    %dma_wait3A_141 = arith.constant 0 : i32
    %dma_wait3A_142 = tpu.memref_slice %arg16[%dma_wait3A_140, %dma_wait3A_141] : memref<10000x128xf32, #tpu.memory_space<vmem_shared>> -> memref<10000x128xf32, #tpu.memory_space<vmem_shared>>
    %dma_wait3A_143 = tpu.memref_slice %arg20[%dma_wait3A_139] : memref<2x!tpu.dma_semaphore, #tpu.memory_space<semaphore_mem>> -> memref<1x!tpu.dma_semaphore, #tpu.memory_space<semaphore_mem>>
    %dma_wait3A_144 = tpu.memref_squeeze %dma_wait3A_143 : memref<1x!tpu.dma_semaphore, #tpu.memory_space<semaphore_mem>> -> memref<!tpu.dma_semaphore, #tpu.memory_space<semaphore_mem>>
    tpu.wait_indirect_dma semaphore(%dma_wait3A_144 : memref<!tpu.dma_semaphore, #tpu.memory_space<semaphore_mem>>) src(%arg15 : memref<32x128xf32, #tpu.memory_space<vmem>>) dst(%dma_wait3A_142 : memref<10000x128xf32, #tpu.memory_space<vmem_shared>>)
    %barrier3A_145 = arith.constant 0 : index
    tpu.barrier barrier_id(%barrier3A_145)
    %lt3A_146 = arith.constant 15 : i32
    %lt3A_147 = arith.cmpi slt, %arg1, %lt3A_146 : i32
    %convert_element_type3A_148 = arith.extui %lt3A_147 : i1 to i32
    %cond3A_149 = arith.constant 0 : i32
    %cond3A_150 = arith.cmpi ne, %convert_element_type3A_148, %cond3A_149 : i32
    scf.if %cond3A_150 {
      "tpu.region"() ({
        %run_scoped3A = tpu.sem_alloc : memref<!tpu.dma_semaphore, #tpu.memory_space<semaphore_mem>>
        %dma_start3A_156 = arith.constant 0 : i32
        %dma_start3A_157 = tpu.memref_slice %arg5[%arg0, %mul3A_2, %dma_start3A_156] : memref<2x10000x128xf32, #tpu.memory_space<hbm>> -> memref<1x640x128xf32, #tpu.memory_space<hbm>>
        %dma_start3A_158 = tpu.memref_squeeze %dma_start3A_157 : memref<1x640x128xf32, #tpu.memory_space<hbm>> -> memref<640x128xf32, #tpu.memory_space<hbm>>
        %dma_start3A_159 = arith.constant 0 : i32
        %dma_start3A_160 = tpu.memref_slice %arg16[%mul3A_2, %dma_start3A_159] : memref<10000x128xf32, #tpu.memory_space<vmem_shared>> -> memref<640x128xf32, #tpu.memory_space<vmem_shared>>
        tpu.enqueue_dma source(%dma_start3A_160 : memref<640x128xf32, #tpu.memory_space<vmem_shared>>) target(%dma_start3A_158 : memref<640x128xf32, #tpu.memory_space<hbm>>) target_semaphore(%run_scoped3A : memref<!tpu.dma_semaphore, #tpu.memory_space<semaphore_mem>>)
        %dma_wait3A_161 = arith.constant 0 : i32
        %dma_wait3A_162 = tpu.memref_slice %arg5[%arg0, %mul3A_2, %dma_wait3A_161] : memref<2x10000x128xf32, #tpu.memory_space<hbm>> -> memref<1x640x128xf32, #tpu.memory_space<hbm>>
        %dma_wait3A_163 = tpu.memref_squeeze %dma_wait3A_162 : memref<1x640x128xf32, #tpu.memory_space<hbm>> -> memref<640x128xf32, #tpu.memory_space<hbm>>
        %dma_wait3A_164 = arith.constant 0 : i32
        %dma_wait3A_165 = tpu.memref_slice %arg16[%mul3A_2, %dma_wait3A_164] : memref<10000x128xf32, #tpu.memory_space<vmem_shared>> -> memref<640x128xf32, #tpu.memory_space<vmem_shared>>
        tpu.wait_dma2 semaphore(%run_scoped3A : memref<!tpu.dma_semaphore, #tpu.memory_space<semaphore_mem>>) src(%dma_wait3A_165 : memref<640x128xf32, #tpu.memory_space<vmem_shared>>) dst(%dma_wait3A_163 : memref<640x128xf32, #tpu.memory_space<hbm>>)
        tpu.yield
      }) : () -> ()
    } else {
    }
    %eq3A_151 = arith.constant 15 : i32
    %eq3A_152 = arith.cmpi eq, %arg1, %eq3A_151 : i32
    %convert_element_type3A_153 = arith.extui %eq3A_152 : i1 to i32
    %cond3A_154 = arith.constant 0 : i32
    %cond3A_155 = arith.cmpi ne, %convert_element_type3A_153, %cond3A_154 : i32
    scf.if %cond3A_155 {
      "tpu.region"() ({
        %run_scoped3A = tpu.sem_alloc : memref<!tpu.dma_semaphore, #tpu.memory_space<semaphore_mem>>
        %dma_start3A_156 = arith.constant 9600 : i32
        %dma_start3A_157 = arith.constant 0 : i32
        %dma_start3A_158 = tpu.memref_slice %arg5[%arg0, %dma_start3A_156, %dma_start3A_157] : memref<2x10000x128xf32, #tpu.memory_space<hbm>> -> memref<1x400x128xf32, #tpu.memory_space<hbm>>
        %dma_start3A_159 = tpu.memref_squeeze %dma_start3A_158 : memref<1x400x128xf32, #tpu.memory_space<hbm>> -> memref<400x128xf32, #tpu.memory_space<hbm>>
        %dma_start3A_160 = arith.constant 9600 : i32
        %dma_start3A_161 = arith.constant 0 : i32
        %dma_start3A_162 = tpu.memref_slice %arg16[%dma_start3A_160, %dma_start3A_161] : memref<10000x128xf32, #tpu.memory_space<vmem_shared>> -> memref<400x128xf32, #tpu.memory_space<vmem_shared>>
        tpu.enqueue_dma source(%dma_start3A_162 : memref<400x128xf32, #tpu.memory_space<vmem_shared>>) target(%dma_start3A_159 : memref<400x128xf32, #tpu.memory_space<hbm>>) target_semaphore(%run_scoped3A : memref<!tpu.dma_semaphore, #tpu.memory_space<semaphore_mem>>)
        %dma_wait3A_163 = arith.constant 9600 : i32
        %dma_wait3A_164 = arith.constant 0 : i32
        %dma_wait3A_165 = tpu.memref_slice %arg5[%arg0, %dma_wait3A_163, %dma_wait3A_164] : memref<2x10000x128xf32, #tpu.memory_space<hbm>> -> memref<1x400x128xf32, #tpu.memory_space<hbm>>
        %dma_wait3A_166 = tpu.memref_squeeze %dma_wait3A_165 : memref<1x400x128xf32, #tpu.memory_space<hbm>> -> memref<400x128xf32, #tpu.memory_space<hbm>>
        %dma_wait3A_167 = arith.constant 9600 : i32
        %dma_wait3A_168 = arith.constant 0 : i32
        %dma_wait3A_169 = tpu.memref_slice %arg16[%dma_wait3A_167, %dma_wait3A_168] : memref<10000x128xf32, #tpu.memory_space<vmem_shared>> -> memref<400x128xf32, #tpu.memory_space<vmem_shared>>
        tpu.wait_dma2 semaphore(%run_scoped3A : memref<!tpu.dma_semaphore, #tpu.memory_space<semaphore_mem>>) src(%dma_wait3A_169 : memref<400x128xf32, #tpu.memory_space<vmem_shared>>) dst(%dma_wait3A_166 : memref<400x128xf32, #tpu.memory_space<hbm>>)
        tpu.yield
      }) : () -> ()
    } else {
    }
    return
  }
}

#map = affine_map<(d0, d1) -> (0, 0)>
#map1 = affine_map<(d0, d1) -> (0)>
#map2 = affine_map<(d0, d1) -> (0, 0, 0)>
module attributes {stable_mosaic.version = 14 : i64} {
  func.func @sc_agg(%arg0: i32, %arg1: i32, %arg2: memref<10000x128xf32, #tpu.memory_space<hbm>>, %arg3: memref<640000xi32, #tpu.memory_space<hbm>>, %arg4: memref<10000x128xf32, #tpu.memory_space<hbm>>, %arg5: memref<2x10000x128xf32, #tpu.memory_space<hbm>>, %arg6: memref<112xi32, #tpu.memory_space<vmem>>, %arg7: memref<112xi32, #tpu.memory_space<vmem>>, %arg8: memref<112xi32, #tpu.memory_space<vmem>>, %arg9: memref<112xi32, #tpu.memory_space<vmem>>, %arg10: memref<112xi32, #tpu.memory_space<vmem>>, %arg11: memref<112xi32, #tpu.memory_space<vmem>>, %arg12: memref<32xi32, #tpu.memory_space<vmem>>, %arg13: memref<3x112x128xf32, #tpu.memory_space<vmem>>, %arg14: memref<32xi32, #tpu.memory_space<vmem>>, %arg15: memref<32x128xf32, #tpu.memory_space<vmem>>, %arg16: memref<10000x128xf32, #tpu.memory_space<vmem_shared>>, %arg17: memref<3x!tpu.dma_semaphore, #tpu.memory_space<semaphore_mem>>, %arg18: memref<3x!tpu.dma_semaphore, #tpu.memory_space<semaphore_mem>>, %arg19: memref<3x!tpu.dma_semaphore, #tpu.memory_space<semaphore_mem>>, %arg20: memref<2x!tpu.dma_semaphore, #tpu.memory_space<semaphore_mem>>, %arg21: memref<!tpu.dma_semaphore, #tpu.memory_space<semaphore_mem>>, %arg22: memref<3x!tpu.dma_semaphore, #tpu.memory_space<semaphore_mem>>) attributes {dimension_semantics = [#tpu.dimension_semantics<core_parallel>, #tpu.dimension_semantics<subcore_parallel>], iteration_bounds = array<i64: 2, 16>, scalar_prefetch = 0 : i64, scratch_operands = 17 : i64, tpu.core_type = #tpu.core_type<sc_vector_subcore>, window_params = [{transform_indices = #map}, {transform_indices = #map1}, {transform_indices = #map}, {transform_indices = #map2}]} {
    %mul3A = arith.constant 16 : i32
    %mul3A_0 = arith.muli %arg0, %mul3A : i32
    %add3A = arith.addi %mul3A_0, %arg1 : i32
    %mul3A_1 = arith.constant 640 : i32
    %mul3A_2 = arith.muli %arg1, %mul3A_1 : i32
    %lt3A = arith.constant 15 : i32
    %lt3A_3 = arith.cmpi slt, %arg1, %lt3A : i32
    %convert_element_type3A = arith.extui %lt3A_3 : i1 to i32
    %cond3A = arith.constant 0 : i32
    %cond3A_4 = arith.cmpi ne, %convert_element_type3A, %cond3A : i32
    scf.if %cond3A_4 {
      %dma_start3A_156 = arith.constant 0 : i32
      %dma_start3A_157 = tpu.memref_slice %arg16[%mul3A_2, %dma_start3A_156] : memref<10000x128xf32, #tpu.memory_space<vmem_shared>> -> memref<640x128xf32, #tpu.memory_space<vmem_shared>>
      %dma_start3A_158 = arith.constant 0 : i32
      %dma_start3A_159 = tpu.memref_slice %arg4[%mul3A_2, %dma_start3A_158] : memref<10000x128xf32, #tpu.memory_space<hbm>> -> memref<640x128xf32, #tpu.memory_space<hbm>>
      tpu.enqueue_dma source(%dma_start3A_159 : memref<640x128xf32, #tpu.memory_space<hbm>>) target(%dma_start3A_157 : memref<640x128xf32, #tpu.memory_space<vmem_shared>>) target_semaphore(%arg21 : memref<!tpu.dma_semaphore, #tpu.memory_space<semaphore_mem>>)
    } else {
    }
    %eq3A = arith.constant 15 : i32
    %eq3A_5 = arith.cmpi eq, %arg1, %eq3A : i32
    %convert_element_type3A_6 = arith.extui %eq3A_5 : i1 to i32
    %cond3A_7 = arith.constant 0 : i32
    %cond3A_8 = arith.cmpi ne, %convert_element_type3A_6, %cond3A_7 : i32
    scf.if %cond3A_8 {
      %dma_start3A_156 = arith.constant 9600 : i32
      %dma_start3A_157 = arith.constant 0 : i32
      %dma_start3A_158 = tpu.memref_slice %arg16[%dma_start3A_156, %dma_start3A_157] : memref<10000x128xf32, #tpu.memory_space<vmem_shared>> -> memref<400x128xf32, #tpu.memory_space<vmem_shared>>
      %dma_start3A_159 = arith.constant 9600 : i32
      %dma_start3A_160 = arith.constant 0 : i32
      %dma_start3A_161 = tpu.memref_slice %arg4[%dma_start3A_159, %dma_start3A_160] : memref<10000x128xf32, #tpu.memory_space<hbm>> -> memref<400x128xf32, #tpu.memory_space<hbm>>
      tpu.enqueue_dma source(%dma_start3A_161 : memref<400x128xf32, #tpu.memory_space<hbm>>) target(%dma_start3A_158 : memref<400x128xf32, #tpu.memory_space<vmem_shared>>) target_semaphore(%arg21 : memref<!tpu.dma_semaphore, #tpu.memory_space<semaphore_mem>>)
    } else {
    }
    %mul3A_9 = arith.constant 10000 : i32
    %mul3A_10 = arith.muli %add3A, %mul3A_9 : i32
    %add3A_11 = arith.constant 320000 : i32
    %add3A_12 = arith.addi %add3A_11, %mul3A_10 : i32
    %add3A_13 = arith.constant 9968 : i32
    %add3A_14 = arith.addi %mul3A_10, %add3A_13 : i32
    %dma_start3A = arith.constant 0 : i32
    %dma_start3A_15 = tpu.memref_slice %arg3[%add3A_14] : memref<640000xi32, #tpu.memory_space<hbm>> -> memref<32xi32, #tpu.memory_space<hbm>>
    %dma_start3A_16 = tpu.memref_slice %arg20[%dma_start3A] : memref<2x!tpu.dma_semaphore, #tpu.memory_space<semaphore_mem>> -> memref<1x!tpu.dma_semaphore, #tpu.memory_space<semaphore_mem>>
    %dma_start3A_17 = tpu.memref_squeeze %dma_start3A_16 : memref<1x!tpu.dma_semaphore, #tpu.memory_space<semaphore_mem>> -> memref<!tpu.dma_semaphore, #tpu.memory_space<semaphore_mem>>
    %dma_start3A_18 = tpu.memref_slice %arg3[%add3A_14] : memref<640000xi32, #tpu.memory_space<hbm>> -> memref<32xi32, #tpu.memory_space<hbm>>
    tpu.enqueue_dma source(%dma_start3A_18 : memref<32xi32, #tpu.memory_space<hbm>>) target(%arg12 : memref<32xi32, #tpu.memory_space<vmem>>) target_semaphore(%dma_start3A_17 : memref<!tpu.dma_semaphore, #tpu.memory_space<semaphore_mem>>)
    %add3A_19 = arith.constant 9968 : i32
    %add3A_20 = arith.addi %add3A_12, %add3A_19 : i32
    %dma_start3A_21 = arith.constant 1 : i32
    %dma_start3A_22 = tpu.memref_slice %arg3[%add3A_20] : memref<640000xi32, #tpu.memory_space<hbm>> -> memref<32xi32, #tpu.memory_space<hbm>>
    %dma_start3A_23 = tpu.memref_slice %arg20[%dma_start3A_21] : memref<2x!tpu.dma_semaphore, #tpu.memory_space<semaphore_mem>> -> memref<1x!tpu.dma_semaphore, #tpu.memory_space<semaphore_mem>>
    %dma_start3A_24 = tpu.memref_squeeze %dma_start3A_23 : memref<1x!tpu.dma_semaphore, #tpu.memory_space<semaphore_mem>> -> memref<!tpu.dma_semaphore, #tpu.memory_space<semaphore_mem>>
    %dma_start3A_25 = tpu.memref_slice %arg3[%add3A_20] : memref<640000xi32, #tpu.memory_space<hbm>> -> memref<32xi32, #tpu.memory_space<hbm>>
    tpu.enqueue_dma source(%dma_start3A_25 : memref<32xi32, #tpu.memory_space<hbm>>) target(%arg14 : memref<32xi32, #tpu.memory_space<vmem>>) target_semaphore(%dma_start3A_24 : memref<!tpu.dma_semaphore, #tpu.memory_space<semaphore_mem>>)
    %add3A_26 = arith.constant 0 : i32
    %add3A_27 = arith.addi %mul3A_10, %add3A_26 : i32
    %dma_start3A_28 = arith.constant 0 : i32
    %dma_start3A_29 = tpu.memref_slice %arg3[%add3A_27] : memref<640000xi32, #tpu.memory_space<hbm>> -> memref<112xi32, #tpu.memory_space<hbm>>
    %dma_start3A_30 = tpu.memref_slice %arg22[%dma_start3A_28] : memref<3x!tpu.dma_semaphore, #tpu.memory_space<semaphore_mem>> -> memref<1x!tpu.dma_semaphore, #tpu.memory_space<semaphore_mem>>
    %dma_start3A_31 = tpu.memref_squeeze %dma_start3A_30 : memref<1x!tpu.dma_semaphore, #tpu.memory_space<semaphore_mem>> -> memref<!tpu.dma_semaphore, #tpu.memory_space<semaphore_mem>>
    %dma_start3A_32 = tpu.memref_slice %arg3[%add3A_27] : memref<640000xi32, #tpu.memory_space<hbm>> -> memref<112xi32, #tpu.memory_space<hbm>>
    tpu.enqueue_dma source(%dma_start3A_32 : memref<112xi32, #tpu.memory_space<hbm>>) target(%arg6 : memref<112xi32, #tpu.memory_space<vmem>>) target_semaphore(%dma_start3A_31 : memref<!tpu.dma_semaphore, #tpu.memory_space<semaphore_mem>>)
    %add3A_33 = arith.constant 0 : i32
    %add3A_34 = arith.addi %add3A_12, %add3A_33 : i32
    %dma_start3A_35 = arith.constant 0 : i32
    %dma_start3A_36 = tpu.memref_slice %arg3[%add3A_34] : memref<640000xi32, #tpu.memory_space<hbm>> -> memref<112xi32, #tpu.memory_space<hbm>>
    %dma_start3A_37 = tpu.memref_slice %arg18[%dma_start3A_35] : memref<3x!tpu.dma_semaphore, #tpu.memory_space<semaphore_mem>> -> memref<1x!tpu.dma_semaphore, #tpu.memory_space<semaphore_mem>>
    %dma_start3A_38 = tpu.memref_squeeze %dma_start3A_37 : memref<1x!tpu.dma_semaphore, #tpu.memory_space<semaphore_mem>> -> memref<!tpu.dma_semaphore, #tpu.memory_space<semaphore_mem>>
    %dma_start3A_39 = tpu.memref_slice %arg3[%add3A_34] : memref<640000xi32, #tpu.memory_space<hbm>> -> memref<112xi32, #tpu.memory_space<hbm>>
    tpu.enqueue_dma source(%dma_start3A_39 : memref<112xi32, #tpu.memory_space<hbm>>) target(%arg9 : memref<112xi32, #tpu.memory_space<vmem>>) target_semaphore(%dma_start3A_38 : memref<!tpu.dma_semaphore, #tpu.memory_space<semaphore_mem>>)
    %add3A_40 = arith.constant 112 : i32
    %add3A_41 = arith.addi %mul3A_10, %add3A_40 : i32
    %dma_start3A_42 = arith.constant 1 : i32
    %dma_start3A_43 = tpu.memref_slice %arg3[%add3A_41] : memref<640000xi32, #tpu.memory_space<hbm>> -> memref<112xi32, #tpu.memory_space<hbm>>
    %dma_start3A_44 = tpu.memref_slice %arg22[%dma_start3A_42] : memref<3x!tpu.dma_semaphore, #tpu.memory_space<semaphore_mem>> -> memref<1x!tpu.dma_semaphore, #tpu.memory_space<semaphore_mem>>
    %dma_start3A_45 = tpu.memref_squeeze %dma_start3A_44 : memref<1x!tpu.dma_semaphore, #tpu.memory_space<semaphore_mem>> -> memref<!tpu.dma_semaphore, #tpu.memory_space<semaphore_mem>>
    %dma_start3A_46 = tpu.memref_slice %arg3[%add3A_41] : memref<640000xi32, #tpu.memory_space<hbm>> -> memref<112xi32, #tpu.memory_space<hbm>>
    tpu.enqueue_dma source(%dma_start3A_46 : memref<112xi32, #tpu.memory_space<hbm>>) target(%arg7 : memref<112xi32, #tpu.memory_space<vmem>>) target_semaphore(%dma_start3A_45 : memref<!tpu.dma_semaphore, #tpu.memory_space<semaphore_mem>>)
    %add3A_47 = arith.constant 112 : i32
    %add3A_48 = arith.addi %add3A_12, %add3A_47 : i32
    %dma_start3A_49 = arith.constant 1 : i32
    %dma_start3A_50 = tpu.memref_slice %arg3[%add3A_48] : memref<640000xi32, #tpu.memory_space<hbm>> -> memref<112xi32, #tpu.memory_space<hbm>>
    %dma_start3A_51 = tpu.memref_slice %arg18[%dma_start3A_49] : memref<3x!tpu.dma_semaphore, #tpu.memory_space<semaphore_mem>> -> memref<1x!tpu.dma_semaphore, #tpu.memory_space<semaphore_mem>>
    %dma_start3A_52 = tpu.memref_squeeze %dma_start3A_51 : memref<1x!tpu.dma_semaphore, #tpu.memory_space<semaphore_mem>> -> memref<!tpu.dma_semaphore, #tpu.memory_space<semaphore_mem>>
    %dma_start3A_53 = tpu.memref_slice %arg3[%add3A_48] : memref<640000xi32, #tpu.memory_space<hbm>> -> memref<112xi32, #tpu.memory_space<hbm>>
    tpu.enqueue_dma source(%dma_start3A_53 : memref<112xi32, #tpu.memory_space<hbm>>) target(%arg10 : memref<112xi32, #tpu.memory_space<vmem>>) target_semaphore(%dma_start3A_52 : memref<!tpu.dma_semaphore, #tpu.memory_space<semaphore_mem>>)
    %add3A_54 = arith.constant 0 : i32
    %add3A_55 = arith.addi %mul3A_10, %add3A_54 : i32
    %dma_wait3A = arith.constant 0 : i32
    %dma_wait3A_56 = tpu.memref_slice %arg3[%add3A_55] : memref<640000xi32, #tpu.memory_space<hbm>> -> memref<112xi32, #tpu.memory_space<hbm>>
    %dma_wait3A_57 = tpu.memref_slice %arg22[%dma_wait3A] : memref<3x!tpu.dma_semaphore, #tpu.memory_space<semaphore_mem>> -> memref<1x!tpu.dma_semaphore, #tpu.memory_space<semaphore_mem>>
    %dma_wait3A_58 = tpu.memref_squeeze %dma_wait3A_57 : memref<1x!tpu.dma_semaphore, #tpu.memory_space<semaphore_mem>> -> memref<!tpu.dma_semaphore, #tpu.memory_space<semaphore_mem>>
    %dma_wait3A_59 = tpu.memref_slice %arg3[%add3A_55] : memref<640000xi32, #tpu.memory_space<hbm>> -> memref<112xi32, #tpu.memory_space<hbm>>
    tpu.wait_dma2 semaphore(%dma_wait3A_58 : memref<!tpu.dma_semaphore, #tpu.memory_space<semaphore_mem>>) src(%dma_wait3A_59 : memref<112xi32, #tpu.memory_space<hbm>>) dst(%arg6 : memref<112xi32, #tpu.memory_space<vmem>>)
    %dma_start3A_60 = arith.constant 0 : i32
    %dma_start3A_61 = arith.constant 0 : i32
    %dma_start3A_62 = arith.constant 0 : i32
    %dma_start3A_63 = arith.constant 0 : i32
    %dma_start3A_64 = tpu.memref_slice %arg13[%dma_start3A_60, %dma_start3A_62, %dma_start3A_63] : memref<3x112x128xf32, #tpu.memory_space<vmem>> -> memref<1x112x128xf32, #tpu.memory_space<vmem>>
    %dma_start3A_65 = tpu.memref_squeeze %dma_start3A_64 : memref<1x112x128xf32, #tpu.memory_space<vmem>> -> memref<112x128xf32, #tpu.memory_space<vmem>>
    %dma_start3A_66 = arith.constant 0 : i32
    %dma_start3A_67 = arith.constant 0 : i32
    %dma_start3A_68 = tpu.memref_slice %arg2[%dma_start3A_66, %dma_start3A_67] : memref<10000x128xf32, #tpu.memory_space<hbm>> -> memref<10000x128xf32, #tpu.memory_space<hbm>>
    %dma_start3A_69 = tpu.memref_slice %arg17[%dma_start3A_61] : memref<3x!tpu.dma_semaphore, #tpu.memory_space<semaphore_mem>> -> memref<1x!tpu.dma_semaphore, #tpu.memory_space<semaphore_mem>>
    %dma_start3A_70 = tpu.memref_squeeze %dma_start3A_69 : memref<1x!tpu.dma_semaphore, #tpu.memory_space<semaphore_mem>> -> memref<!tpu.dma_semaphore, #tpu.memory_space<semaphore_mem>>
    tpu.enqueue_indirect_dma source(%dma_start3A_68 : memref<10000x128xf32, #tpu.memory_space<hbm>>) target(%dma_start3A_65 : memref<112x128xf32, #tpu.memory_space<vmem>>) offsets(%arg6 : memref<112xi32, #tpu.memory_space<vmem>>) semaphore(%dma_start3A_70 : memref<!tpu.dma_semaphore, #tpu.memory_space<semaphore_mem>>)
    %lt3A_71 = arith.constant 15 : i32
    %lt3A_72 = arith.cmpi slt, %arg1, %lt3A_71 : i32
    %convert_element_type3A_73 = arith.extui %lt3A_72 : i1 to i32
    %cond3A_74 = arith.constant 0 : i32
    %cond3A_75 = arith.cmpi ne, %convert_element_type3A_73, %cond3A_74 : i32
    scf.if %cond3A_75 {
      %dma_wait3A_156 = arith.constant 0 : i32
      %dma_wait3A_157 = tpu.memref_slice %arg16[%mul3A_2, %dma_wait3A_156] : memref<10000x128xf32, #tpu.memory_space<vmem_shared>> -> memref<640x128xf32, #tpu.memory_space<vmem_shared>>
      %dma_wait3A_158 = arith.constant 0 : i32
      %dma_wait3A_159 = tpu.memref_slice %arg4[%mul3A_2, %dma_wait3A_158] : memref<10000x128xf32, #tpu.memory_space<hbm>> -> memref<640x128xf32, #tpu.memory_space<hbm>>
      tpu.wait_dma2 semaphore(%arg21 : memref<!tpu.dma_semaphore, #tpu.memory_space<semaphore_mem>>) src(%dma_wait3A_159 : memref<640x128xf32, #tpu.memory_space<hbm>>) dst(%dma_wait3A_157 : memref<640x128xf32, #tpu.memory_space<vmem_shared>>)
    } else {
    }
    %eq3A_76 = arith.constant 15 : i32
    %eq3A_77 = arith.cmpi eq, %arg1, %eq3A_76 : i32
    %convert_element_type3A_78 = arith.extui %eq3A_77 : i1 to i32
    %cond3A_79 = arith.constant 0 : i32
    %cond3A_80 = arith.cmpi ne, %convert_element_type3A_78, %cond3A_79 : i32
    scf.if %cond3A_80 {
      %dma_wait3A_156 = arith.constant 9600 : i32
      %dma_wait3A_157 = arith.constant 0 : i32
      %dma_wait3A_158 = tpu.memref_slice %arg16[%dma_wait3A_156, %dma_wait3A_157] : memref<10000x128xf32, #tpu.memory_space<vmem_shared>> -> memref<400x128xf32, #tpu.memory_space<vmem_shared>>
      %dma_wait3A_159 = arith.constant 9600 : i32
      %dma_wait3A_160 = arith.constant 0 : i32
      %dma_wait3A_161 = tpu.memref_slice %arg4[%dma_wait3A_159, %dma_wait3A_160] : memref<10000x128xf32, #tpu.memory_space<hbm>> -> memref<400x128xf32, #tpu.memory_space<hbm>>
      tpu.wait_dma2 semaphore(%arg21 : memref<!tpu.dma_semaphore, #tpu.memory_space<semaphore_mem>>) src(%dma_wait3A_161 : memref<400x128xf32, #tpu.memory_space<hbm>>) dst(%dma_wait3A_158 : memref<400x128xf32, #tpu.memory_space<vmem_shared>>)
    } else {
    }
    %barrier3A = arith.constant 0 : index
    tpu.barrier barrier_id(%barrier3A)
    %scan3A = arith.constant 0 : i32
    %scan3A_81 = arith.constant 89 : i32
    %scan3A_82 = arith.addi %scan3A, %scan3A_81 : i32
    %scan3A_83 = arith.constant 1 : i32
    scf.for %scan3A_156 = %scan3A to %scan3A_82 step %scan3A_83  : i32 {
      %rem3A = arith.constant 3 : i32
      %rem3A_157 = arith.remsi %scan3A_156, %rem3A : i32
      %eq3A_158 = arith.constant 0 : i32
      %eq3A_159 = arith.cmpi eq, %rem3A_157, %eq3A_158 : i32
      %convert_element_type3A_160 = arith.extui %eq3A_159 : i1 to i32
      %cond3A_161 = arith.constant 0 : i32
      %cond3A_162 = arith.cmpi ne, %convert_element_type3A_160, %cond3A_161 : i32
      scf.if %cond3A_162 {
        %ge3A = arith.constant 2 : i32
        %ge3A_177 = arith.cmpi sge, %scan3A_156, %ge3A : i32
        %convert_element_type3A_178 = arith.extui %ge3A_177 : i1 to i32
        %cond3A_179 = arith.constant 0 : i32
        %cond3A_180 = arith.cmpi ne, %convert_element_type3A_178, %cond3A_179 : i32
        scf.if %cond3A_180 {
          %dma_wait3A_225 = arith.constant 1 : i32
          %dma_wait3A_226 = arith.constant 1 : i32
          %dma_wait3A_227 = arith.constant 0 : i32
          %dma_wait3A_228 = arith.constant 0 : i32
          %dma_wait3A_229 = tpu.memref_slice %arg13[%dma_wait3A_225, %dma_wait3A_227, %dma_wait3A_228] : memref<3x112x128xf32, #tpu.memory_space<vmem>> -> memref<1x112x128xf32, #tpu.memory_space<vmem>>
          %dma_wait3A_230 = tpu.memref_squeeze %dma_wait3A_229 : memref<1x112x128xf32, #tpu.memory_space<vmem>> -> memref<112x128xf32, #tpu.memory_space<vmem>>
          %dma_wait3A_231 = arith.constant 0 : i32
          %dma_wait3A_232 = arith.constant 0 : i32
          %dma_wait3A_233 = tpu.memref_slice %arg16[%dma_wait3A_231, %dma_wait3A_232] : memref<10000x128xf32, #tpu.memory_space<vmem_shared>> -> memref<10000x128xf32, #tpu.memory_space<vmem_shared>>
          %dma_wait3A_234 = tpu.memref_slice %arg19[%dma_wait3A_226] : memref<3x!tpu.dma_semaphore, #tpu.memory_space<semaphore_mem>> -> memref<1x!tpu.dma_semaphore, #tpu.memory_space<semaphore_mem>>
          %dma_wait3A_235 = tpu.memref_squeeze %dma_wait3A_234 : memref<1x!tpu.dma_semaphore, #tpu.memory_space<semaphore_mem>> -> memref<!tpu.dma_semaphore, #tpu.memory_space<semaphore_mem>>
          tpu.wait_indirect_dma semaphore(%dma_wait3A_235 : memref<!tpu.dma_semaphore, #tpu.memory_space<semaphore_mem>>) src(%dma_wait3A_230 : memref<112x128xf32, #tpu.memory_space<vmem>>) dst(%dma_wait3A_233 : memref<10000x128xf32, #tpu.memory_space<vmem_shared>>)
        } else {
        }
        %add3A_181 = arith.constant 2 : i32
        %add3A_182 = arith.addi %scan3A_156, %add3A_181 : i32
        %lt3A_183 = arith.constant 89 : i32
        %lt3A_184 = arith.cmpi slt, %add3A_182, %lt3A_183 : i32
        %convert_element_type3A_185 = arith.extui %lt3A_184 : i1 to i32
        %cond3A_186 = arith.constant 0 : i32
        %cond3A_187 = arith.cmpi ne, %convert_element_type3A_185, %cond3A_186 : i32
        scf.if %cond3A_187 {
          %add3A_225 = arith.constant 2 : i32
          %add3A_226 = arith.addi %scan3A_156, %add3A_225 : i32
          %mul3A_227 = arith.constant 112 : i32
          %mul3A_228 = arith.muli %add3A_226, %mul3A_227 : i32
          %add3A_229 = arith.addi %mul3A_10, %mul3A_228 : i32
          %dma_start3A_230 = arith.constant 2 : i32
          %dma_start3A_231 = tpu.memref_slice %arg3[%add3A_229] : memref<640000xi32, #tpu.memory_space<hbm>> -> memref<112xi32, #tpu.memory_space<hbm>>
          %dma_start3A_232 = tpu.memref_slice %arg22[%dma_start3A_230] : memref<3x!tpu.dma_semaphore, #tpu.memory_space<semaphore_mem>> -> memref<1x!tpu.dma_semaphore, #tpu.memory_space<semaphore_mem>>
          %dma_start3A_233 = tpu.memref_squeeze %dma_start3A_232 : memref<1x!tpu.dma_semaphore, #tpu.memory_space<semaphore_mem>> -> memref<!tpu.dma_semaphore, #tpu.memory_space<semaphore_mem>>
          %dma_start3A_234 = tpu.memref_slice %arg3[%add3A_229] : memref<640000xi32, #tpu.memory_space<hbm>> -> memref<112xi32, #tpu.memory_space<hbm>>
          tpu.enqueue_dma source(%dma_start3A_234 : memref<112xi32, #tpu.memory_space<hbm>>) target(%arg8 : memref<112xi32, #tpu.memory_space<vmem>>) target_semaphore(%dma_start3A_233 : memref<!tpu.dma_semaphore, #tpu.memory_space<semaphore_mem>>)
          %mul3A_235 = arith.constant 112 : i32
          %mul3A_236 = arith.muli %add3A_226, %mul3A_235 : i32
          %add3A_237 = arith.addi %add3A_12, %mul3A_236 : i32
          %dma_start3A_238 = arith.constant 2 : i32
          %dma_start3A_239 = tpu.memref_slice %arg3[%add3A_237] : memref<640000xi32, #tpu.memory_space<hbm>> -> memref<112xi32, #tpu.memory_space<hbm>>
          %dma_start3A_240 = tpu.memref_slice %arg18[%dma_start3A_238] : memref<3x!tpu.dma_semaphore, #tpu.memory_space<semaphore_mem>> -> memref<1x!tpu.dma_semaphore, #tpu.memory_space<semaphore_mem>>
          %dma_start3A_241 = tpu.memref_squeeze %dma_start3A_240 : memref<1x!tpu.dma_semaphore, #tpu.memory_space<semaphore_mem>> -> memref<!tpu.dma_semaphore, #tpu.memory_space<semaphore_mem>>
          %dma_start3A_242 = tpu.memref_slice %arg3[%add3A_237] : memref<640000xi32, #tpu.memory_space<hbm>> -> memref<112xi32, #tpu.memory_space<hbm>>
          tpu.enqueue_dma source(%dma_start3A_242 : memref<112xi32, #tpu.memory_space<hbm>>) target(%arg11 : memref<112xi32, #tpu.memory_space<vmem>>) target_semaphore(%dma_start3A_241 : memref<!tpu.dma_semaphore, #tpu.memory_space<semaphore_mem>>)
        } else {
        }
        %add3A_188 = arith.constant 1 : i32
        %add3A_189 = arith.addi %scan3A_156, %add3A_188 : i32
        %lt3A_190 = arith.constant 89 : i32
        %lt3A_191 = arith.cmpi slt, %add3A_189, %lt3A_190 : i32
        %convert_element_type3A_192 = arith.extui %lt3A_191 : i1 to i32
        %cond3A_193 = arith.constant 0 : i32
        %cond3A_194 = arith.cmpi ne, %convert_element_type3A_192, %cond3A_193 : i32
        scf.if %cond3A_194 {
          %add3A_225 = arith.constant 1 : i32
          %add3A_226 = arith.addi %scan3A_156, %add3A_225 : i32
          %mul3A_227 = arith.constant 112 : i32
          %mul3A_228 = arith.muli %add3A_226, %mul3A_227 : i32
          %add3A_229 = arith.addi %mul3A_10, %mul3A_228 : i32
          %dma_wait3A_230 = arith.constant 1 : i32
          %dma_wait3A_231 = tpu.memref_slice %arg3[%add3A_229] : memref<640000xi32, #tpu.memory_space<hbm>> -> memref<112xi32, #tpu.memory_space<hbm>>
          %dma_wait3A_232 = tpu.memref_slice %arg22[%dma_wait3A_230] : memref<3x!tpu.dma_semaphore, #tpu.memory_space<semaphore_mem>> -> memref<1x!tpu.dma_semaphore, #tpu.memory_space<semaphore_mem>>
          %dma_wait3A_233 = tpu.memref_squeeze %dma_wait3A_232 : memref<1x!tpu.dma_semaphore, #tpu.memory_space<semaphore_mem>> -> memref<!tpu.dma_semaphore, #tpu.memory_space<semaphore_mem>>
          %dma_wait3A_234 = tpu.memref_slice %arg3[%add3A_229] : memref<640000xi32, #tpu.memory_space<hbm>> -> memref<112xi32, #tpu.memory_space<hbm>>
          tpu.wait_dma2 semaphore(%dma_wait3A_233 : memref<!tpu.dma_semaphore, #tpu.memory_space<semaphore_mem>>) src(%dma_wait3A_234 : memref<112xi32, #tpu.memory_space<hbm>>) dst(%arg7 : memref<112xi32, #tpu.memory_space<vmem>>)
          %dma_start3A_235 = arith.constant 1 : i32
          %dma_start3A_236 = arith.constant 1 : i32
          %dma_start3A_237 = arith.constant 0 : i32
          %dma_start3A_238 = arith.constant 0 : i32
          %dma_start3A_239 = tpu.memref_slice %arg13[%dma_start3A_235, %dma_start3A_237, %dma_start3A_238] : memref<3x112x128xf32, #tpu.memory_space<vmem>> -> memref<1x112x128xf32, #tpu.memory_space<vmem>>
          %dma_start3A_240 = tpu.memref_squeeze %dma_start3A_239 : memref<1x112x128xf32, #tpu.memory_space<vmem>> -> memref<112x128xf32, #tpu.memory_space<vmem>>
          %dma_start3A_241 = arith.constant 0 : i32
          %dma_start3A_242 = arith.constant 0 : i32
          %dma_start3A_243 = tpu.memref_slice %arg2[%dma_start3A_241, %dma_start3A_242] : memref<10000x128xf32, #tpu.memory_space<hbm>> -> memref<10000x128xf32, #tpu.memory_space<hbm>>
          %dma_start3A_244 = tpu.memref_slice %arg17[%dma_start3A_236] : memref<3x!tpu.dma_semaphore, #tpu.memory_space<semaphore_mem>> -> memref<1x!tpu.dma_semaphore, #tpu.memory_space<semaphore_mem>>
          %dma_start3A_245 = tpu.memref_squeeze %dma_start3A_244 : memref<1x!tpu.dma_semaphore, #tpu.memory_space<semaphore_mem>> -> memref<!tpu.dma_semaphore, #tpu.memory_space<semaphore_mem>>
          tpu.enqueue_indirect_dma source(%dma_start3A_243 : memref<10000x128xf32, #tpu.memory_space<hbm>>) target(%dma_start3A_240 : memref<112x128xf32, #tpu.memory_space<vmem>>) offsets(%arg7 : memref<112xi32, #tpu.memory_space<vmem>>) semaphore(%dma_start3A_245 : memref<!tpu.dma_semaphore, #tpu.memory_space<semaphore_mem>>)
        } else {
        }
        %dma_wait3A_195 = arith.constant 0 : i32
        %dma_wait3A_196 = arith.constant 0 : i32
        %dma_wait3A_197 = arith.constant 0 : i32
        %dma_wait3A_198 = arith.constant 0 : i32
        %dma_wait3A_199 = tpu.memref_slice %arg13[%dma_wait3A_195, %dma_wait3A_197, %dma_wait3A_198] : memref<3x112x128xf32, #tpu.memory_space<vmem>> -> memref<1x112x128xf32, #tpu.memory_space<vmem>>
        %dma_wait3A_200 = tpu.memref_squeeze %dma_wait3A_199 : memref<1x112x128xf32, #tpu.memory_space<vmem>> -> memref<112x128xf32, #tpu.memory_space<vmem>>
        %dma_wait3A_201 = arith.constant 0 : i32
        %dma_wait3A_202 = arith.constant 0 : i32
        %dma_wait3A_203 = tpu.memref_slice %arg2[%dma_wait3A_201, %dma_wait3A_202] : memref<10000x128xf32, #tpu.memory_space<hbm>> -> memref<10000x128xf32, #tpu.memory_space<hbm>>
        %dma_wait3A_204 = tpu.memref_slice %arg17[%dma_wait3A_196] : memref<3x!tpu.dma_semaphore, #tpu.memory_space<semaphore_mem>> -> memref<1x!tpu.dma_semaphore, #tpu.memory_space<semaphore_mem>>
        %dma_wait3A_205 = tpu.memref_squeeze %dma_wait3A_204 : memref<1x!tpu.dma_semaphore, #tpu.memory_space<semaphore_mem>> -> memref<!tpu.dma_semaphore, #tpu.memory_space<semaphore_mem>>
        tpu.wait_indirect_dma semaphore(%dma_wait3A_205 : memref<!tpu.dma_semaphore, #tpu.memory_space<semaphore_mem>>) src(%dma_wait3A_203 : memref<10000x128xf32, #tpu.memory_space<hbm>>) dst(%dma_wait3A_200 : memref<112x128xf32, #tpu.memory_space<vmem>>)
        %mul3A_206 = arith.constant 112 : i32
        %mul3A_207 = arith.muli %scan3A_156, %mul3A_206 : i32
        %add3A_208 = arith.addi %add3A_12, %mul3A_207 : i32
        %dma_wait3A_209 = arith.constant 0 : i32
        %dma_wait3A_210 = tpu.memref_slice %arg3[%add3A_208] : memref<640000xi32, #tpu.memory_space<hbm>> -> memref<112xi32, #tpu.memory_space<hbm>>
        %dma_wait3A_211 = tpu.memref_slice %arg18[%dma_wait3A_209] : memref<3x!tpu.dma_semaphore, #tpu.memory_space<semaphore_mem>> -> memref<1x!tpu.dma_semaphore, #tpu.memory_space<semaphore_mem>>
        %dma_wait3A_212 = tpu.memref_squeeze %dma_wait3A_211 : memref<1x!tpu.dma_semaphore, #tpu.memory_space<semaphore_mem>> -> memref<!tpu.dma_semaphore, #tpu.memory_space<semaphore_mem>>
        %dma_wait3A_213 = tpu.memref_slice %arg3[%add3A_208] : memref<640000xi32, #tpu.memory_space<hbm>> -> memref<112xi32, #tpu.memory_space<hbm>>
        tpu.wait_dma2 semaphore(%dma_wait3A_212 : memref<!tpu.dma_semaphore, #tpu.memory_space<semaphore_mem>>) src(%dma_wait3A_213 : memref<112xi32, #tpu.memory_space<hbm>>) dst(%arg9 : memref<112xi32, #tpu.memory_space<vmem>>)
        %dma_start3A_214 = arith.constant 0 : i32
        %dma_start3A_215 = arith.constant 0 : i32
        %dma_start3A_216 = arith.constant 0 : i32
        %dma_start3A_217 = arith.constant 0 : i32
        %dma_start3A_218 = tpu.memref_slice %arg13[%dma_start3A_214, %dma_start3A_216, %dma_start3A_217] : memref<3x112x128xf32, #tpu.memory_space<vmem>> -> memref<1x112x128xf32, #tpu.memory_space<vmem>>
        %dma_start3A_219 = tpu.memref_squeeze %dma_start3A_218 : memref<1x112x128xf32, #tpu.memory_space<vmem>> -> memref<112x128xf32, #tpu.memory_space<vmem>>
        %dma_start3A_220 = arith.constant 0 : i32
        %dma_start3A_221 = arith.constant 0 : i32
        %dma_start3A_222 = tpu.memref_slice %arg16[%dma_start3A_220, %dma_start3A_221] : memref<10000x128xf32, #tpu.memory_space<vmem_shared>> -> memref<10000x128xf32, #tpu.memory_space<vmem_shared>>
        %dma_start3A_223 = tpu.memref_slice %arg19[%dma_start3A_215] : memref<3x!tpu.dma_semaphore, #tpu.memory_space<semaphore_mem>> -> memref<1x!tpu.dma_semaphore, #tpu.memory_space<semaphore_mem>>
        %dma_start3A_224 = tpu.memref_squeeze %dma_start3A_223 : memref<1x!tpu.dma_semaphore, #tpu.memory_space<semaphore_mem>> -> memref<!tpu.dma_semaphore, #tpu.memory_space<semaphore_mem>>
        tpu.enqueue_indirect_dma source(%dma_start3A_219 : memref<112x128xf32, #tpu.memory_space<vmem>>) target(%dma_start3A_222 : memref<10000x128xf32, #tpu.memory_space<vmem_shared>>) offsets(%arg9 : memref<112xi32, #tpu.memory_space<vmem>>) semaphore(%dma_start3A_224 : memref<!tpu.dma_semaphore, #tpu.memory_space<semaphore_mem>>) {add = true}
      } else {
      }
      %rem3A_163 = arith.constant 3 : i32
      %rem3A_164 = arith.remsi %scan3A_156, %rem3A_163 : i32
      %eq3A_165 = arith.constant 1 : i32
      %eq3A_166 = arith.cmpi eq, %rem3A_164, %eq3A_165 : i32
      %convert_element_type3A_167 = arith.extui %eq3A_166 : i1 to i32
      %cond3A_168 = arith.constant 0 : i32
      %cond3A_169 = arith.cmpi ne, %convert_element_type3A_167, %cond3A_168 : i32
      scf.if %cond3A_169 {
        %ge3A = arith.constant 2 : i32
        %ge3A_177 = arith.cmpi sge, %scan3A_156, %ge3A : i32
        %convert_element_type3A_178 = arith.extui %ge3A_177 : i1 to i32
        %cond3A_179 = arith.constant 0 : i32
        %cond3A_180 = arith.cmpi ne, %convert_element_type3A_178, %cond3A_179 : i32
        scf.if %cond3A_180 {
          %dma_wait3A_225 = arith.constant 2 : i32
          %dma_wait3A_226 = arith.constant 2 : i32
          %dma_wait3A_227 = arith.constant 0 : i32
          %dma_wait3A_228 = arith.constant 0 : i32
          %dma_wait3A_229 = tpu.memref_slice %arg13[%dma_wait3A_225, %dma_wait3A_227, %dma_wait3A_228] : memref<3x112x128xf32, #tpu.memory_space<vmem>> -> memref<1x112x128xf32, #tpu.memory_space<vmem>>
          %dma_wait3A_230 = tpu.memref_squeeze %dma_wait3A_229 : memref<1x112x128xf32, #tpu.memory_space<vmem>> -> memref<112x128xf32, #tpu.memory_space<vmem>>
          %dma_wait3A_231 = arith.constant 0 : i32
          %dma_wait3A_232 = arith.constant 0 : i32
          %dma_wait3A_233 = tpu.memref_slice %arg16[%dma_wait3A_231, %dma_wait3A_232] : memref<10000x128xf32, #tpu.memory_space<vmem_shared>> -> memref<10000x128xf32, #tpu.memory_space<vmem_shared>>
          %dma_wait3A_234 = tpu.memref_slice %arg19[%dma_wait3A_226] : memref<3x!tpu.dma_semaphore, #tpu.memory_space<semaphore_mem>> -> memref<1x!tpu.dma_semaphore, #tpu.memory_space<semaphore_mem>>
          %dma_wait3A_235 = tpu.memref_squeeze %dma_wait3A_234 : memref<1x!tpu.dma_semaphore, #tpu.memory_space<semaphore_mem>> -> memref<!tpu.dma_semaphore, #tpu.memory_space<semaphore_mem>>
          tpu.wait_indirect_dma semaphore(%dma_wait3A_235 : memref<!tpu.dma_semaphore, #tpu.memory_space<semaphore_mem>>) src(%dma_wait3A_230 : memref<112x128xf32, #tpu.memory_space<vmem>>) dst(%dma_wait3A_233 : memref<10000x128xf32, #tpu.memory_space<vmem_shared>>)
        } else {
        }
        %add3A_181 = arith.constant 2 : i32
        %add3A_182 = arith.addi %scan3A_156, %add3A_181 : i32
        %lt3A_183 = arith.constant 89 : i32
        %lt3A_184 = arith.cmpi slt, %add3A_182, %lt3A_183 : i32
        %convert_element_type3A_185 = arith.extui %lt3A_184 : i1 to i32
        %cond3A_186 = arith.constant 0 : i32
        %cond3A_187 = arith.cmpi ne, %convert_element_type3A_185, %cond3A_186 : i32
        scf.if %cond3A_187 {
          %add3A_225 = arith.constant 2 : i32
          %add3A_226 = arith.addi %scan3A_156, %add3A_225 : i32
          %mul3A_227 = arith.constant 112 : i32
          %mul3A_228 = arith.muli %add3A_226, %mul3A_227 : i32
          %add3A_229 = arith.addi %mul3A_10, %mul3A_228 : i32
          %dma_start3A_230 = arith.constant 0 : i32
          %dma_start3A_231 = tpu.memref_slice %arg3[%add3A_229] : memref<640000xi32, #tpu.memory_space<hbm>> -> memref<112xi32, #tpu.memory_space<hbm>>
          %dma_start3A_232 = tpu.memref_slice %arg22[%dma_start3A_230] : memref<3x!tpu.dma_semaphore, #tpu.memory_space<semaphore_mem>> -> memref<1x!tpu.dma_semaphore, #tpu.memory_space<semaphore_mem>>
          %dma_start3A_233 = tpu.memref_squeeze %dma_start3A_232 : memref<1x!tpu.dma_semaphore, #tpu.memory_space<semaphore_mem>> -> memref<!tpu.dma_semaphore, #tpu.memory_space<semaphore_mem>>
          %dma_start3A_234 = tpu.memref_slice %arg3[%add3A_229] : memref<640000xi32, #tpu.memory_space<hbm>> -> memref<112xi32, #tpu.memory_space<hbm>>
          tpu.enqueue_dma source(%dma_start3A_234 : memref<112xi32, #tpu.memory_space<hbm>>) target(%arg6 : memref<112xi32, #tpu.memory_space<vmem>>) target_semaphore(%dma_start3A_233 : memref<!tpu.dma_semaphore, #tpu.memory_space<semaphore_mem>>)
          %mul3A_235 = arith.constant 112 : i32
          %mul3A_236 = arith.muli %add3A_226, %mul3A_235 : i32
          %add3A_237 = arith.addi %add3A_12, %mul3A_236 : i32
          %dma_start3A_238 = arith.constant 0 : i32
          %dma_start3A_239 = tpu.memref_slice %arg3[%add3A_237] : memref<640000xi32, #tpu.memory_space<hbm>> -> memref<112xi32, #tpu.memory_space<hbm>>
          %dma_start3A_240 = tpu.memref_slice %arg18[%dma_start3A_238] : memref<3x!tpu.dma_semaphore, #tpu.memory_space<semaphore_mem>> -> memref<1x!tpu.dma_semaphore, #tpu.memory_space<semaphore_mem>>
          %dma_start3A_241 = tpu.memref_squeeze %dma_start3A_240 : memref<1x!tpu.dma_semaphore, #tpu.memory_space<semaphore_mem>> -> memref<!tpu.dma_semaphore, #tpu.memory_space<semaphore_mem>>
          %dma_start3A_242 = tpu.memref_slice %arg3[%add3A_237] : memref<640000xi32, #tpu.memory_space<hbm>> -> memref<112xi32, #tpu.memory_space<hbm>>
          tpu.enqueue_dma source(%dma_start3A_242 : memref<112xi32, #tpu.memory_space<hbm>>) target(%arg9 : memref<112xi32, #tpu.memory_space<vmem>>) target_semaphore(%dma_start3A_241 : memref<!tpu.dma_semaphore, #tpu.memory_space<semaphore_mem>>)
        } else {
        }
        %add3A_188 = arith.constant 1 : i32
        %add3A_189 = arith.addi %scan3A_156, %add3A_188 : i32
        %lt3A_190 = arith.constant 89 : i32
        %lt3A_191 = arith.cmpi slt, %add3A_189, %lt3A_190 : i32
        %convert_element_type3A_192 = arith.extui %lt3A_191 : i1 to i32
        %cond3A_193 = arith.constant 0 : i32
        %cond3A_194 = arith.cmpi ne, %convert_element_type3A_192, %cond3A_193 : i32
        scf.if %cond3A_194 {
          %add3A_225 = arith.constant 1 : i32
          %add3A_226 = arith.addi %scan3A_156, %add3A_225 : i32
          %mul3A_227 = arith.constant 112 : i32
          %mul3A_228 = arith.muli %add3A_226, %mul3A_227 : i32
          %add3A_229 = arith.addi %mul3A_10, %mul3A_228 : i32
          %dma_wait3A_230 = arith.constant 2 : i32
          %dma_wait3A_231 = tpu.memref_slice %arg3[%add3A_229] : memref<640000xi32, #tpu.memory_space<hbm>> -> memref<112xi32, #tpu.memory_space<hbm>>
          %dma_wait3A_232 = tpu.memref_slice %arg22[%dma_wait3A_230] : memref<3x!tpu.dma_semaphore, #tpu.memory_space<semaphore_mem>> -> memref<1x!tpu.dma_semaphore, #tpu.memory_space<semaphore_mem>>
          %dma_wait3A_233 = tpu.memref_squeeze %dma_wait3A_232 : memref<1x!tpu.dma_semaphore, #tpu.memory_space<semaphore_mem>> -> memref<!tpu.dma_semaphore, #tpu.memory_space<semaphore_mem>>
          %dma_wait3A_234 = tpu.memref_slice %arg3[%add3A_229] : memref<640000xi32, #tpu.memory_space<hbm>> -> memref<112xi32, #tpu.memory_space<hbm>>
          tpu.wait_dma2 semaphore(%dma_wait3A_233 : memref<!tpu.dma_semaphore, #tpu.memory_space<semaphore_mem>>) src(%dma_wait3A_234 : memref<112xi32, #tpu.memory_space<hbm>>) dst(%arg8 : memref<112xi32, #tpu.memory_space<vmem>>)
          %dma_start3A_235 = arith.constant 2 : i32
          %dma_start3A_236 = arith.constant 2 : i32
          %dma_start3A_237 = arith.constant 0 : i32
          %dma_start3A_238 = arith.constant 0 : i32
          %dma_start3A_239 = tpu.memref_slice %arg13[%dma_start3A_235, %dma_start3A_237, %dma_start3A_238] : memref<3x112x128xf32, #tpu.memory_space<vmem>> -> memref<1x112x128xf32, #tpu.memory_space<vmem>>
          %dma_start3A_240 = tpu.memref_squeeze %dma_start3A_239 : memref<1x112x128xf32, #tpu.memory_space<vmem>> -> memref<112x128xf32, #tpu.memory_space<vmem>>
          %dma_start3A_241 = arith.constant 0 : i32
          %dma_start3A_242 = arith.constant 0 : i32
          %dma_start3A_243 = tpu.memref_slice %arg2[%dma_start3A_241, %dma_start3A_242] : memref<10000x128xf32, #tpu.memory_space<hbm>> -> memref<10000x128xf32, #tpu.memory_space<hbm>>
          %dma_start3A_244 = tpu.memref_slice %arg17[%dma_start3A_236] : memref<3x!tpu.dma_semaphore, #tpu.memory_space<semaphore_mem>> -> memref<1x!tpu.dma_semaphore, #tpu.memory_space<semaphore_mem>>
          %dma_start3A_245 = tpu.memref_squeeze %dma_start3A_244 : memref<1x!tpu.dma_semaphore, #tpu.memory_space<semaphore_mem>> -> memref<!tpu.dma_semaphore, #tpu.memory_space<semaphore_mem>>
          tpu.enqueue_indirect_dma source(%dma_start3A_243 : memref<10000x128xf32, #tpu.memory_space<hbm>>) target(%dma_start3A_240 : memref<112x128xf32, #tpu.memory_space<vmem>>) offsets(%arg8 : memref<112xi32, #tpu.memory_space<vmem>>) semaphore(%dma_start3A_245 : memref<!tpu.dma_semaphore, #tpu.memory_space<semaphore_mem>>)
        } else {
        }
        %dma_wait3A_195 = arith.constant 1 : i32
        %dma_wait3A_196 = arith.constant 1 : i32
        %dma_wait3A_197 = arith.constant 0 : i32
        %dma_wait3A_198 = arith.constant 0 : i32
        %dma_wait3A_199 = tpu.memref_slice %arg13[%dma_wait3A_195, %dma_wait3A_197, %dma_wait3A_198] : memref<3x112x128xf32, #tpu.memory_space<vmem>> -> memref<1x112x128xf32, #tpu.memory_space<vmem>>
        %dma_wait3A_200 = tpu.memref_squeeze %dma_wait3A_199 : memref<1x112x128xf32, #tpu.memory_space<vmem>> -> memref<112x128xf32, #tpu.memory_space<vmem>>
        %dma_wait3A_201 = arith.constant 0 : i32
        %dma_wait3A_202 = arith.constant 0 : i32
        %dma_wait3A_203 = tpu.memref_slice %arg2[%dma_wait3A_201, %dma_wait3A_202] : memref<10000x128xf32, #tpu.memory_space<hbm>> -> memref<10000x128xf32, #tpu.memory_space<hbm>>
        %dma_wait3A_204 = tpu.memref_slice %arg17[%dma_wait3A_196] : memref<3x!tpu.dma_semaphore, #tpu.memory_space<semaphore_mem>> -> memref<1x!tpu.dma_semaphore, #tpu.memory_space<semaphore_mem>>
        %dma_wait3A_205 = tpu.memref_squeeze %dma_wait3A_204 : memref<1x!tpu.dma_semaphore, #tpu.memory_space<semaphore_mem>> -> memref<!tpu.dma_semaphore, #tpu.memory_space<semaphore_mem>>
        tpu.wait_indirect_dma semaphore(%dma_wait3A_205 : memref<!tpu.dma_semaphore, #tpu.memory_space<semaphore_mem>>) src(%dma_wait3A_203 : memref<10000x128xf32, #tpu.memory_space<hbm>>) dst(%dma_wait3A_200 : memref<112x128xf32, #tpu.memory_space<vmem>>)
        %mul3A_206 = arith.constant 112 : i32
        %mul3A_207 = arith.muli %scan3A_156, %mul3A_206 : i32
        %add3A_208 = arith.addi %add3A_12, %mul3A_207 : i32
        %dma_wait3A_209 = arith.constant 1 : i32
        %dma_wait3A_210 = tpu.memref_slice %arg3[%add3A_208] : memref<640000xi32, #tpu.memory_space<hbm>> -> memref<112xi32, #tpu.memory_space<hbm>>
        %dma_wait3A_211 = tpu.memref_slice %arg18[%dma_wait3A_209] : memref<3x!tpu.dma_semaphore, #tpu.memory_space<semaphore_mem>> -> memref<1x!tpu.dma_semaphore, #tpu.memory_space<semaphore_mem>>
        %dma_wait3A_212 = tpu.memref_squeeze %dma_wait3A_211 : memref<1x!tpu.dma_semaphore, #tpu.memory_space<semaphore_mem>> -> memref<!tpu.dma_semaphore, #tpu.memory_space<semaphore_mem>>
        %dma_wait3A_213 = tpu.memref_slice %arg3[%add3A_208] : memref<640000xi32, #tpu.memory_space<hbm>> -> memref<112xi32, #tpu.memory_space<hbm>>
        tpu.wait_dma2 semaphore(%dma_wait3A_212 : memref<!tpu.dma_semaphore, #tpu.memory_space<semaphore_mem>>) src(%dma_wait3A_213 : memref<112xi32, #tpu.memory_space<hbm>>) dst(%arg10 : memref<112xi32, #tpu.memory_space<vmem>>)
        %dma_start3A_214 = arith.constant 1 : i32
        %dma_start3A_215 = arith.constant 1 : i32
        %dma_start3A_216 = arith.constant 0 : i32
        %dma_start3A_217 = arith.constant 0 : i32
        %dma_start3A_218 = tpu.memref_slice %arg13[%dma_start3A_214, %dma_start3A_216, %dma_start3A_217] : memref<3x112x128xf32, #tpu.memory_space<vmem>> -> memref<1x112x128xf32, #tpu.memory_space<vmem>>
        %dma_start3A_219 = tpu.memref_squeeze %dma_start3A_218 : memref<1x112x128xf32, #tpu.memory_space<vmem>> -> memref<112x128xf32, #tpu.memory_space<vmem>>
        %dma_start3A_220 = arith.constant 0 : i32
        %dma_start3A_221 = arith.constant 0 : i32
        %dma_start3A_222 = tpu.memref_slice %arg16[%dma_start3A_220, %dma_start3A_221] : memref<10000x128xf32, #tpu.memory_space<vmem_shared>> -> memref<10000x128xf32, #tpu.memory_space<vmem_shared>>
        %dma_start3A_223 = tpu.memref_slice %arg19[%dma_start3A_215] : memref<3x!tpu.dma_semaphore, #tpu.memory_space<semaphore_mem>> -> memref<1x!tpu.dma_semaphore, #tpu.memory_space<semaphore_mem>>
        %dma_start3A_224 = tpu.memref_squeeze %dma_start3A_223 : memref<1x!tpu.dma_semaphore, #tpu.memory_space<semaphore_mem>> -> memref<!tpu.dma_semaphore, #tpu.memory_space<semaphore_mem>>
        tpu.enqueue_indirect_dma source(%dma_start3A_219 : memref<112x128xf32, #tpu.memory_space<vmem>>) target(%dma_start3A_222 : memref<10000x128xf32, #tpu.memory_space<vmem_shared>>) offsets(%arg10 : memref<112xi32, #tpu.memory_space<vmem>>) semaphore(%dma_start3A_224 : memref<!tpu.dma_semaphore, #tpu.memory_space<semaphore_mem>>) {add = true}
      } else {
      }
      %rem3A_170 = arith.constant 3 : i32
      %rem3A_171 = arith.remsi %scan3A_156, %rem3A_170 : i32
      %eq3A_172 = arith.constant 2 : i32
      %eq3A_173 = arith.cmpi eq, %rem3A_171, %eq3A_172 : i32
      %convert_element_type3A_174 = arith.extui %eq3A_173 : i1 to i32
      %cond3A_175 = arith.constant 0 : i32
      %cond3A_176 = arith.cmpi ne, %convert_element_type3A_174, %cond3A_175 : i32
      scf.if %cond3A_176 {
        %ge3A = arith.constant 2 : i32
        %ge3A_177 = arith.cmpi sge, %scan3A_156, %ge3A : i32
        %convert_element_type3A_178 = arith.extui %ge3A_177 : i1 to i32
        %cond3A_179 = arith.constant 0 : i32
        %cond3A_180 = arith.cmpi ne, %convert_element_type3A_178, %cond3A_179 : i32
        scf.if %cond3A_180 {
          %dma_wait3A_225 = arith.constant 0 : i32
          %dma_wait3A_226 = arith.constant 0 : i32
          %dma_wait3A_227 = arith.constant 0 : i32
          %dma_wait3A_228 = arith.constant 0 : i32
          %dma_wait3A_229 = tpu.memref_slice %arg13[%dma_wait3A_225, %dma_wait3A_227, %dma_wait3A_228] : memref<3x112x128xf32, #tpu.memory_space<vmem>> -> memref<1x112x128xf32, #tpu.memory_space<vmem>>
          %dma_wait3A_230 = tpu.memref_squeeze %dma_wait3A_229 : memref<1x112x128xf32, #tpu.memory_space<vmem>> -> memref<112x128xf32, #tpu.memory_space<vmem>>
          %dma_wait3A_231 = arith.constant 0 : i32
          %dma_wait3A_232 = arith.constant 0 : i32
          %dma_wait3A_233 = tpu.memref_slice %arg16[%dma_wait3A_231, %dma_wait3A_232] : memref<10000x128xf32, #tpu.memory_space<vmem_shared>> -> memref<10000x128xf32, #tpu.memory_space<vmem_shared>>
          %dma_wait3A_234 = tpu.memref_slice %arg19[%dma_wait3A_226] : memref<3x!tpu.dma_semaphore, #tpu.memory_space<semaphore_mem>> -> memref<1x!tpu.dma_semaphore, #tpu.memory_space<semaphore_mem>>
          %dma_wait3A_235 = tpu.memref_squeeze %dma_wait3A_234 : memref<1x!tpu.dma_semaphore, #tpu.memory_space<semaphore_mem>> -> memref<!tpu.dma_semaphore, #tpu.memory_space<semaphore_mem>>
          tpu.wait_indirect_dma semaphore(%dma_wait3A_235 : memref<!tpu.dma_semaphore, #tpu.memory_space<semaphore_mem>>) src(%dma_wait3A_230 : memref<112x128xf32, #tpu.memory_space<vmem>>) dst(%dma_wait3A_233 : memref<10000x128xf32, #tpu.memory_space<vmem_shared>>)
        } else {
        }
        %add3A_181 = arith.constant 2 : i32
        %add3A_182 = arith.addi %scan3A_156, %add3A_181 : i32
        %lt3A_183 = arith.constant 89 : i32
        %lt3A_184 = arith.cmpi slt, %add3A_182, %lt3A_183 : i32
        %convert_element_type3A_185 = arith.extui %lt3A_184 : i1 to i32
        %cond3A_186 = arith.constant 0 : i32
        %cond3A_187 = arith.cmpi ne, %convert_element_type3A_185, %cond3A_186 : i32
        scf.if %cond3A_187 {
          %add3A_225 = arith.constant 2 : i32
          %add3A_226 = arith.addi %scan3A_156, %add3A_225 : i32
          %mul3A_227 = arith.constant 112 : i32
          %mul3A_228 = arith.muli %add3A_226, %mul3A_227 : i32
          %add3A_229 = arith.addi %mul3A_10, %mul3A_228 : i32
          %dma_start3A_230 = arith.constant 1 : i32
          %dma_start3A_231 = tpu.memref_slice %arg3[%add3A_229] : memref<640000xi32, #tpu.memory_space<hbm>> -> memref<112xi32, #tpu.memory_space<hbm>>
          %dma_start3A_232 = tpu.memref_slice %arg22[%dma_start3A_230] : memref<3x!tpu.dma_semaphore, #tpu.memory_space<semaphore_mem>> -> memref<1x!tpu.dma_semaphore, #tpu.memory_space<semaphore_mem>>
          %dma_start3A_233 = tpu.memref_squeeze %dma_start3A_232 : memref<1x!tpu.dma_semaphore, #tpu.memory_space<semaphore_mem>> -> memref<!tpu.dma_semaphore, #tpu.memory_space<semaphore_mem>>
          %dma_start3A_234 = tpu.memref_slice %arg3[%add3A_229] : memref<640000xi32, #tpu.memory_space<hbm>> -> memref<112xi32, #tpu.memory_space<hbm>>
          tpu.enqueue_dma source(%dma_start3A_234 : memref<112xi32, #tpu.memory_space<hbm>>) target(%arg7 : memref<112xi32, #tpu.memory_space<vmem>>) target_semaphore(%dma_start3A_233 : memref<!tpu.dma_semaphore, #tpu.memory_space<semaphore_mem>>)
          %mul3A_235 = arith.constant 112 : i32
          %mul3A_236 = arith.muli %add3A_226, %mul3A_235 : i32
          %add3A_237 = arith.addi %add3A_12, %mul3A_236 : i32
          %dma_start3A_238 = arith.constant 1 : i32
          %dma_start3A_239 = tpu.memref_slice %arg3[%add3A_237] : memref<640000xi32, #tpu.memory_space<hbm>> -> memref<112xi32, #tpu.memory_space<hbm>>
          %dma_start3A_240 = tpu.memref_slice %arg18[%dma_start3A_238] : memref<3x!tpu.dma_semaphore, #tpu.memory_space<semaphore_mem>> -> memref<1x!tpu.dma_semaphore, #tpu.memory_space<semaphore_mem>>
          %dma_start3A_241 = tpu.memref_squeeze %dma_start3A_240 : memref<1x!tpu.dma_semaphore, #tpu.memory_space<semaphore_mem>> -> memref<!tpu.dma_semaphore, #tpu.memory_space<semaphore_mem>>
          %dma_start3A_242 = tpu.memref_slice %arg3[%add3A_237] : memref<640000xi32, #tpu.memory_space<hbm>> -> memref<112xi32, #tpu.memory_space<hbm>>
          tpu.enqueue_dma source(%dma_start3A_242 : memref<112xi32, #tpu.memory_space<hbm>>) target(%arg10 : memref<112xi32, #tpu.memory_space<vmem>>) target_semaphore(%dma_start3A_241 : memref<!tpu.dma_semaphore, #tpu.memory_space<semaphore_mem>>)
        } else {
        }
        %add3A_188 = arith.constant 1 : i32
        %add3A_189 = arith.addi %scan3A_156, %add3A_188 : i32
        %lt3A_190 = arith.constant 89 : i32
        %lt3A_191 = arith.cmpi slt, %add3A_189, %lt3A_190 : i32
        %convert_element_type3A_192 = arith.extui %lt3A_191 : i1 to i32
        %cond3A_193 = arith.constant 0 : i32
        %cond3A_194 = arith.cmpi ne, %convert_element_type3A_192, %cond3A_193 : i32
        scf.if %cond3A_194 {
          %add3A_225 = arith.constant 1 : i32
          %add3A_226 = arith.addi %scan3A_156, %add3A_225 : i32
          %mul3A_227 = arith.constant 112 : i32
          %mul3A_228 = arith.muli %add3A_226, %mul3A_227 : i32
          %add3A_229 = arith.addi %mul3A_10, %mul3A_228 : i32
          %dma_wait3A_230 = arith.constant 0 : i32
          %dma_wait3A_231 = tpu.memref_slice %arg3[%add3A_229] : memref<640000xi32, #tpu.memory_space<hbm>> -> memref<112xi32, #tpu.memory_space<hbm>>
          %dma_wait3A_232 = tpu.memref_slice %arg22[%dma_wait3A_230] : memref<3x!tpu.dma_semaphore, #tpu.memory_space<semaphore_mem>> -> memref<1x!tpu.dma_semaphore, #tpu.memory_space<semaphore_mem>>
          %dma_wait3A_233 = tpu.memref_squeeze %dma_wait3A_232 : memref<1x!tpu.dma_semaphore, #tpu.memory_space<semaphore_mem>> -> memref<!tpu.dma_semaphore, #tpu.memory_space<semaphore_mem>>
          %dma_wait3A_234 = tpu.memref_slice %arg3[%add3A_229] : memref<640000xi32, #tpu.memory_space<hbm>> -> memref<112xi32, #tpu.memory_space<hbm>>
          tpu.wait_dma2 semaphore(%dma_wait3A_233 : memref<!tpu.dma_semaphore, #tpu.memory_space<semaphore_mem>>) src(%dma_wait3A_234 : memref<112xi32, #tpu.memory_space<hbm>>) dst(%arg6 : memref<112xi32, #tpu.memory_space<vmem>>)
          %dma_start3A_235 = arith.constant 0 : i32
          %dma_start3A_236 = arith.constant 0 : i32
          %dma_start3A_237 = arith.constant 0 : i32
          %dma_start3A_238 = arith.constant 0 : i32
          %dma_start3A_239 = tpu.memref_slice %arg13[%dma_start3A_235, %dma_start3A_237, %dma_start3A_238] : memref<3x112x128xf32, #tpu.memory_space<vmem>> -> memref<1x112x128xf32, #tpu.memory_space<vmem>>
          %dma_start3A_240 = tpu.memref_squeeze %dma_start3A_239 : memref<1x112x128xf32, #tpu.memory_space<vmem>> -> memref<112x128xf32, #tpu.memory_space<vmem>>
          %dma_start3A_241 = arith.constant 0 : i32
          %dma_start3A_242 = arith.constant 0 : i32
          %dma_start3A_243 = tpu.memref_slice %arg2[%dma_start3A_241, %dma_start3A_242] : memref<10000x128xf32, #tpu.memory_space<hbm>> -> memref<10000x128xf32, #tpu.memory_space<hbm>>
          %dma_start3A_244 = tpu.memref_slice %arg17[%dma_start3A_236] : memref<3x!tpu.dma_semaphore, #tpu.memory_space<semaphore_mem>> -> memref<1x!tpu.dma_semaphore, #tpu.memory_space<semaphore_mem>>
          %dma_start3A_245 = tpu.memref_squeeze %dma_start3A_244 : memref<1x!tpu.dma_semaphore, #tpu.memory_space<semaphore_mem>> -> memref<!tpu.dma_semaphore, #tpu.memory_space<semaphore_mem>>
          tpu.enqueue_indirect_dma source(%dma_start3A_243 : memref<10000x128xf32, #tpu.memory_space<hbm>>) target(%dma_start3A_240 : memref<112x128xf32, #tpu.memory_space<vmem>>) offsets(%arg6 : memref<112xi32, #tpu.memory_space<vmem>>) semaphore(%dma_start3A_245 : memref<!tpu.dma_semaphore, #tpu.memory_space<semaphore_mem>>)
        } else {
        }
        %dma_wait3A_195 = arith.constant 2 : i32
        %dma_wait3A_196 = arith.constant 2 : i32
        %dma_wait3A_197 = arith.constant 0 : i32
        %dma_wait3A_198 = arith.constant 0 : i32
        %dma_wait3A_199 = tpu.memref_slice %arg13[%dma_wait3A_195, %dma_wait3A_197, %dma_wait3A_198] : memref<3x112x128xf32, #tpu.memory_space<vmem>> -> memref<1x112x128xf32, #tpu.memory_space<vmem>>
        %dma_wait3A_200 = tpu.memref_squeeze %dma_wait3A_199 : memref<1x112x128xf32, #tpu.memory_space<vmem>> -> memref<112x128xf32, #tpu.memory_space<vmem>>
        %dma_wait3A_201 = arith.constant 0 : i32
        %dma_wait3A_202 = arith.constant 0 : i32
        %dma_wait3A_203 = tpu.memref_slice %arg2[%dma_wait3A_201, %dma_wait3A_202] : memref<10000x128xf32, #tpu.memory_space<hbm>> -> memref<10000x128xf32, #tpu.memory_space<hbm>>
        %dma_wait3A_204 = tpu.memref_slice %arg17[%dma_wait3A_196] : memref<3x!tpu.dma_semaphore, #tpu.memory_space<semaphore_mem>> -> memref<1x!tpu.dma_semaphore, #tpu.memory_space<semaphore_mem>>
        %dma_wait3A_205 = tpu.memref_squeeze %dma_wait3A_204 : memref<1x!tpu.dma_semaphore, #tpu.memory_space<semaphore_mem>> -> memref<!tpu.dma_semaphore, #tpu.memory_space<semaphore_mem>>
        tpu.wait_indirect_dma semaphore(%dma_wait3A_205 : memref<!tpu.dma_semaphore, #tpu.memory_space<semaphore_mem>>) src(%dma_wait3A_203 : memref<10000x128xf32, #tpu.memory_space<hbm>>) dst(%dma_wait3A_200 : memref<112x128xf32, #tpu.memory_space<vmem>>)
        %mul3A_206 = arith.constant 112 : i32
        %mul3A_207 = arith.muli %scan3A_156, %mul3A_206 : i32
        %add3A_208 = arith.addi %add3A_12, %mul3A_207 : i32
        %dma_wait3A_209 = arith.constant 2 : i32
        %dma_wait3A_210 = tpu.memref_slice %arg3[%add3A_208] : memref<640000xi32, #tpu.memory_space<hbm>> -> memref<112xi32, #tpu.memory_space<hbm>>
        %dma_wait3A_211 = tpu.memref_slice %arg18[%dma_wait3A_209] : memref<3x!tpu.dma_semaphore, #tpu.memory_space<semaphore_mem>> -> memref<1x!tpu.dma_semaphore, #tpu.memory_space<semaphore_mem>>
        %dma_wait3A_212 = tpu.memref_squeeze %dma_wait3A_211 : memref<1x!tpu.dma_semaphore, #tpu.memory_space<semaphore_mem>> -> memref<!tpu.dma_semaphore, #tpu.memory_space<semaphore_mem>>
        %dma_wait3A_213 = tpu.memref_slice %arg3[%add3A_208] : memref<640000xi32, #tpu.memory_space<hbm>> -> memref<112xi32, #tpu.memory_space<hbm>>
        tpu.wait_dma2 semaphore(%dma_wait3A_212 : memref<!tpu.dma_semaphore, #tpu.memory_space<semaphore_mem>>) src(%dma_wait3A_213 : memref<112xi32, #tpu.memory_space<hbm>>) dst(%arg11 : memref<112xi32, #tpu.memory_space<vmem>>)
        %dma_start3A_214 = arith.constant 2 : i32
        %dma_start3A_215 = arith.constant 2 : i32
        %dma_start3A_216 = arith.constant 0 : i32
        %dma_start3A_217 = arith.constant 0 : i32
        %dma_start3A_218 = tpu.memref_slice %arg13[%dma_start3A_214, %dma_start3A_216, %dma_start3A_217] : memref<3x112x128xf32, #tpu.memory_space<vmem>> -> memref<1x112x128xf32, #tpu.memory_space<vmem>>
        %dma_start3A_219 = tpu.memref_squeeze %dma_start3A_218 : memref<1x112x128xf32, #tpu.memory_space<vmem>> -> memref<112x128xf32, #tpu.memory_space<vmem>>
        %dma_start3A_220 = arith.constant 0 : i32
        %dma_start3A_221 = arith.constant 0 : i32
        %dma_start3A_222 = tpu.memref_slice %arg16[%dma_start3A_220, %dma_start3A_221] : memref<10000x128xf32, #tpu.memory_space<vmem_shared>> -> memref<10000x128xf32, #tpu.memory_space<vmem_shared>>
        %dma_start3A_223 = tpu.memref_slice %arg19[%dma_start3A_215] : memref<3x!tpu.dma_semaphore, #tpu.memory_space<semaphore_mem>> -> memref<1x!tpu.dma_semaphore, #tpu.memory_space<semaphore_mem>>
        %dma_start3A_224 = tpu.memref_squeeze %dma_start3A_223 : memref<1x!tpu.dma_semaphore, #tpu.memory_space<semaphore_mem>> -> memref<!tpu.dma_semaphore, #tpu.memory_space<semaphore_mem>>
        tpu.enqueue_indirect_dma source(%dma_start3A_219 : memref<112x128xf32, #tpu.memory_space<vmem>>) target(%dma_start3A_222 : memref<10000x128xf32, #tpu.memory_space<vmem_shared>>) offsets(%arg11 : memref<112xi32, #tpu.memory_space<vmem>>) semaphore(%dma_start3A_224 : memref<!tpu.dma_semaphore, #tpu.memory_space<semaphore_mem>>) {add = true}
      } else {
      }
    }
    %scan3A_84 = arith.constant 89 : i32
    %dma_wait3A_85 = arith.constant 0 : i32
    %dma_wait3A_86 = arith.constant 0 : i32
    %dma_wait3A_87 = arith.constant 0 : i32
    %dma_wait3A_88 = arith.constant 0 : i32
    %dma_wait3A_89 = tpu.memref_slice %arg13[%dma_wait3A_85, %dma_wait3A_87, %dma_wait3A_88] : memref<3x112x128xf32, #tpu.memory_space<vmem>> -> memref<1x112x128xf32, #tpu.memory_space<vmem>>
    %dma_wait3A_90 = tpu.memref_squeeze %dma_wait3A_89 : memref<1x112x128xf32, #tpu.memory_space<vmem>> -> memref<112x128xf32, #tpu.memory_space<vmem>>
    %dma_wait3A_91 = arith.constant 0 : i32
    %dma_wait3A_92 = arith.constant 0 : i32
    %dma_wait3A_93 = tpu.memref_slice %arg16[%dma_wait3A_91, %dma_wait3A_92] : memref<10000x128xf32, #tpu.memory_space<vmem_shared>> -> memref<10000x128xf32, #tpu.memory_space<vmem_shared>>
    %dma_wait3A_94 = tpu.memref_slice %arg19[%dma_wait3A_86] : memref<3x!tpu.dma_semaphore, #tpu.memory_space<semaphore_mem>> -> memref<1x!tpu.dma_semaphore, #tpu.memory_space<semaphore_mem>>
    %dma_wait3A_95 = tpu.memref_squeeze %dma_wait3A_94 : memref<1x!tpu.dma_semaphore, #tpu.memory_space<semaphore_mem>> -> memref<!tpu.dma_semaphore, #tpu.memory_space<semaphore_mem>>
    tpu.wait_indirect_dma semaphore(%dma_wait3A_95 : memref<!tpu.dma_semaphore, #tpu.memory_space<semaphore_mem>>) src(%dma_wait3A_90 : memref<112x128xf32, #tpu.memory_space<vmem>>) dst(%dma_wait3A_93 : memref<10000x128xf32, #tpu.memory_space<vmem_shared>>)
    %dma_wait3A_96 = arith.constant 1 : i32
    %dma_wait3A_97 = arith.constant 1 : i32
    %dma_wait3A_98 = arith.constant 0 : i32
    %dma_wait3A_99 = arith.constant 0 : i32
    %dma_wait3A_100 = tpu.memref_slice %arg13[%dma_wait3A_96, %dma_wait3A_98, %dma_wait3A_99] : memref<3x112x128xf32, #tpu.memory_space<vmem>> -> memref<1x112x128xf32, #tpu.memory_space<vmem>>
    %dma_wait3A_101 = tpu.memref_squeeze %dma_wait3A_100 : memref<1x112x128xf32, #tpu.memory_space<vmem>> -> memref<112x128xf32, #tpu.memory_space<vmem>>
    %dma_wait3A_102 = arith.constant 0 : i32
    %dma_wait3A_103 = arith.constant 0 : i32
    %dma_wait3A_104 = tpu.memref_slice %arg16[%dma_wait3A_102, %dma_wait3A_103] : memref<10000x128xf32, #tpu.memory_space<vmem_shared>> -> memref<10000x128xf32, #tpu.memory_space<vmem_shared>>
    %dma_wait3A_105 = tpu.memref_slice %arg19[%dma_wait3A_97] : memref<3x!tpu.dma_semaphore, #tpu.memory_space<semaphore_mem>> -> memref<1x!tpu.dma_semaphore, #tpu.memory_space<semaphore_mem>>
    %dma_wait3A_106 = tpu.memref_squeeze %dma_wait3A_105 : memref<1x!tpu.dma_semaphore, #tpu.memory_space<semaphore_mem>> -> memref<!tpu.dma_semaphore, #tpu.memory_space<semaphore_mem>>
    tpu.wait_indirect_dma semaphore(%dma_wait3A_106 : memref<!tpu.dma_semaphore, #tpu.memory_space<semaphore_mem>>) src(%dma_wait3A_101 : memref<112x128xf32, #tpu.memory_space<vmem>>) dst(%dma_wait3A_104 : memref<10000x128xf32, #tpu.memory_space<vmem_shared>>)
    %add3A_107 = arith.constant 9968 : i32
    %add3A_108 = arith.addi %mul3A_10, %add3A_107 : i32
    %dma_wait3A_109 = arith.constant 0 : i32
    %dma_wait3A_110 = tpu.memref_slice %arg3[%add3A_108] : memref<640000xi32, #tpu.memory_space<hbm>> -> memref<32xi32, #tpu.memory_space<hbm>>
    %dma_wait3A_111 = tpu.memref_slice %arg20[%dma_wait3A_109] : memref<2x!tpu.dma_semaphore, #tpu.memory_space<semaphore_mem>> -> memref<1x!tpu.dma_semaphore, #tpu.memory_space<semaphore_mem>>
    %dma_wait3A_112 = tpu.memref_squeeze %dma_wait3A_111 : memref<1x!tpu.dma_semaphore, #tpu.memory_space<semaphore_mem>> -> memref<!tpu.dma_semaphore, #tpu.memory_space<semaphore_mem>>
    %dma_wait3A_113 = tpu.memref_slice %arg3[%add3A_108] : memref<640000xi32, #tpu.memory_space<hbm>> -> memref<32xi32, #tpu.memory_space<hbm>>
    tpu.wait_dma2 semaphore(%dma_wait3A_112 : memref<!tpu.dma_semaphore, #tpu.memory_space<semaphore_mem>>) src(%dma_wait3A_113 : memref<32xi32, #tpu.memory_space<hbm>>) dst(%arg12 : memref<32xi32, #tpu.memory_space<vmem>>)
    %dma_start3A_114 = arith.constant 0 : i32
    %dma_start3A_115 = arith.constant 0 : i32
    %dma_start3A_116 = arith.constant 0 : i32
    %dma_start3A_117 = tpu.memref_slice %arg2[%dma_start3A_115, %dma_start3A_116] : memref<10000x128xf32, #tpu.memory_space<hbm>> -> memref<10000x128xf32, #tpu.memory_space<hbm>>
    %dma_start3A_118 = tpu.memref_slice %arg20[%dma_start3A_114] : memref<2x!tpu.dma_semaphore, #tpu.memory_space<semaphore_mem>> -> memref<1x!tpu.dma_semaphore, #tpu.memory_space<semaphore_mem>>
    %dma_start3A_119 = tpu.memref_squeeze %dma_start3A_118 : memref<1x!tpu.dma_semaphore, #tpu.memory_space<semaphore_mem>> -> memref<!tpu.dma_semaphore, #tpu.memory_space<semaphore_mem>>
    tpu.enqueue_indirect_dma source(%dma_start3A_117 : memref<10000x128xf32, #tpu.memory_space<hbm>>) target(%arg15 : memref<32x128xf32, #tpu.memory_space<vmem>>) offsets(%arg12 : memref<32xi32, #tpu.memory_space<vmem>>) semaphore(%dma_start3A_119 : memref<!tpu.dma_semaphore, #tpu.memory_space<semaphore_mem>>)
    %dma_wait3A_120 = arith.constant 0 : i32
    %dma_wait3A_121 = arith.constant 0 : i32
    %dma_wait3A_122 = arith.constant 0 : i32
    %dma_wait3A_123 = tpu.memref_slice %arg2[%dma_wait3A_121, %dma_wait3A_122] : memref<10000x128xf32, #tpu.memory_space<hbm>> -> memref<10000x128xf32, #tpu.memory_space<hbm>>
    %dma_wait3A_124 = tpu.memref_slice %arg20[%dma_wait3A_120] : memref<2x!tpu.dma_semaphore, #tpu.memory_space<semaphore_mem>> -> memref<1x!tpu.dma_semaphore, #tpu.memory_space<semaphore_mem>>
    %dma_wait3A_125 = tpu.memref_squeeze %dma_wait3A_124 : memref<1x!tpu.dma_semaphore, #tpu.memory_space<semaphore_mem>> -> memref<!tpu.dma_semaphore, #tpu.memory_space<semaphore_mem>>
    tpu.wait_indirect_dma semaphore(%dma_wait3A_125 : memref<!tpu.dma_semaphore, #tpu.memory_space<semaphore_mem>>) src(%dma_wait3A_123 : memref<10000x128xf32, #tpu.memory_space<hbm>>) dst(%arg15 : memref<32x128xf32, #tpu.memory_space<vmem>>)
    %add3A_126 = arith.constant 9968 : i32
    %add3A_127 = arith.addi %add3A_12, %add3A_126 : i32
    %dma_wait3A_128 = arith.constant 1 : i32
    %dma_wait3A_129 = tpu.memref_slice %arg3[%add3A_127] : memref<640000xi32, #tpu.memory_space<hbm>> -> memref<32xi32, #tpu.memory_space<hbm>>
    %dma_wait3A_130 = tpu.memref_slice %arg20[%dma_wait3A_128] : memref<2x!tpu.dma_semaphore, #tpu.memory_space<semaphore_mem>> -> memref<1x!tpu.dma_semaphore, #tpu.memory_space<semaphore_mem>>
    %dma_wait3A_131 = tpu.memref_squeeze %dma_wait3A_130 : memref<1x!tpu.dma_semaphore, #tpu.memory_space<semaphore_mem>> -> memref<!tpu.dma_semaphore, #tpu.memory_space<semaphore_mem>>
    %dma_wait3A_132 = tpu.memref_slice %arg3[%add3A_127] : memref<640000xi32, #tpu.memory_space<hbm>> -> memref<32xi32, #tpu.memory_space<hbm>>
    tpu.wait_dma2 semaphore(%dma_wait3A_131 : memref<!tpu.dma_semaphore, #tpu.memory_space<semaphore_mem>>) src(%dma_wait3A_132 : memref<32xi32, #tpu.memory_space<hbm>>) dst(%arg14 : memref<32xi32, #tpu.memory_space<vmem>>)
    %dma_start3A_133 = arith.constant 0 : i32
    %dma_start3A_134 = arith.constant 0 : i32
    %dma_start3A_135 = arith.constant 0 : i32
    %dma_start3A_136 = tpu.memref_slice %arg16[%dma_start3A_134, %dma_start3A_135] : memref<10000x128xf32, #tpu.memory_space<vmem_shared>> -> memref<10000x128xf32, #tpu.memory_space<vmem_shared>>
    %dma_start3A_137 = tpu.memref_slice %arg20[%dma_start3A_133] : memref<2x!tpu.dma_semaphore, #tpu.memory_space<semaphore_mem>> -> memref<1x!tpu.dma_semaphore, #tpu.memory_space<semaphore_mem>>
    %dma_start3A_138 = tpu.memref_squeeze %dma_start3A_137 : memref<1x!tpu.dma_semaphore, #tpu.memory_space<semaphore_mem>> -> memref<!tpu.dma_semaphore, #tpu.memory_space<semaphore_mem>>
    tpu.enqueue_indirect_dma source(%arg15 : memref<32x128xf32, #tpu.memory_space<vmem>>) target(%dma_start3A_136 : memref<10000x128xf32, #tpu.memory_space<vmem_shared>>) offsets(%arg14 : memref<32xi32, #tpu.memory_space<vmem>>) semaphore(%dma_start3A_138 : memref<!tpu.dma_semaphore, #tpu.memory_space<semaphore_mem>>) {add = true}
    %dma_wait3A_139 = arith.constant 0 : i32
    %dma_wait3A_140 = arith.constant 0 : i32
    %dma_wait3A_141 = arith.constant 0 : i32
    %dma_wait3A_142 = tpu.memref_slice %arg16[%dma_wait3A_140, %dma_wait3A_141] : memref<10000x128xf32, #tpu.memory_space<vmem_shared>> -> memref<10000x128xf32, #tpu.memory_space<vmem_shared>>
    %dma_wait3A_143 = tpu.memref_slice %arg20[%dma_wait3A_139] : memref<2x!tpu.dma_semaphore, #tpu.memory_space<semaphore_mem>> -> memref<1x!tpu.dma_semaphore, #tpu.memory_space<semaphore_mem>>
    %dma_wait3A_144 = tpu.memref_squeeze %dma_wait3A_143 : memref<1x!tpu.dma_semaphore, #tpu.memory_space<semaphore_mem>> -> memref<!tpu.dma_semaphore, #tpu.memory_space<semaphore_mem>>
    tpu.wait_indirect_dma semaphore(%dma_wait3A_144 : memref<!tpu.dma_semaphore, #tpu.memory_space<semaphore_mem>>) src(%arg15 : memref<32x128xf32, #tpu.memory_space<vmem>>) dst(%dma_wait3A_142 : memref<10000x128xf32, #tpu.memory_space<vmem_shared>>)
    %barrier3A_145 = arith.constant 0 : index
    tpu.barrier barrier_id(%barrier3A_145)
    %lt3A_146 = arith.constant 15 : i32
    %lt3A_147 = arith.cmpi slt, %arg1, %lt3A_146 : i32
    %convert_element_type3A_148 = arith.extui %lt3A_147 : i1 to i32
    %cond3A_149 = arith.constant 0 : i32
    %cond3A_150 = arith.cmpi ne, %convert_element_type3A_148, %cond3A_149 : i32
    scf.if %cond3A_150 {
      "tpu.region"() ({
        %run_scoped3A = tpu.sem_alloc : memref<!tpu.dma_semaphore, #tpu.memory_space<semaphore_mem>>
        %dma_start3A_156 = arith.constant 0 : i32
        %dma_start3A_157 = tpu.memref_slice %arg5[%arg0, %mul3A_2, %dma_start3A_156] : memref<2x10000x128xf32, #tpu.memory_space<hbm>> -> memref<1x640x128xf32, #tpu.memory_space<hbm>>
        %dma_start3A_158 = tpu.memref_squeeze %dma_start3A_157 : memref<1x640x128xf32, #tpu.memory_space<hbm>> -> memref<640x128xf32, #tpu.memory_space<hbm>>
        %dma_start3A_159 = arith.constant 0 : i32
        %dma_start3A_160 = tpu.memref_slice %arg16[%mul3A_2, %dma_start3A_159] : memref<10000x128xf32, #tpu.memory_space<vmem_shared>> -> memref<640x128xf32, #tpu.memory_space<vmem_shared>>
        tpu.enqueue_dma source(%dma_start3A_160 : memref<640x128xf32, #tpu.memory_space<vmem_shared>>) target(%dma_start3A_158 : memref<640x128xf32, #tpu.memory_space<hbm>>) target_semaphore(%run_scoped3A : memref<!tpu.dma_semaphore, #tpu.memory_space<semaphore_mem>>)
        %dma_wait3A_161 = arith.constant 0 : i32
        %dma_wait3A_162 = tpu.memref_slice %arg5[%arg0, %mul3A_2, %dma_wait3A_161] : memref<2x10000x128xf32, #tpu.memory_space<hbm>> -> memref<1x640x128xf32, #tpu.memory_space<hbm>>
        %dma_wait3A_163 = tpu.memref_squeeze %dma_wait3A_162 : memref<1x640x128xf32, #tpu.memory_space<hbm>> -> memref<640x128xf32, #tpu.memory_space<hbm>>
        %dma_wait3A_164 = arith.constant 0 : i32
        %dma_wait3A_165 = tpu.memref_slice %arg16[%mul3A_2, %dma_wait3A_164] : memref<10000x128xf32, #tpu.memory_space<vmem_shared>> -> memref<640x128xf32, #tpu.memory_space<vmem_shared>>
        tpu.wait_dma2 semaphore(%run_scoped3A : memref<!tpu.dma_semaphore, #tpu.memory_space<semaphore_mem>>) src(%dma_wait3A_165 : memref<640x128xf32, #tpu.memory_space<vmem_shared>>) dst(%dma_wait3A_163 : memref<640x128xf32, #tpu.memory_space<hbm>>)
        tpu.yield
      }) : () -> ()
    } else {
    }
    %eq3A_151 = arith.constant 15 : i32
    %eq3A_152 = arith.cmpi eq, %arg1, %eq3A_151 : i32
    %convert_element_type3A_153 = arith.extui %eq3A_152 : i1 to i32
    %cond3A_154 = arith.constant 0 : i32
    %cond3A_155 = arith.cmpi ne, %convert_element_type3A_153, %cond3A_154 : i32
    scf.if %cond3A_155 {
      "tpu.region"() ({
        %run_scoped3A = tpu.sem_alloc : memref<!tpu.dma_semaphore, #tpu.memory_space<semaphore_mem>>
        %dma_start3A_156 = arith.constant 9600 : i32
        %dma_start3A_157 = arith.constant 0 : i32
        %dma_start3A_158 = tpu.memref_slice %arg5[%arg0, %dma_start3A_156, %dma_start3A_157] : memref<2x10000x128xf32, #tpu.memory_space<hbm>> -> memref<1x400x128xf32, #tpu.memory_space<hbm>>
        %dma_start3A_159 = tpu.memref_squeeze %dma_start3A_158 : memref<1x400x128xf32, #tpu.memory_space<hbm>> -> memref<400x128xf32, #tpu.memory_space<hbm>>
        %dma_start3A_160 = arith.constant 9600 : i32
        %dma_start3A_161 = arith.constant 0 : i32
        %dma_start3A_162 = tpu.memref_slice %arg16[%dma_start3A_160, %dma_start3A_161] : memref<10000x128xf32, #tpu.memory_space<vmem_shared>> -> memref<400x128xf32, #tpu.memory_space<vmem_shared>>
        tpu.enqueue_dma source(%dma_start3A_162 : memref<400x128xf32, #tpu.memory_space<vmem_shared>>) target(%dma_start3A_159 : memref<400x128xf32, #tpu.memory_space<hbm>>) target_semaphore(%run_scoped3A : memref<!tpu.dma_semaphore, #tpu.memory_space<semaphore_mem>>)
        %dma_wait3A_163 = arith.constant 9600 : i32
        %dma_wait3A_164 = arith.constant 0 : i32
        %dma_wait3A_165 = tpu.memref_slice %arg5[%arg0, %dma_wait3A_163, %dma_wait3A_164] : memref<2x10000x128xf32, #tpu.memory_space<hbm>> -> memref<1x400x128xf32, #tpu.memory_space<hbm>>
        %dma_wait3A_166 = tpu.memref_squeeze %dma_wait3A_165 : memref<1x400x128xf32, #tpu.memory_space<hbm>> -> memref<400x128xf32, #tpu.memory_space<hbm>>
        %dma_wait3A_167 = arith.constant 9600 : i32
        %dma_wait3A_168 = arith.constant 0 : i32
        %dma_wait3A_169 = tpu.memref_slice %arg16[%dma_wait3A_167, %dma_wait3A_168] : memref<10000x128xf32, #tpu.memory_space<vmem_shared>> -> memref<400x128xf32, #tpu.memory_space<vmem_shared>>
        tpu.wait_dma2 semaphore(%run_scoped3A : memref<!tpu.dma_semaphore, #tpu.memory_space<semaphore_mem>>) src(%dma_wait3A_169 : memref<400x128xf32, #tpu.memory_space<vmem_shared>>) dst(%dma_wait3A_166 : memref<400x128xf32, #tpu.memory_space<hbm>>)
        tpu.yield
      }) : () -> ()
    } else {
    }
    return
  }
}

#map = affine_map<(d0, d1) -> (0, 0)>
#map1 = affine_map<(d0, d1) -> (0)>
#map2 = affine_map<(d0, d1) -> (0, 0, 0)>
module attributes {stable_mosaic.version = 14 : i64} {
  func.func @sc_agg(%arg0: i32, %arg1: i32, %arg2: memref<10000x128xf32, #tpu.memory_space<hbm>>, %arg3: memref<640000xi32, #tpu.memory_space<hbm>>, %arg4: memref<10000x128xf32, #tpu.memory_space<hbm>>, %arg5: memref<2x10000x128xf32, #tpu.memory_space<hbm>>, %arg6: memref<112xi32, #tpu.memory_space<vmem>>, %arg7: memref<112xi32, #tpu.memory_space<vmem>>, %arg8: memref<112xi32, #tpu.memory_space<vmem>>, %arg9: memref<112xi32, #tpu.memory_space<vmem>>, %arg10: memref<112xi32, #tpu.memory_space<vmem>>, %arg11: memref<112xi32, #tpu.memory_space<vmem>>, %arg12: memref<32xi32, #tpu.memory_space<vmem>>, %arg13: memref<3x112x128xf32, #tpu.memory_space<vmem>>, %arg14: memref<32xi32, #tpu.memory_space<vmem>>, %arg15: memref<32x128xf32, #tpu.memory_space<vmem>>, %arg16: memref<10000x128xf32, #tpu.memory_space<vmem_shared>>, %arg17: memref<3x!tpu.dma_semaphore, #tpu.memory_space<semaphore_mem>>, %arg18: memref<3x!tpu.dma_semaphore, #tpu.memory_space<semaphore_mem>>, %arg19: memref<3x!tpu.dma_semaphore, #tpu.memory_space<semaphore_mem>>, %arg20: memref<2x!tpu.dma_semaphore, #tpu.memory_space<semaphore_mem>>, %arg21: memref<!tpu.dma_semaphore, #tpu.memory_space<semaphore_mem>>, %arg22: memref<3x!tpu.dma_semaphore, #tpu.memory_space<semaphore_mem>>) attributes {dimension_semantics = [#tpu.dimension_semantics<core_parallel>, #tpu.dimension_semantics<subcore_parallel>], iteration_bounds = array<i64: 2, 16>, scalar_prefetch = 0 : i64, scratch_operands = 17 : i64, tpu.core_type = #tpu.core_type<sc_vector_subcore>, window_params = [{transform_indices = #map}, {transform_indices = #map1}, {transform_indices = #map}, {transform_indices = #map2}]} {
    %mul3A = arith.constant 16 : i32
    %mul3A_0 = arith.muli %arg0, %mul3A : i32
    %add3A = arith.addi %mul3A_0, %arg1 : i32
    %mul3A_1 = arith.constant 640 : i32
    %mul3A_2 = arith.muli %arg1, %mul3A_1 : i32
    %lt3A = arith.constant 15 : i32
    %lt3A_3 = arith.cmpi slt, %arg1, %lt3A : i32
    %convert_element_type3A = arith.extui %lt3A_3 : i1 to i32
    %cond3A = arith.constant 0 : i32
    %cond3A_4 = arith.cmpi ne, %convert_element_type3A, %cond3A : i32
    scf.if %cond3A_4 {
      %dma_start3A_156 = arith.constant 0 : i32
      %dma_start3A_157 = tpu.memref_slice %arg16[%mul3A_2, %dma_start3A_156] : memref<10000x128xf32, #tpu.memory_space<vmem_shared>> -> memref<640x128xf32, #tpu.memory_space<vmem_shared>>
      %dma_start3A_158 = arith.constant 0 : i32
      %dma_start3A_159 = tpu.memref_slice %arg4[%mul3A_2, %dma_start3A_158] : memref<10000x128xf32, #tpu.memory_space<hbm>> -> memref<640x128xf32, #tpu.memory_space<hbm>>
      tpu.enqueue_dma source(%dma_start3A_159 : memref<640x128xf32, #tpu.memory_space<hbm>>) target(%dma_start3A_157 : memref<640x128xf32, #tpu.memory_space<vmem_shared>>) target_semaphore(%arg21 : memref<!tpu.dma_semaphore, #tpu.memory_space<semaphore_mem>>)
    } else {
    }
    %eq3A = arith.constant 15 : i32
    %eq3A_5 = arith.cmpi eq, %arg1, %eq3A : i32
    %convert_element_type3A_6 = arith.extui %eq3A_5 : i1 to i32
    %cond3A_7 = arith.constant 0 : i32
    %cond3A_8 = arith.cmpi ne, %convert_element_type3A_6, %cond3A_7 : i32
    scf.if %cond3A_8 {
      %dma_start3A_156 = arith.constant 9600 : i32
      %dma_start3A_157 = arith.constant 0 : i32
      %dma_start3A_158 = tpu.memref_slice %arg16[%dma_start3A_156, %dma_start3A_157] : memref<10000x128xf32, #tpu.memory_space<vmem_shared>> -> memref<400x128xf32, #tpu.memory_space<vmem_shared>>
      %dma_start3A_159 = arith.constant 9600 : i32
      %dma_start3A_160 = arith.constant 0 : i32
      %dma_start3A_161 = tpu.memref_slice %arg4[%dma_start3A_159, %dma_start3A_160] : memref<10000x128xf32, #tpu.memory_space<hbm>> -> memref<400x128xf32, #tpu.memory_space<hbm>>
      tpu.enqueue_dma source(%dma_start3A_161 : memref<400x128xf32, #tpu.memory_space<hbm>>) target(%dma_start3A_158 : memref<400x128xf32, #tpu.memory_space<vmem_shared>>) target_semaphore(%arg21 : memref<!tpu.dma_semaphore, #tpu.memory_space<semaphore_mem>>)
    } else {
    }
    %mul3A_9 = arith.constant 10000 : i32
    %mul3A_10 = arith.muli %add3A, %mul3A_9 : i32
    %add3A_11 = arith.constant 320000 : i32
    %add3A_12 = arith.addi %add3A_11, %mul3A_10 : i32
    %add3A_13 = arith.constant 9968 : i32
    %add3A_14 = arith.addi %mul3A_10, %add3A_13 : i32
    %dma_start3A = arith.constant 0 : i32
    %dma_start3A_15 = tpu.memref_slice %arg3[%add3A_14] : memref<640000xi32, #tpu.memory_space<hbm>> -> memref<32xi32, #tpu.memory_space<hbm>>
    %dma_start3A_16 = tpu.memref_slice %arg20[%dma_start3A] : memref<2x!tpu.dma_semaphore, #tpu.memory_space<semaphore_mem>> -> memref<1x!tpu.dma_semaphore, #tpu.memory_space<semaphore_mem>>
    %dma_start3A_17 = tpu.memref_squeeze %dma_start3A_16 : memref<1x!tpu.dma_semaphore, #tpu.memory_space<semaphore_mem>> -> memref<!tpu.dma_semaphore, #tpu.memory_space<semaphore_mem>>
    %dma_start3A_18 = tpu.memref_slice %arg3[%add3A_14] : memref<640000xi32, #tpu.memory_space<hbm>> -> memref<32xi32, #tpu.memory_space<hbm>>
    tpu.enqueue_dma source(%dma_start3A_18 : memref<32xi32, #tpu.memory_space<hbm>>) target(%arg12 : memref<32xi32, #tpu.memory_space<vmem>>) target_semaphore(%dma_start3A_17 : memref<!tpu.dma_semaphore, #tpu.memory_space<semaphore_mem>>)
    %add3A_19 = arith.constant 9968 : i32
    %add3A_20 = arith.addi %add3A_12, %add3A_19 : i32
    %dma_start3A_21 = arith.constant 1 : i32
    %dma_start3A_22 = tpu.memref_slice %arg3[%add3A_20] : memref<640000xi32, #tpu.memory_space<hbm>> -> memref<32xi32, #tpu.memory_space<hbm>>
    %dma_start3A_23 = tpu.memref_slice %arg20[%dma_start3A_21] : memref<2x!tpu.dma_semaphore, #tpu.memory_space<semaphore_mem>> -> memref<1x!tpu.dma_semaphore, #tpu.memory_space<semaphore_mem>>
    %dma_start3A_24 = tpu.memref_squeeze %dma_start3A_23 : memref<1x!tpu.dma_semaphore, #tpu.memory_space<semaphore_mem>> -> memref<!tpu.dma_semaphore, #tpu.memory_space<semaphore_mem>>
    %dma_start3A_25 = tpu.memref_slice %arg3[%add3A_20] : memref<640000xi32, #tpu.memory_space<hbm>> -> memref<32xi32, #tpu.memory_space<hbm>>
    tpu.enqueue_dma source(%dma_start3A_25 : memref<32xi32, #tpu.memory_space<hbm>>) target(%arg14 : memref<32xi32, #tpu.memory_space<vmem>>) target_semaphore(%dma_start3A_24 : memref<!tpu.dma_semaphore, #tpu.memory_space<semaphore_mem>>)
    %add3A_26 = arith.constant 0 : i32
    %add3A_27 = arith.addi %mul3A_10, %add3A_26 : i32
    %dma_start3A_28 = arith.constant 0 : i32
    %dma_start3A_29 = tpu.memref_slice %arg3[%add3A_27] : memref<640000xi32, #tpu.memory_space<hbm>> -> memref<112xi32, #tpu.memory_space<hbm>>
    %dma_start3A_30 = tpu.memref_slice %arg22[%dma_start3A_28] : memref<3x!tpu.dma_semaphore, #tpu.memory_space<semaphore_mem>> -> memref<1x!tpu.dma_semaphore, #tpu.memory_space<semaphore_mem>>
    %dma_start3A_31 = tpu.memref_squeeze %dma_start3A_30 : memref<1x!tpu.dma_semaphore, #tpu.memory_space<semaphore_mem>> -> memref<!tpu.dma_semaphore, #tpu.memory_space<semaphore_mem>>
    %dma_start3A_32 = tpu.memref_slice %arg3[%add3A_27] : memref<640000xi32, #tpu.memory_space<hbm>> -> memref<112xi32, #tpu.memory_space<hbm>>
    tpu.enqueue_dma source(%dma_start3A_32 : memref<112xi32, #tpu.memory_space<hbm>>) target(%arg6 : memref<112xi32, #tpu.memory_space<vmem>>) target_semaphore(%dma_start3A_31 : memref<!tpu.dma_semaphore, #tpu.memory_space<semaphore_mem>>)
    %add3A_33 = arith.constant 0 : i32
    %add3A_34 = arith.addi %add3A_12, %add3A_33 : i32
    %dma_start3A_35 = arith.constant 0 : i32
    %dma_start3A_36 = tpu.memref_slice %arg3[%add3A_34] : memref<640000xi32, #tpu.memory_space<hbm>> -> memref<112xi32, #tpu.memory_space<hbm>>
    %dma_start3A_37 = tpu.memref_slice %arg18[%dma_start3A_35] : memref<3x!tpu.dma_semaphore, #tpu.memory_space<semaphore_mem>> -> memref<1x!tpu.dma_semaphore, #tpu.memory_space<semaphore_mem>>
    %dma_start3A_38 = tpu.memref_squeeze %dma_start3A_37 : memref<1x!tpu.dma_semaphore, #tpu.memory_space<semaphore_mem>> -> memref<!tpu.dma_semaphore, #tpu.memory_space<semaphore_mem>>
    %dma_start3A_39 = tpu.memref_slice %arg3[%add3A_34] : memref<640000xi32, #tpu.memory_space<hbm>> -> memref<112xi32, #tpu.memory_space<hbm>>
    tpu.enqueue_dma source(%dma_start3A_39 : memref<112xi32, #tpu.memory_space<hbm>>) target(%arg9 : memref<112xi32, #tpu.memory_space<vmem>>) target_semaphore(%dma_start3A_38 : memref<!tpu.dma_semaphore, #tpu.memory_space<semaphore_mem>>)
    %add3A_40 = arith.constant 112 : i32
    %add3A_41 = arith.addi %mul3A_10, %add3A_40 : i32
    %dma_start3A_42 = arith.constant 1 : i32
    %dma_start3A_43 = tpu.memref_slice %arg3[%add3A_41] : memref<640000xi32, #tpu.memory_space<hbm>> -> memref<112xi32, #tpu.memory_space<hbm>>
    %dma_start3A_44 = tpu.memref_slice %arg22[%dma_start3A_42] : memref<3x!tpu.dma_semaphore, #tpu.memory_space<semaphore_mem>> -> memref<1x!tpu.dma_semaphore, #tpu.memory_space<semaphore_mem>>
    %dma_start3A_45 = tpu.memref_squeeze %dma_start3A_44 : memref<1x!tpu.dma_semaphore, #tpu.memory_space<semaphore_mem>> -> memref<!tpu.dma_semaphore, #tpu.memory_space<semaphore_mem>>
    %dma_start3A_46 = tpu.memref_slice %arg3[%add3A_41] : memref<640000xi32, #tpu.memory_space<hbm>> -> memref<112xi32, #tpu.memory_space<hbm>>
    tpu.enqueue_dma source(%dma_start3A_46 : memref<112xi32, #tpu.memory_space<hbm>>) target(%arg7 : memref<112xi32, #tpu.memory_space<vmem>>) target_semaphore(%dma_start3A_45 : memref<!tpu.dma_semaphore, #tpu.memory_space<semaphore_mem>>)
    %add3A_47 = arith.constant 112 : i32
    %add3A_48 = arith.addi %add3A_12, %add3A_47 : i32
    %dma_start3A_49 = arith.constant 1 : i32
    %dma_start3A_50 = tpu.memref_slice %arg3[%add3A_48] : memref<640000xi32, #tpu.memory_space<hbm>> -> memref<112xi32, #tpu.memory_space<hbm>>
    %dma_start3A_51 = tpu.memref_slice %arg18[%dma_start3A_49] : memref<3x!tpu.dma_semaphore, #tpu.memory_space<semaphore_mem>> -> memref<1x!tpu.dma_semaphore, #tpu.memory_space<semaphore_mem>>
    %dma_start3A_52 = tpu.memref_squeeze %dma_start3A_51 : memref<1x!tpu.dma_semaphore, #tpu.memory_space<semaphore_mem>> -> memref<!tpu.dma_semaphore, #tpu.memory_space<semaphore_mem>>
    %dma_start3A_53 = tpu.memref_slice %arg3[%add3A_48] : memref<640000xi32, #tpu.memory_space<hbm>> -> memref<112xi32, #tpu.memory_space<hbm>>
    tpu.enqueue_dma source(%dma_start3A_53 : memref<112xi32, #tpu.memory_space<hbm>>) target(%arg10 : memref<112xi32, #tpu.memory_space<vmem>>) target_semaphore(%dma_start3A_52 : memref<!tpu.dma_semaphore, #tpu.memory_space<semaphore_mem>>)
    %add3A_54 = arith.constant 0 : i32
    %add3A_55 = arith.addi %mul3A_10, %add3A_54 : i32
    %dma_wait3A = arith.constant 0 : i32
    %dma_wait3A_56 = tpu.memref_slice %arg3[%add3A_55] : memref<640000xi32, #tpu.memory_space<hbm>> -> memref<112xi32, #tpu.memory_space<hbm>>
    %dma_wait3A_57 = tpu.memref_slice %arg22[%dma_wait3A] : memref<3x!tpu.dma_semaphore, #tpu.memory_space<semaphore_mem>> -> memref<1x!tpu.dma_semaphore, #tpu.memory_space<semaphore_mem>>
    %dma_wait3A_58 = tpu.memref_squeeze %dma_wait3A_57 : memref<1x!tpu.dma_semaphore, #tpu.memory_space<semaphore_mem>> -> memref<!tpu.dma_semaphore, #tpu.memory_space<semaphore_mem>>
    %dma_wait3A_59 = tpu.memref_slice %arg3[%add3A_55] : memref<640000xi32, #tpu.memory_space<hbm>> -> memref<112xi32, #tpu.memory_space<hbm>>
    tpu.wait_dma2 semaphore(%dma_wait3A_58 : memref<!tpu.dma_semaphore, #tpu.memory_space<semaphore_mem>>) src(%dma_wait3A_59 : memref<112xi32, #tpu.memory_space<hbm>>) dst(%arg6 : memref<112xi32, #tpu.memory_space<vmem>>)
    %dma_start3A_60 = arith.constant 0 : i32
    %dma_start3A_61 = arith.constant 0 : i32
    %dma_start3A_62 = arith.constant 0 : i32
    %dma_start3A_63 = arith.constant 0 : i32
    %dma_start3A_64 = tpu.memref_slice %arg13[%dma_start3A_60, %dma_start3A_62, %dma_start3A_63] : memref<3x112x128xf32, #tpu.memory_space<vmem>> -> memref<1x112x128xf32, #tpu.memory_space<vmem>>
    %dma_start3A_65 = tpu.memref_squeeze %dma_start3A_64 : memref<1x112x128xf32, #tpu.memory_space<vmem>> -> memref<112x128xf32, #tpu.memory_space<vmem>>
    %dma_start3A_66 = arith.constant 0 : i32
    %dma_start3A_67 = arith.constant 0 : i32
    %dma_start3A_68 = tpu.memref_slice %arg2[%dma_start3A_66, %dma_start3A_67] : memref<10000x128xf32, #tpu.memory_space<hbm>> -> memref<10000x128xf32, #tpu.memory_space<hbm>>
    %dma_start3A_69 = tpu.memref_slice %arg17[%dma_start3A_61] : memref<3x!tpu.dma_semaphore, #tpu.memory_space<semaphore_mem>> -> memref<1x!tpu.dma_semaphore, #tpu.memory_space<semaphore_mem>>
    %dma_start3A_70 = tpu.memref_squeeze %dma_start3A_69 : memref<1x!tpu.dma_semaphore, #tpu.memory_space<semaphore_mem>> -> memref<!tpu.dma_semaphore, #tpu.memory_space<semaphore_mem>>
    tpu.enqueue_indirect_dma source(%dma_start3A_68 : memref<10000x128xf32, #tpu.memory_space<hbm>>) target(%dma_start3A_65 : memref<112x128xf32, #tpu.memory_space<vmem>>) offsets(%arg6 : memref<112xi32, #tpu.memory_space<vmem>>) semaphore(%dma_start3A_70 : memref<!tpu.dma_semaphore, #tpu.memory_space<semaphore_mem>>)
    %lt3A_71 = arith.constant 15 : i32
    %lt3A_72 = arith.cmpi slt, %arg1, %lt3A_71 : i32
    %convert_element_type3A_73 = arith.extui %lt3A_72 : i1 to i32
    %cond3A_74 = arith.constant 0 : i32
    %cond3A_75 = arith.cmpi ne, %convert_element_type3A_73, %cond3A_74 : i32
    scf.if %cond3A_75 {
      %dma_wait3A_156 = arith.constant 0 : i32
      %dma_wait3A_157 = tpu.memref_slice %arg16[%mul3A_2, %dma_wait3A_156] : memref<10000x128xf32, #tpu.memory_space<vmem_shared>> -> memref<640x128xf32, #tpu.memory_space<vmem_shared>>
      %dma_wait3A_158 = arith.constant 0 : i32
      %dma_wait3A_159 = tpu.memref_slice %arg4[%mul3A_2, %dma_wait3A_158] : memref<10000x128xf32, #tpu.memory_space<hbm>> -> memref<640x128xf32, #tpu.memory_space<hbm>>
      tpu.wait_dma2 semaphore(%arg21 : memref<!tpu.dma_semaphore, #tpu.memory_space<semaphore_mem>>) src(%dma_wait3A_159 : memref<640x128xf32, #tpu.memory_space<hbm>>) dst(%dma_wait3A_157 : memref<640x128xf32, #tpu.memory_space<vmem_shared>>)
    } else {
    }
    %eq3A_76 = arith.constant 15 : i32
    %eq3A_77 = arith.cmpi eq, %arg1, %eq3A_76 : i32
    %convert_element_type3A_78 = arith.extui %eq3A_77 : i1 to i32
    %cond3A_79 = arith.constant 0 : i32
    %cond3A_80 = arith.cmpi ne, %convert_element_type3A_78, %cond3A_79 : i32
    scf.if %cond3A_80 {
      %dma_wait3A_156 = arith.constant 9600 : i32
      %dma_wait3A_157 = arith.constant 0 : i32
      %dma_wait3A_158 = tpu.memref_slice %arg16[%dma_wait3A_156, %dma_wait3A_157] : memref<10000x128xf32, #tpu.memory_space<vmem_shared>> -> memref<400x128xf32, #tpu.memory_space<vmem_shared>>
      %dma_wait3A_159 = arith.constant 9600 : i32
      %dma_wait3A_160 = arith.constant 0 : i32
      %dma_wait3A_161 = tpu.memref_slice %arg4[%dma_wait3A_159, %dma_wait3A_160] : memref<10000x128xf32, #tpu.memory_space<hbm>> -> memref<400x128xf32, #tpu.memory_space<hbm>>
      tpu.wait_dma2 semaphore(%arg21 : memref<!tpu.dma_semaphore, #tpu.memory_space<semaphore_mem>>) src(%dma_wait3A_161 : memref<400x128xf32, #tpu.memory_space<hbm>>) dst(%dma_wait3A_158 : memref<400x128xf32, #tpu.memory_space<vmem_shared>>)
    } else {
    }
    %barrier3A = arith.constant 0 : index
    tpu.barrier barrier_id(%barrier3A)
    %scan3A = arith.constant 0 : i32
    %scan3A_81 = arith.constant 89 : i32
    %scan3A_82 = arith.addi %scan3A, %scan3A_81 : i32
    %scan3A_83 = arith.constant 1 : i32
    scf.for %scan3A_156 = %scan3A to %scan3A_82 step %scan3A_83  : i32 {
      %rem3A = arith.constant 3 : i32
      %rem3A_157 = arith.remsi %scan3A_156, %rem3A : i32
      %eq3A_158 = arith.constant 0 : i32
      %eq3A_159 = arith.cmpi eq, %rem3A_157, %eq3A_158 : i32
      %convert_element_type3A_160 = arith.extui %eq3A_159 : i1 to i32
      %cond3A_161 = arith.constant 0 : i32
      %cond3A_162 = arith.cmpi ne, %convert_element_type3A_160, %cond3A_161 : i32
      scf.if %cond3A_162 {
        %ge3A = arith.constant 2 : i32
        %ge3A_177 = arith.cmpi sge, %scan3A_156, %ge3A : i32
        %convert_element_type3A_178 = arith.extui %ge3A_177 : i1 to i32
        %cond3A_179 = arith.constant 0 : i32
        %cond3A_180 = arith.cmpi ne, %convert_element_type3A_178, %cond3A_179 : i32
        scf.if %cond3A_180 {
          %dma_wait3A_225 = arith.constant 1 : i32
          %dma_wait3A_226 = arith.constant 1 : i32
          %dma_wait3A_227 = arith.constant 0 : i32
          %dma_wait3A_228 = arith.constant 0 : i32
          %dma_wait3A_229 = tpu.memref_slice %arg13[%dma_wait3A_225, %dma_wait3A_227, %dma_wait3A_228] : memref<3x112x128xf32, #tpu.memory_space<vmem>> -> memref<1x112x128xf32, #tpu.memory_space<vmem>>
          %dma_wait3A_230 = tpu.memref_squeeze %dma_wait3A_229 : memref<1x112x128xf32, #tpu.memory_space<vmem>> -> memref<112x128xf32, #tpu.memory_space<vmem>>
          %dma_wait3A_231 = arith.constant 0 : i32
          %dma_wait3A_232 = arith.constant 0 : i32
          %dma_wait3A_233 = tpu.memref_slice %arg16[%dma_wait3A_231, %dma_wait3A_232] : memref<10000x128xf32, #tpu.memory_space<vmem_shared>> -> memref<10000x128xf32, #tpu.memory_space<vmem_shared>>
          %dma_wait3A_234 = tpu.memref_slice %arg19[%dma_wait3A_226] : memref<3x!tpu.dma_semaphore, #tpu.memory_space<semaphore_mem>> -> memref<1x!tpu.dma_semaphore, #tpu.memory_space<semaphore_mem>>
          %dma_wait3A_235 = tpu.memref_squeeze %dma_wait3A_234 : memref<1x!tpu.dma_semaphore, #tpu.memory_space<semaphore_mem>> -> memref<!tpu.dma_semaphore, #tpu.memory_space<semaphore_mem>>
          tpu.wait_indirect_dma semaphore(%dma_wait3A_235 : memref<!tpu.dma_semaphore, #tpu.memory_space<semaphore_mem>>) src(%dma_wait3A_230 : memref<112x128xf32, #tpu.memory_space<vmem>>) dst(%dma_wait3A_233 : memref<10000x128xf32, #tpu.memory_space<vmem_shared>>)
        } else {
        }
        %add3A_181 = arith.constant 2 : i32
        %add3A_182 = arith.addi %scan3A_156, %add3A_181 : i32
        %lt3A_183 = arith.constant 89 : i32
        %lt3A_184 = arith.cmpi slt, %add3A_182, %lt3A_183 : i32
        %convert_element_type3A_185 = arith.extui %lt3A_184 : i1 to i32
        %cond3A_186 = arith.constant 0 : i32
        %cond3A_187 = arith.cmpi ne, %convert_element_type3A_185, %cond3A_186 : i32
        scf.if %cond3A_187 {
          %add3A_225 = arith.constant 2 : i32
          %add3A_226 = arith.addi %scan3A_156, %add3A_225 : i32
          %mul3A_227 = arith.constant 112 : i32
          %mul3A_228 = arith.muli %add3A_226, %mul3A_227 : i32
          %add3A_229 = arith.addi %mul3A_10, %mul3A_228 : i32
          %dma_start3A_230 = arith.constant 2 : i32
          %dma_start3A_231 = tpu.memref_slice %arg3[%add3A_229] : memref<640000xi32, #tpu.memory_space<hbm>> -> memref<112xi32, #tpu.memory_space<hbm>>
          %dma_start3A_232 = tpu.memref_slice %arg22[%dma_start3A_230] : memref<3x!tpu.dma_semaphore, #tpu.memory_space<semaphore_mem>> -> memref<1x!tpu.dma_semaphore, #tpu.memory_space<semaphore_mem>>
          %dma_start3A_233 = tpu.memref_squeeze %dma_start3A_232 : memref<1x!tpu.dma_semaphore, #tpu.memory_space<semaphore_mem>> -> memref<!tpu.dma_semaphore, #tpu.memory_space<semaphore_mem>>
          %dma_start3A_234 = tpu.memref_slice %arg3[%add3A_229] : memref<640000xi32, #tpu.memory_space<hbm>> -> memref<112xi32, #tpu.memory_space<hbm>>
          tpu.enqueue_dma source(%dma_start3A_234 : memref<112xi32, #tpu.memory_space<hbm>>) target(%arg8 : memref<112xi32, #tpu.memory_space<vmem>>) target_semaphore(%dma_start3A_233 : memref<!tpu.dma_semaphore, #tpu.memory_space<semaphore_mem>>)
          %mul3A_235 = arith.constant 112 : i32
          %mul3A_236 = arith.muli %add3A_226, %mul3A_235 : i32
          %add3A_237 = arith.addi %add3A_12, %mul3A_236 : i32
          %dma_start3A_238 = arith.constant 2 : i32
          %dma_start3A_239 = tpu.memref_slice %arg3[%add3A_237] : memref<640000xi32, #tpu.memory_space<hbm>> -> memref<112xi32, #tpu.memory_space<hbm>>
          %dma_start3A_240 = tpu.memref_slice %arg18[%dma_start3A_238] : memref<3x!tpu.dma_semaphore, #tpu.memory_space<semaphore_mem>> -> memref<1x!tpu.dma_semaphore, #tpu.memory_space<semaphore_mem>>
          %dma_start3A_241 = tpu.memref_squeeze %dma_start3A_240 : memref<1x!tpu.dma_semaphore, #tpu.memory_space<semaphore_mem>> -> memref<!tpu.dma_semaphore, #tpu.memory_space<semaphore_mem>>
          %dma_start3A_242 = tpu.memref_slice %arg3[%add3A_237] : memref<640000xi32, #tpu.memory_space<hbm>> -> memref<112xi32, #tpu.memory_space<hbm>>
          tpu.enqueue_dma source(%dma_start3A_242 : memref<112xi32, #tpu.memory_space<hbm>>) target(%arg11 : memref<112xi32, #tpu.memory_space<vmem>>) target_semaphore(%dma_start3A_241 : memref<!tpu.dma_semaphore, #tpu.memory_space<semaphore_mem>>)
        } else {
        }
        %add3A_188 = arith.constant 1 : i32
        %add3A_189 = arith.addi %scan3A_156, %add3A_188 : i32
        %lt3A_190 = arith.constant 89 : i32
        %lt3A_191 = arith.cmpi slt, %add3A_189, %lt3A_190 : i32
        %convert_element_type3A_192 = arith.extui %lt3A_191 : i1 to i32
        %cond3A_193 = arith.constant 0 : i32
        %cond3A_194 = arith.cmpi ne, %convert_element_type3A_192, %cond3A_193 : i32
        scf.if %cond3A_194 {
          %add3A_225 = arith.constant 1 : i32
          %add3A_226 = arith.addi %scan3A_156, %add3A_225 : i32
          %mul3A_227 = arith.constant 112 : i32
          %mul3A_228 = arith.muli %add3A_226, %mul3A_227 : i32
          %add3A_229 = arith.addi %mul3A_10, %mul3A_228 : i32
          %dma_wait3A_230 = arith.constant 1 : i32
          %dma_wait3A_231 = tpu.memref_slice %arg3[%add3A_229] : memref<640000xi32, #tpu.memory_space<hbm>> -> memref<112xi32, #tpu.memory_space<hbm>>
          %dma_wait3A_232 = tpu.memref_slice %arg22[%dma_wait3A_230] : memref<3x!tpu.dma_semaphore, #tpu.memory_space<semaphore_mem>> -> memref<1x!tpu.dma_semaphore, #tpu.memory_space<semaphore_mem>>
          %dma_wait3A_233 = tpu.memref_squeeze %dma_wait3A_232 : memref<1x!tpu.dma_semaphore, #tpu.memory_space<semaphore_mem>> -> memref<!tpu.dma_semaphore, #tpu.memory_space<semaphore_mem>>
          %dma_wait3A_234 = tpu.memref_slice %arg3[%add3A_229] : memref<640000xi32, #tpu.memory_space<hbm>> -> memref<112xi32, #tpu.memory_space<hbm>>
          tpu.wait_dma2 semaphore(%dma_wait3A_233 : memref<!tpu.dma_semaphore, #tpu.memory_space<semaphore_mem>>) src(%dma_wait3A_234 : memref<112xi32, #tpu.memory_space<hbm>>) dst(%arg7 : memref<112xi32, #tpu.memory_space<vmem>>)
          %dma_start3A_235 = arith.constant 1 : i32
          %dma_start3A_236 = arith.constant 1 : i32
          %dma_start3A_237 = arith.constant 0 : i32
          %dma_start3A_238 = arith.constant 0 : i32
          %dma_start3A_239 = tpu.memref_slice %arg13[%dma_start3A_235, %dma_start3A_237, %dma_start3A_238] : memref<3x112x128xf32, #tpu.memory_space<vmem>> -> memref<1x112x128xf32, #tpu.memory_space<vmem>>
          %dma_start3A_240 = tpu.memref_squeeze %dma_start3A_239 : memref<1x112x128xf32, #tpu.memory_space<vmem>> -> memref<112x128xf32, #tpu.memory_space<vmem>>
          %dma_start3A_241 = arith.constant 0 : i32
          %dma_start3A_242 = arith.constant 0 : i32
          %dma_start3A_243 = tpu.memref_slice %arg2[%dma_start3A_241, %dma_start3A_242] : memref<10000x128xf32, #tpu.memory_space<hbm>> -> memref<10000x128xf32, #tpu.memory_space<hbm>>
          %dma_start3A_244 = tpu.memref_slice %arg17[%dma_start3A_236] : memref<3x!tpu.dma_semaphore, #tpu.memory_space<semaphore_mem>> -> memref<1x!tpu.dma_semaphore, #tpu.memory_space<semaphore_mem>>
          %dma_start3A_245 = tpu.memref_squeeze %dma_start3A_244 : memref<1x!tpu.dma_semaphore, #tpu.memory_space<semaphore_mem>> -> memref<!tpu.dma_semaphore, #tpu.memory_space<semaphore_mem>>
          tpu.enqueue_indirect_dma source(%dma_start3A_243 : memref<10000x128xf32, #tpu.memory_space<hbm>>) target(%dma_start3A_240 : memref<112x128xf32, #tpu.memory_space<vmem>>) offsets(%arg7 : memref<112xi32, #tpu.memory_space<vmem>>) semaphore(%dma_start3A_245 : memref<!tpu.dma_semaphore, #tpu.memory_space<semaphore_mem>>)
        } else {
        }
        %dma_wait3A_195 = arith.constant 0 : i32
        %dma_wait3A_196 = arith.constant 0 : i32
        %dma_wait3A_197 = arith.constant 0 : i32
        %dma_wait3A_198 = arith.constant 0 : i32
        %dma_wait3A_199 = tpu.memref_slice %arg13[%dma_wait3A_195, %dma_wait3A_197, %dma_wait3A_198] : memref<3x112x128xf32, #tpu.memory_space<vmem>> -> memref<1x112x128xf32, #tpu.memory_space<vmem>>
        %dma_wait3A_200 = tpu.memref_squeeze %dma_wait3A_199 : memref<1x112x128xf32, #tpu.memory_space<vmem>> -> memref<112x128xf32, #tpu.memory_space<vmem>>
        %dma_wait3A_201 = arith.constant 0 : i32
        %dma_wait3A_202 = arith.constant 0 : i32
        %dma_wait3A_203 = tpu.memref_slice %arg2[%dma_wait3A_201, %dma_wait3A_202] : memref<10000x128xf32, #tpu.memory_space<hbm>> -> memref<10000x128xf32, #tpu.memory_space<hbm>>
        %dma_wait3A_204 = tpu.memref_slice %arg17[%dma_wait3A_196] : memref<3x!tpu.dma_semaphore, #tpu.memory_space<semaphore_mem>> -> memref<1x!tpu.dma_semaphore, #tpu.memory_space<semaphore_mem>>
        %dma_wait3A_205 = tpu.memref_squeeze %dma_wait3A_204 : memref<1x!tpu.dma_semaphore, #tpu.memory_space<semaphore_mem>> -> memref<!tpu.dma_semaphore, #tpu.memory_space<semaphore_mem>>
        tpu.wait_indirect_dma semaphore(%dma_wait3A_205 : memref<!tpu.dma_semaphore, #tpu.memory_space<semaphore_mem>>) src(%dma_wait3A_203 : memref<10000x128xf32, #tpu.memory_space<hbm>>) dst(%dma_wait3A_200 : memref<112x128xf32, #tpu.memory_space<vmem>>)
        %mul3A_206 = arith.constant 112 : i32
        %mul3A_207 = arith.muli %scan3A_156, %mul3A_206 : i32
        %add3A_208 = arith.addi %add3A_12, %mul3A_207 : i32
        %dma_wait3A_209 = arith.constant 0 : i32
        %dma_wait3A_210 = tpu.memref_slice %arg3[%add3A_208] : memref<640000xi32, #tpu.memory_space<hbm>> -> memref<112xi32, #tpu.memory_space<hbm>>
        %dma_wait3A_211 = tpu.memref_slice %arg18[%dma_wait3A_209] : memref<3x!tpu.dma_semaphore, #tpu.memory_space<semaphore_mem>> -> memref<1x!tpu.dma_semaphore, #tpu.memory_space<semaphore_mem>>
        %dma_wait3A_212 = tpu.memref_squeeze %dma_wait3A_211 : memref<1x!tpu.dma_semaphore, #tpu.memory_space<semaphore_mem>> -> memref<!tpu.dma_semaphore, #tpu.memory_space<semaphore_mem>>
        %dma_wait3A_213 = tpu.memref_slice %arg3[%add3A_208] : memref<640000xi32, #tpu.memory_space<hbm>> -> memref<112xi32, #tpu.memory_space<hbm>>
        tpu.wait_dma2 semaphore(%dma_wait3A_212 : memref<!tpu.dma_semaphore, #tpu.memory_space<semaphore_mem>>) src(%dma_wait3A_213 : memref<112xi32, #tpu.memory_space<hbm>>) dst(%arg9 : memref<112xi32, #tpu.memory_space<vmem>>)
        %dma_start3A_214 = arith.constant 0 : i32
        %dma_start3A_215 = arith.constant 0 : i32
        %dma_start3A_216 = arith.constant 0 : i32
        %dma_start3A_217 = arith.constant 0 : i32
        %dma_start3A_218 = tpu.memref_slice %arg13[%dma_start3A_214, %dma_start3A_216, %dma_start3A_217] : memref<3x112x128xf32, #tpu.memory_space<vmem>> -> memref<1x112x128xf32, #tpu.memory_space<vmem>>
        %dma_start3A_219 = tpu.memref_squeeze %dma_start3A_218 : memref<1x112x128xf32, #tpu.memory_space<vmem>> -> memref<112x128xf32, #tpu.memory_space<vmem>>
        %dma_start3A_220 = arith.constant 0 : i32
        %dma_start3A_221 = arith.constant 0 : i32
        %dma_start3A_222 = tpu.memref_slice %arg16[%dma_start3A_220, %dma_start3A_221] : memref<10000x128xf32, #tpu.memory_space<vmem_shared>> -> memref<10000x128xf32, #tpu.memory_space<vmem_shared>>
        %dma_start3A_223 = tpu.memref_slice %arg19[%dma_start3A_215] : memref<3x!tpu.dma_semaphore, #tpu.memory_space<semaphore_mem>> -> memref<1x!tpu.dma_semaphore, #tpu.memory_space<semaphore_mem>>
        %dma_start3A_224 = tpu.memref_squeeze %dma_start3A_223 : memref<1x!tpu.dma_semaphore, #tpu.memory_space<semaphore_mem>> -> memref<!tpu.dma_semaphore, #tpu.memory_space<semaphore_mem>>
        tpu.enqueue_indirect_dma source(%dma_start3A_219 : memref<112x128xf32, #tpu.memory_space<vmem>>) target(%dma_start3A_222 : memref<10000x128xf32, #tpu.memory_space<vmem_shared>>) offsets(%arg9 : memref<112xi32, #tpu.memory_space<vmem>>) semaphore(%dma_start3A_224 : memref<!tpu.dma_semaphore, #tpu.memory_space<semaphore_mem>>) {add = true}
      } else {
      }
      %rem3A_163 = arith.constant 3 : i32
      %rem3A_164 = arith.remsi %scan3A_156, %rem3A_163 : i32
      %eq3A_165 = arith.constant 1 : i32
      %eq3A_166 = arith.cmpi eq, %rem3A_164, %eq3A_165 : i32
      %convert_element_type3A_167 = arith.extui %eq3A_166 : i1 to i32
      %cond3A_168 = arith.constant 0 : i32
      %cond3A_169 = arith.cmpi ne, %convert_element_type3A_167, %cond3A_168 : i32
      scf.if %cond3A_169 {
        %ge3A = arith.constant 2 : i32
        %ge3A_177 = arith.cmpi sge, %scan3A_156, %ge3A : i32
        %convert_element_type3A_178 = arith.extui %ge3A_177 : i1 to i32
        %cond3A_179 = arith.constant 0 : i32
        %cond3A_180 = arith.cmpi ne, %convert_element_type3A_178, %cond3A_179 : i32
        scf.if %cond3A_180 {
          %dma_wait3A_225 = arith.constant 2 : i32
          %dma_wait3A_226 = arith.constant 2 : i32
          %dma_wait3A_227 = arith.constant 0 : i32
          %dma_wait3A_228 = arith.constant 0 : i32
          %dma_wait3A_229 = tpu.memref_slice %arg13[%dma_wait3A_225, %dma_wait3A_227, %dma_wait3A_228] : memref<3x112x128xf32, #tpu.memory_space<vmem>> -> memref<1x112x128xf32, #tpu.memory_space<vmem>>
          %dma_wait3A_230 = tpu.memref_squeeze %dma_wait3A_229 : memref<1x112x128xf32, #tpu.memory_space<vmem>> -> memref<112x128xf32, #tpu.memory_space<vmem>>
          %dma_wait3A_231 = arith.constant 0 : i32
          %dma_wait3A_232 = arith.constant 0 : i32
          %dma_wait3A_233 = tpu.memref_slice %arg16[%dma_wait3A_231, %dma_wait3A_232] : memref<10000x128xf32, #tpu.memory_space<vmem_shared>> -> memref<10000x128xf32, #tpu.memory_space<vmem_shared>>
          %dma_wait3A_234 = tpu.memref_slice %arg19[%dma_wait3A_226] : memref<3x!tpu.dma_semaphore, #tpu.memory_space<semaphore_mem>> -> memref<1x!tpu.dma_semaphore, #tpu.memory_space<semaphore_mem>>
          %dma_wait3A_235 = tpu.memref_squeeze %dma_wait3A_234 : memref<1x!tpu.dma_semaphore, #tpu.memory_space<semaphore_mem>> -> memref<!tpu.dma_semaphore, #tpu.memory_space<semaphore_mem>>
          tpu.wait_indirect_dma semaphore(%dma_wait3A_235 : memref<!tpu.dma_semaphore, #tpu.memory_space<semaphore_mem>>) src(%dma_wait3A_230 : memref<112x128xf32, #tpu.memory_space<vmem>>) dst(%dma_wait3A_233 : memref<10000x128xf32, #tpu.memory_space<vmem_shared>>)
        } else {
        }
        %add3A_181 = arith.constant 2 : i32
        %add3A_182 = arith.addi %scan3A_156, %add3A_181 : i32
        %lt3A_183 = arith.constant 89 : i32
        %lt3A_184 = arith.cmpi slt, %add3A_182, %lt3A_183 : i32
        %convert_element_type3A_185 = arith.extui %lt3A_184 : i1 to i32
        %cond3A_186 = arith.constant 0 : i32
        %cond3A_187 = arith.cmpi ne, %convert_element_type3A_185, %cond3A_186 : i32
        scf.if %cond3A_187 {
          %add3A_225 = arith.constant 2 : i32
          %add3A_226 = arith.addi %scan3A_156, %add3A_225 : i32
          %mul3A_227 = arith.constant 112 : i32
          %mul3A_228 = arith.muli %add3A_226, %mul3A_227 : i32
          %add3A_229 = arith.addi %mul3A_10, %mul3A_228 : i32
          %dma_start3A_230 = arith.constant 0 : i32
          %dma_start3A_231 = tpu.memref_slice %arg3[%add3A_229] : memref<640000xi32, #tpu.memory_space<hbm>> -> memref<112xi32, #tpu.memory_space<hbm>>
          %dma_start3A_232 = tpu.memref_slice %arg22[%dma_start3A_230] : memref<3x!tpu.dma_semaphore, #tpu.memory_space<semaphore_mem>> -> memref<1x!tpu.dma_semaphore, #tpu.memory_space<semaphore_mem>>
          %dma_start3A_233 = tpu.memref_squeeze %dma_start3A_232 : memref<1x!tpu.dma_semaphore, #tpu.memory_space<semaphore_mem>> -> memref<!tpu.dma_semaphore, #tpu.memory_space<semaphore_mem>>
          %dma_start3A_234 = tpu.memref_slice %arg3[%add3A_229] : memref<640000xi32, #tpu.memory_space<hbm>> -> memref<112xi32, #tpu.memory_space<hbm>>
          tpu.enqueue_dma source(%dma_start3A_234 : memref<112xi32, #tpu.memory_space<hbm>>) target(%arg6 : memref<112xi32, #tpu.memory_space<vmem>>) target_semaphore(%dma_start3A_233 : memref<!tpu.dma_semaphore, #tpu.memory_space<semaphore_mem>>)
          %mul3A_235 = arith.constant 112 : i32
          %mul3A_236 = arith.muli %add3A_226, %mul3A_235 : i32
          %add3A_237 = arith.addi %add3A_12, %mul3A_236 : i32
          %dma_start3A_238 = arith.constant 0 : i32
          %dma_start3A_239 = tpu.memref_slice %arg3[%add3A_237] : memref<640000xi32, #tpu.memory_space<hbm>> -> memref<112xi32, #tpu.memory_space<hbm>>
          %dma_start3A_240 = tpu.memref_slice %arg18[%dma_start3A_238] : memref<3x!tpu.dma_semaphore, #tpu.memory_space<semaphore_mem>> -> memref<1x!tpu.dma_semaphore, #tpu.memory_space<semaphore_mem>>
          %dma_start3A_241 = tpu.memref_squeeze %dma_start3A_240 : memref<1x!tpu.dma_semaphore, #tpu.memory_space<semaphore_mem>> -> memref<!tpu.dma_semaphore, #tpu.memory_space<semaphore_mem>>
          %dma_start3A_242 = tpu.memref_slice %arg3[%add3A_237] : memref<640000xi32, #tpu.memory_space<hbm>> -> memref<112xi32, #tpu.memory_space<hbm>>
          tpu.enqueue_dma source(%dma_start3A_242 : memref<112xi32, #tpu.memory_space<hbm>>) target(%arg9 : memref<112xi32, #tpu.memory_space<vmem>>) target_semaphore(%dma_start3A_241 : memref<!tpu.dma_semaphore, #tpu.memory_space<semaphore_mem>>)
        } else {
        }
        %add3A_188 = arith.constant 1 : i32
        %add3A_189 = arith.addi %scan3A_156, %add3A_188 : i32
        %lt3A_190 = arith.constant 89 : i32
        %lt3A_191 = arith.cmpi slt, %add3A_189, %lt3A_190 : i32
        %convert_element_type3A_192 = arith.extui %lt3A_191 : i1 to i32
        %cond3A_193 = arith.constant 0 : i32
        %cond3A_194 = arith.cmpi ne, %convert_element_type3A_192, %cond3A_193 : i32
        scf.if %cond3A_194 {
          %add3A_225 = arith.constant 1 : i32
          %add3A_226 = arith.addi %scan3A_156, %add3A_225 : i32
          %mul3A_227 = arith.constant 112 : i32
          %mul3A_228 = arith.muli %add3A_226, %mul3A_227 : i32
          %add3A_229 = arith.addi %mul3A_10, %mul3A_228 : i32
          %dma_wait3A_230 = arith.constant 2 : i32
          %dma_wait3A_231 = tpu.memref_slice %arg3[%add3A_229] : memref<640000xi32, #tpu.memory_space<hbm>> -> memref<112xi32, #tpu.memory_space<hbm>>
          %dma_wait3A_232 = tpu.memref_slice %arg22[%dma_wait3A_230] : memref<3x!tpu.dma_semaphore, #tpu.memory_space<semaphore_mem>> -> memref<1x!tpu.dma_semaphore, #tpu.memory_space<semaphore_mem>>
          %dma_wait3A_233 = tpu.memref_squeeze %dma_wait3A_232 : memref<1x!tpu.dma_semaphore, #tpu.memory_space<semaphore_mem>> -> memref<!tpu.dma_semaphore, #tpu.memory_space<semaphore_mem>>
          %dma_wait3A_234 = tpu.memref_slice %arg3[%add3A_229] : memref<640000xi32, #tpu.memory_space<hbm>> -> memref<112xi32, #tpu.memory_space<hbm>>
          tpu.wait_dma2 semaphore(%dma_wait3A_233 : memref<!tpu.dma_semaphore, #tpu.memory_space<semaphore_mem>>) src(%dma_wait3A_234 : memref<112xi32, #tpu.memory_space<hbm>>) dst(%arg8 : memref<112xi32, #tpu.memory_space<vmem>>)
          %dma_start3A_235 = arith.constant 2 : i32
          %dma_start3A_236 = arith.constant 2 : i32
          %dma_start3A_237 = arith.constant 0 : i32
          %dma_start3A_238 = arith.constant 0 : i32
          %dma_start3A_239 = tpu.memref_slice %arg13[%dma_start3A_235, %dma_start3A_237, %dma_start3A_238] : memref<3x112x128xf32, #tpu.memory_space<vmem>> -> memref<1x112x128xf32, #tpu.memory_space<vmem>>
          %dma_start3A_240 = tpu.memref_squeeze %dma_start3A_239 : memref<1x112x128xf32, #tpu.memory_space<vmem>> -> memref<112x128xf32, #tpu.memory_space<vmem>>
          %dma_start3A_241 = arith.constant 0 : i32
          %dma_start3A_242 = arith.constant 0 : i32
          %dma_start3A_243 = tpu.memref_slice %arg2[%dma_start3A_241, %dma_start3A_242] : memref<10000x128xf32, #tpu.memory_space<hbm>> -> memref<10000x128xf32, #tpu.memory_space<hbm>>
          %dma_start3A_244 = tpu.memref_slice %arg17[%dma_start3A_236] : memref<3x!tpu.dma_semaphore, #tpu.memory_space<semaphore_mem>> -> memref<1x!tpu.dma_semaphore, #tpu.memory_space<semaphore_mem>>
          %dma_start3A_245 = tpu.memref_squeeze %dma_start3A_244 : memref<1x!tpu.dma_semaphore, #tpu.memory_space<semaphore_mem>> -> memref<!tpu.dma_semaphore, #tpu.memory_space<semaphore_mem>>
          tpu.enqueue_indirect_dma source(%dma_start3A_243 : memref<10000x128xf32, #tpu.memory_space<hbm>>) target(%dma_start3A_240 : memref<112x128xf32, #tpu.memory_space<vmem>>) offsets(%arg8 : memref<112xi32, #tpu.memory_space<vmem>>) semaphore(%dma_start3A_245 : memref<!tpu.dma_semaphore, #tpu.memory_space<semaphore_mem>>)
        } else {
        }
        %dma_wait3A_195 = arith.constant 1 : i32
        %dma_wait3A_196 = arith.constant 1 : i32
        %dma_wait3A_197 = arith.constant 0 : i32
        %dma_wait3A_198 = arith.constant 0 : i32
        %dma_wait3A_199 = tpu.memref_slice %arg13[%dma_wait3A_195, %dma_wait3A_197, %dma_wait3A_198] : memref<3x112x128xf32, #tpu.memory_space<vmem>> -> memref<1x112x128xf32, #tpu.memory_space<vmem>>
        %dma_wait3A_200 = tpu.memref_squeeze %dma_wait3A_199 : memref<1x112x128xf32, #tpu.memory_space<vmem>> -> memref<112x128xf32, #tpu.memory_space<vmem>>
        %dma_wait3A_201 = arith.constant 0 : i32
        %dma_wait3A_202 = arith.constant 0 : i32
        %dma_wait3A_203 = tpu.memref_slice %arg2[%dma_wait3A_201, %dma_wait3A_202] : memref<10000x128xf32, #tpu.memory_space<hbm>> -> memref<10000x128xf32, #tpu.memory_space<hbm>>
        %dma_wait3A_204 = tpu.memref_slice %arg17[%dma_wait3A_196] : memref<3x!tpu.dma_semaphore, #tpu.memory_space<semaphore_mem>> -> memref<1x!tpu.dma_semaphore, #tpu.memory_space<semaphore_mem>>
        %dma_wait3A_205 = tpu.memref_squeeze %dma_wait3A_204 : memref<1x!tpu.dma_semaphore, #tpu.memory_space<semaphore_mem>> -> memref<!tpu.dma_semaphore, #tpu.memory_space<semaphore_mem>>
        tpu.wait_indirect_dma semaphore(%dma_wait3A_205 : memref<!tpu.dma_semaphore, #tpu.memory_space<semaphore_mem>>) src(%dma_wait3A_203 : memref<10000x128xf32, #tpu.memory_space<hbm>>) dst(%dma_wait3A_200 : memref<112x128xf32, #tpu.memory_space<vmem>>)
        %mul3A_206 = arith.constant 112 : i32
        %mul3A_207 = arith.muli %scan3A_156, %mul3A_206 : i32
        %add3A_208 = arith.addi %add3A_12, %mul3A_207 : i32
        %dma_wait3A_209 = arith.constant 1 : i32
        %dma_wait3A_210 = tpu.memref_slice %arg3[%add3A_208] : memref<640000xi32, #tpu.memory_space<hbm>> -> memref<112xi32, #tpu.memory_space<hbm>>
        %dma_wait3A_211 = tpu.memref_slice %arg18[%dma_wait3A_209] : memref<3x!tpu.dma_semaphore, #tpu.memory_space<semaphore_mem>> -> memref<1x!tpu.dma_semaphore, #tpu.memory_space<semaphore_mem>>
        %dma_wait3A_212 = tpu.memref_squeeze %dma_wait3A_211 : memref<1x!tpu.dma_semaphore, #tpu.memory_space<semaphore_mem>> -> memref<!tpu.dma_semaphore, #tpu.memory_space<semaphore_mem>>
        %dma_wait3A_213 = tpu.memref_slice %arg3[%add3A_208] : memref<640000xi32, #tpu.memory_space<hbm>> -> memref<112xi32, #tpu.memory_space<hbm>>
        tpu.wait_dma2 semaphore(%dma_wait3A_212 : memref<!tpu.dma_semaphore, #tpu.memory_space<semaphore_mem>>) src(%dma_wait3A_213 : memref<112xi32, #tpu.memory_space<hbm>>) dst(%arg10 : memref<112xi32, #tpu.memory_space<vmem>>)
        %dma_start3A_214 = arith.constant 1 : i32
        %dma_start3A_215 = arith.constant 1 : i32
        %dma_start3A_216 = arith.constant 0 : i32
        %dma_start3A_217 = arith.constant 0 : i32
        %dma_start3A_218 = tpu.memref_slice %arg13[%dma_start3A_214, %dma_start3A_216, %dma_start3A_217] : memref<3x112x128xf32, #tpu.memory_space<vmem>> -> memref<1x112x128xf32, #tpu.memory_space<vmem>>
        %dma_start3A_219 = tpu.memref_squeeze %dma_start3A_218 : memref<1x112x128xf32, #tpu.memory_space<vmem>> -> memref<112x128xf32, #tpu.memory_space<vmem>>
        %dma_start3A_220 = arith.constant 0 : i32
        %dma_start3A_221 = arith.constant 0 : i32
        %dma_start3A_222 = tpu.memref_slice %arg16[%dma_start3A_220, %dma_start3A_221] : memref<10000x128xf32, #tpu.memory_space<vmem_shared>> -> memref<10000x128xf32, #tpu.memory_space<vmem_shared>>
        %dma_start3A_223 = tpu.memref_slice %arg19[%dma_start3A_215] : memref<3x!tpu.dma_semaphore, #tpu.memory_space<semaphore_mem>> -> memref<1x!tpu.dma_semaphore, #tpu.memory_space<semaphore_mem>>
        %dma_start3A_224 = tpu.memref_squeeze %dma_start3A_223 : memref<1x!tpu.dma_semaphore, #tpu.memory_space<semaphore_mem>> -> memref<!tpu.dma_semaphore, #tpu.memory_space<semaphore_mem>>
        tpu.enqueue_indirect_dma source(%dma_start3A_219 : memref<112x128xf32, #tpu.memory_space<vmem>>) target(%dma_start3A_222 : memref<10000x128xf32, #tpu.memory_space<vmem_shared>>) offsets(%arg10 : memref<112xi32, #tpu.memory_space<vmem>>) semaphore(%dma_start3A_224 : memref<!tpu.dma_semaphore, #tpu.memory_space<semaphore_mem>>) {add = true}
      } else {
      }
      %rem3A_170 = arith.constant 3 : i32
      %rem3A_171 = arith.remsi %scan3A_156, %rem3A_170 : i32
      %eq3A_172 = arith.constant 2 : i32
      %eq3A_173 = arith.cmpi eq, %rem3A_171, %eq3A_172 : i32
      %convert_element_type3A_174 = arith.extui %eq3A_173 : i1 to i32
      %cond3A_175 = arith.constant 0 : i32
      %cond3A_176 = arith.cmpi ne, %convert_element_type3A_174, %cond3A_175 : i32
      scf.if %cond3A_176 {
        %ge3A = arith.constant 2 : i32
        %ge3A_177 = arith.cmpi sge, %scan3A_156, %ge3A : i32
        %convert_element_type3A_178 = arith.extui %ge3A_177 : i1 to i32
        %cond3A_179 = arith.constant 0 : i32
        %cond3A_180 = arith.cmpi ne, %convert_element_type3A_178, %cond3A_179 : i32
        scf.if %cond3A_180 {
          %dma_wait3A_225 = arith.constant 0 : i32
          %dma_wait3A_226 = arith.constant 0 : i32
          %dma_wait3A_227 = arith.constant 0 : i32
          %dma_wait3A_228 = arith.constant 0 : i32
          %dma_wait3A_229 = tpu.memref_slice %arg13[%dma_wait3A_225, %dma_wait3A_227, %dma_wait3A_228] : memref<3x112x128xf32, #tpu.memory_space<vmem>> -> memref<1x112x128xf32, #tpu.memory_space<vmem>>
          %dma_wait3A_230 = tpu.memref_squeeze %dma_wait3A_229 : memref<1x112x128xf32, #tpu.memory_space<vmem>> -> memref<112x128xf32, #tpu.memory_space<vmem>>
          %dma_wait3A_231 = arith.constant 0 : i32
          %dma_wait3A_232 = arith.constant 0 : i32
          %dma_wait3A_233 = tpu.memref_slice %arg16[%dma_wait3A_231, %dma_wait3A_232] : memref<10000x128xf32, #tpu.memory_space<vmem_shared>> -> memref<10000x128xf32, #tpu.memory_space<vmem_shared>>
          %dma_wait3A_234 = tpu.memref_slice %arg19[%dma_wait3A_226] : memref<3x!tpu.dma_semaphore, #tpu.memory_space<semaphore_mem>> -> memref<1x!tpu.dma_semaphore, #tpu.memory_space<semaphore_mem>>
          %dma_wait3A_235 = tpu.memref_squeeze %dma_wait3A_234 : memref<1x!tpu.dma_semaphore, #tpu.memory_space<semaphore_mem>> -> memref<!tpu.dma_semaphore, #tpu.memory_space<semaphore_mem>>
          tpu.wait_indirect_dma semaphore(%dma_wait3A_235 : memref<!tpu.dma_semaphore, #tpu.memory_space<semaphore_mem>>) src(%dma_wait3A_230 : memref<112x128xf32, #tpu.memory_space<vmem>>) dst(%dma_wait3A_233 : memref<10000x128xf32, #tpu.memory_space<vmem_shared>>)
        } else {
        }
        %add3A_181 = arith.constant 2 : i32
        %add3A_182 = arith.addi %scan3A_156, %add3A_181 : i32
        %lt3A_183 = arith.constant 89 : i32
        %lt3A_184 = arith.cmpi slt, %add3A_182, %lt3A_183 : i32
        %convert_element_type3A_185 = arith.extui %lt3A_184 : i1 to i32
        %cond3A_186 = arith.constant 0 : i32
        %cond3A_187 = arith.cmpi ne, %convert_element_type3A_185, %cond3A_186 : i32
        scf.if %cond3A_187 {
          %add3A_225 = arith.constant 2 : i32
          %add3A_226 = arith.addi %scan3A_156, %add3A_225 : i32
          %mul3A_227 = arith.constant 112 : i32
          %mul3A_228 = arith.muli %add3A_226, %mul3A_227 : i32
          %add3A_229 = arith.addi %mul3A_10, %mul3A_228 : i32
          %dma_start3A_230 = arith.constant 1 : i32
          %dma_start3A_231 = tpu.memref_slice %arg3[%add3A_229] : memref<640000xi32, #tpu.memory_space<hbm>> -> memref<112xi32, #tpu.memory_space<hbm>>
          %dma_start3A_232 = tpu.memref_slice %arg22[%dma_start3A_230] : memref<3x!tpu.dma_semaphore, #tpu.memory_space<semaphore_mem>> -> memref<1x!tpu.dma_semaphore, #tpu.memory_space<semaphore_mem>>
          %dma_start3A_233 = tpu.memref_squeeze %dma_start3A_232 : memref<1x!tpu.dma_semaphore, #tpu.memory_space<semaphore_mem>> -> memref<!tpu.dma_semaphore, #tpu.memory_space<semaphore_mem>>
          %dma_start3A_234 = tpu.memref_slice %arg3[%add3A_229] : memref<640000xi32, #tpu.memory_space<hbm>> -> memref<112xi32, #tpu.memory_space<hbm>>
          tpu.enqueue_dma source(%dma_start3A_234 : memref<112xi32, #tpu.memory_space<hbm>>) target(%arg7 : memref<112xi32, #tpu.memory_space<vmem>>) target_semaphore(%dma_start3A_233 : memref<!tpu.dma_semaphore, #tpu.memory_space<semaphore_mem>>)
          %mul3A_235 = arith.constant 112 : i32
          %mul3A_236 = arith.muli %add3A_226, %mul3A_235 : i32
          %add3A_237 = arith.addi %add3A_12, %mul3A_236 : i32
          %dma_start3A_238 = arith.constant 1 : i32
          %dma_start3A_239 = tpu.memref_slice %arg3[%add3A_237] : memref<640000xi32, #tpu.memory_space<hbm>> -> memref<112xi32, #tpu.memory_space<hbm>>
          %dma_start3A_240 = tpu.memref_slice %arg18[%dma_start3A_238] : memref<3x!tpu.dma_semaphore, #tpu.memory_space<semaphore_mem>> -> memref<1x!tpu.dma_semaphore, #tpu.memory_space<semaphore_mem>>
          %dma_start3A_241 = tpu.memref_squeeze %dma_start3A_240 : memref<1x!tpu.dma_semaphore, #tpu.memory_space<semaphore_mem>> -> memref<!tpu.dma_semaphore, #tpu.memory_space<semaphore_mem>>
          %dma_start3A_242 = tpu.memref_slice %arg3[%add3A_237] : memref<640000xi32, #tpu.memory_space<hbm>> -> memref<112xi32, #tpu.memory_space<hbm>>
          tpu.enqueue_dma source(%dma_start3A_242 : memref<112xi32, #tpu.memory_space<hbm>>) target(%arg10 : memref<112xi32, #tpu.memory_space<vmem>>) target_semaphore(%dma_start3A_241 : memref<!tpu.dma_semaphore, #tpu.memory_space<semaphore_mem>>)
        } else {
        }
        %add3A_188 = arith.constant 1 : i32
        %add3A_189 = arith.addi %scan3A_156, %add3A_188 : i32
        %lt3A_190 = arith.constant 89 : i32
        %lt3A_191 = arith.cmpi slt, %add3A_189, %lt3A_190 : i32
        %convert_element_type3A_192 = arith.extui %lt3A_191 : i1 to i32
        %cond3A_193 = arith.constant 0 : i32
        %cond3A_194 = arith.cmpi ne, %convert_element_type3A_192, %cond3A_193 : i32
        scf.if %cond3A_194 {
          %add3A_225 = arith.constant 1 : i32
          %add3A_226 = arith.addi %scan3A_156, %add3A_225 : i32
          %mul3A_227 = arith.constant 112 : i32
          %mul3A_228 = arith.muli %add3A_226, %mul3A_227 : i32
          %add3A_229 = arith.addi %mul3A_10, %mul3A_228 : i32
          %dma_wait3A_230 = arith.constant 0 : i32
          %dma_wait3A_231 = tpu.memref_slice %arg3[%add3A_229] : memref<640000xi32, #tpu.memory_space<hbm>> -> memref<112xi32, #tpu.memory_space<hbm>>
          %dma_wait3A_232 = tpu.memref_slice %arg22[%dma_wait3A_230] : memref<3x!tpu.dma_semaphore, #tpu.memory_space<semaphore_mem>> -> memref<1x!tpu.dma_semaphore, #tpu.memory_space<semaphore_mem>>
          %dma_wait3A_233 = tpu.memref_squeeze %dma_wait3A_232 : memref<1x!tpu.dma_semaphore, #tpu.memory_space<semaphore_mem>> -> memref<!tpu.dma_semaphore, #tpu.memory_space<semaphore_mem>>
          %dma_wait3A_234 = tpu.memref_slice %arg3[%add3A_229] : memref<640000xi32, #tpu.memory_space<hbm>> -> memref<112xi32, #tpu.memory_space<hbm>>
          tpu.wait_dma2 semaphore(%dma_wait3A_233 : memref<!tpu.dma_semaphore, #tpu.memory_space<semaphore_mem>>) src(%dma_wait3A_234 : memref<112xi32, #tpu.memory_space<hbm>>) dst(%arg6 : memref<112xi32, #tpu.memory_space<vmem>>)
          %dma_start3A_235 = arith.constant 0 : i32
          %dma_start3A_236 = arith.constant 0 : i32
          %dma_start3A_237 = arith.constant 0 : i32
          %dma_start3A_238 = arith.constant 0 : i32
          %dma_start3A_239 = tpu.memref_slice %arg13[%dma_start3A_235, %dma_start3A_237, %dma_start3A_238] : memref<3x112x128xf32, #tpu.memory_space<vmem>> -> memref<1x112x128xf32, #tpu.memory_space<vmem>>
          %dma_start3A_240 = tpu.memref_squeeze %dma_start3A_239 : memref<1x112x128xf32, #tpu.memory_space<vmem>> -> memref<112x128xf32, #tpu.memory_space<vmem>>
          %dma_start3A_241 = arith.constant 0 : i32
          %dma_start3A_242 = arith.constant 0 : i32
          %dma_start3A_243 = tpu.memref_slice %arg2[%dma_start3A_241, %dma_start3A_242] : memref<10000x128xf32, #tpu.memory_space<hbm>> -> memref<10000x128xf32, #tpu.memory_space<hbm>>
          %dma_start3A_244 = tpu.memref_slice %arg17[%dma_start3A_236] : memref<3x!tpu.dma_semaphore, #tpu.memory_space<semaphore_mem>> -> memref<1x!tpu.dma_semaphore, #tpu.memory_space<semaphore_mem>>
          %dma_start3A_245 = tpu.memref_squeeze %dma_start3A_244 : memref<1x!tpu.dma_semaphore, #tpu.memory_space<semaphore_mem>> -> memref<!tpu.dma_semaphore, #tpu.memory_space<semaphore_mem>>
          tpu.enqueue_indirect_dma source(%dma_start3A_243 : memref<10000x128xf32, #tpu.memory_space<hbm>>) target(%dma_start3A_240 : memref<112x128xf32, #tpu.memory_space<vmem>>) offsets(%arg6 : memref<112xi32, #tpu.memory_space<vmem>>) semaphore(%dma_start3A_245 : memref<!tpu.dma_semaphore, #tpu.memory_space<semaphore_mem>>)
        } else {
        }
        %dma_wait3A_195 = arith.constant 2 : i32
        %dma_wait3A_196 = arith.constant 2 : i32
        %dma_wait3A_197 = arith.constant 0 : i32
        %dma_wait3A_198 = arith.constant 0 : i32
        %dma_wait3A_199 = tpu.memref_slice %arg13[%dma_wait3A_195, %dma_wait3A_197, %dma_wait3A_198] : memref<3x112x128xf32, #tpu.memory_space<vmem>> -> memref<1x112x128xf32, #tpu.memory_space<vmem>>
        %dma_wait3A_200 = tpu.memref_squeeze %dma_wait3A_199 : memref<1x112x128xf32, #tpu.memory_space<vmem>> -> memref<112x128xf32, #tpu.memory_space<vmem>>
        %dma_wait3A_201 = arith.constant 0 : i32
        %dma_wait3A_202 = arith.constant 0 : i32
        %dma_wait3A_203 = tpu.memref_slice %arg2[%dma_wait3A_201, %dma_wait3A_202] : memref<10000x128xf32, #tpu.memory_space<hbm>> -> memref<10000x128xf32, #tpu.memory_space<hbm>>
        %dma_wait3A_204 = tpu.memref_slice %arg17[%dma_wait3A_196] : memref<3x!tpu.dma_semaphore, #tpu.memory_space<semaphore_mem>> -> memref<1x!tpu.dma_semaphore, #tpu.memory_space<semaphore_mem>>
        %dma_wait3A_205 = tpu.memref_squeeze %dma_wait3A_204 : memref<1x!tpu.dma_semaphore, #tpu.memory_space<semaphore_mem>> -> memref<!tpu.dma_semaphore, #tpu.memory_space<semaphore_mem>>
        tpu.wait_indirect_dma semaphore(%dma_wait3A_205 : memref<!tpu.dma_semaphore, #tpu.memory_space<semaphore_mem>>) src(%dma_wait3A_203 : memref<10000x128xf32, #tpu.memory_space<hbm>>) dst(%dma_wait3A_200 : memref<112x128xf32, #tpu.memory_space<vmem>>)
        %mul3A_206 = arith.constant 112 : i32
        %mul3A_207 = arith.muli %scan3A_156, %mul3A_206 : i32
        %add3A_208 = arith.addi %add3A_12, %mul3A_207 : i32
        %dma_wait3A_209 = arith.constant 2 : i32
        %dma_wait3A_210 = tpu.memref_slice %arg3[%add3A_208] : memref<640000xi32, #tpu.memory_space<hbm>> -> memref<112xi32, #tpu.memory_space<hbm>>
        %dma_wait3A_211 = tpu.memref_slice %arg18[%dma_wait3A_209] : memref<3x!tpu.dma_semaphore, #tpu.memory_space<semaphore_mem>> -> memref<1x!tpu.dma_semaphore, #tpu.memory_space<semaphore_mem>>
        %dma_wait3A_212 = tpu.memref_squeeze %dma_wait3A_211 : memref<1x!tpu.dma_semaphore, #tpu.memory_space<semaphore_mem>> -> memref<!tpu.dma_semaphore, #tpu.memory_space<semaphore_mem>>
        %dma_wait3A_213 = tpu.memref_slice %arg3[%add3A_208] : memref<640000xi32, #tpu.memory_space<hbm>> -> memref<112xi32, #tpu.memory_space<hbm>>
        tpu.wait_dma2 semaphore(%dma_wait3A_212 : memref<!tpu.dma_semaphore, #tpu.memory_space<semaphore_mem>>) src(%dma_wait3A_213 : memref<112xi32, #tpu.memory_space<hbm>>) dst(%arg11 : memref<112xi32, #tpu.memory_space<vmem>>)
        %dma_start3A_214 = arith.constant 2 : i32
        %dma_start3A_215 = arith.constant 2 : i32
        %dma_start3A_216 = arith.constant 0 : i32
        %dma_start3A_217 = arith.constant 0 : i32
        %dma_start3A_218 = tpu.memref_slice %arg13[%dma_start3A_214, %dma_start3A_216, %dma_start3A_217] : memref<3x112x128xf32, #tpu.memory_space<vmem>> -> memref<1x112x128xf32, #tpu.memory_space<vmem>>
        %dma_start3A_219 = tpu.memref_squeeze %dma_start3A_218 : memref<1x112x128xf32, #tpu.memory_space<vmem>> -> memref<112x128xf32, #tpu.memory_space<vmem>>
        %dma_start3A_220 = arith.constant 0 : i32
        %dma_start3A_221 = arith.constant 0 : i32
        %dma_start3A_222 = tpu.memref_slice %arg16[%dma_start3A_220, %dma_start3A_221] : memref<10000x128xf32, #tpu.memory_space<vmem_shared>> -> memref<10000x128xf32, #tpu.memory_space<vmem_shared>>
        %dma_start3A_223 = tpu.memref_slice %arg19[%dma_start3A_215] : memref<3x!tpu.dma_semaphore, #tpu.memory_space<semaphore_mem>> -> memref<1x!tpu.dma_semaphore, #tpu.memory_space<semaphore_mem>>
        %dma_start3A_224 = tpu.memref_squeeze %dma_start3A_223 : memref<1x!tpu.dma_semaphore, #tpu.memory_space<semaphore_mem>> -> memref<!tpu.dma_semaphore, #tpu.memory_space<semaphore_mem>>
        tpu.enqueue_indirect_dma source(%dma_start3A_219 : memref<112x128xf32, #tpu.memory_space<vmem>>) target(%dma_start3A_222 : memref<10000x128xf32, #tpu.memory_space<vmem_shared>>) offsets(%arg11 : memref<112xi32, #tpu.memory_space<vmem>>) semaphore(%dma_start3A_224 : memref<!tpu.dma_semaphore, #tpu.memory_space<semaphore_mem>>) {add = true}
      } else {
      }
    }
    %scan3A_84 = arith.constant 89 : i32
    %dma_wait3A_85 = arith.constant 0 : i32
    %dma_wait3A_86 = arith.constant 0 : i32
    %dma_wait3A_87 = arith.constant 0 : i32
    %dma_wait3A_88 = arith.constant 0 : i32
    %dma_wait3A_89 = tpu.memref_slice %arg13[%dma_wait3A_85, %dma_wait3A_87, %dma_wait3A_88] : memref<3x112x128xf32, #tpu.memory_space<vmem>> -> memref<1x112x128xf32, #tpu.memory_space<vmem>>
    %dma_wait3A_90 = tpu.memref_squeeze %dma_wait3A_89 : memref<1x112x128xf32, #tpu.memory_space<vmem>> -> memref<112x128xf32, #tpu.memory_space<vmem>>
    %dma_wait3A_91 = arith.constant 0 : i32
    %dma_wait3A_92 = arith.constant 0 : i32
    %dma_wait3A_93 = tpu.memref_slice %arg16[%dma_wait3A_91, %dma_wait3A_92] : memref<10000x128xf32, #tpu.memory_space<vmem_shared>> -> memref<10000x128xf32, #tpu.memory_space<vmem_shared>>
    %dma_wait3A_94 = tpu.memref_slice %arg19[%dma_wait3A_86] : memref<3x!tpu.dma_semaphore, #tpu.memory_space<semaphore_mem>> -> memref<1x!tpu.dma_semaphore, #tpu.memory_space<semaphore_mem>>
    %dma_wait3A_95 = tpu.memref_squeeze %dma_wait3A_94 : memref<1x!tpu.dma_semaphore, #tpu.memory_space<semaphore_mem>> -> memref<!tpu.dma_semaphore, #tpu.memory_space<semaphore_mem>>
    tpu.wait_indirect_dma semaphore(%dma_wait3A_95 : memref<!tpu.dma_semaphore, #tpu.memory_space<semaphore_mem>>) src(%dma_wait3A_90 : memref<112x128xf32, #tpu.memory_space<vmem>>) dst(%dma_wait3A_93 : memref<10000x128xf32, #tpu.memory_space<vmem_shared>>)
    %dma_wait3A_96 = arith.constant 1 : i32
    %dma_wait3A_97 = arith.constant 1 : i32
    %dma_wait3A_98 = arith.constant 0 : i32
    %dma_wait3A_99 = arith.constant 0 : i32
    %dma_wait3A_100 = tpu.memref_slice %arg13[%dma_wait3A_96, %dma_wait3A_98, %dma_wait3A_99] : memref<3x112x128xf32, #tpu.memory_space<vmem>> -> memref<1x112x128xf32, #tpu.memory_space<vmem>>
    %dma_wait3A_101 = tpu.memref_squeeze %dma_wait3A_100 : memref<1x112x128xf32, #tpu.memory_space<vmem>> -> memref<112x128xf32, #tpu.memory_space<vmem>>
    %dma_wait3A_102 = arith.constant 0 : i32
    %dma_wait3A_103 = arith.constant 0 : i32
    %dma_wait3A_104 = tpu.memref_slice %arg16[%dma_wait3A_102, %dma_wait3A_103] : memref<10000x128xf32, #tpu.memory_space<vmem_shared>> -> memref<10000x128xf32, #tpu.memory_space<vmem_shared>>
    %dma_wait3A_105 = tpu.memref_slice %arg19[%dma_wait3A_97] : memref<3x!tpu.dma_semaphore, #tpu.memory_space<semaphore_mem>> -> memref<1x!tpu.dma_semaphore, #tpu.memory_space<semaphore_mem>>
    %dma_wait3A_106 = tpu.memref_squeeze %dma_wait3A_105 : memref<1x!tpu.dma_semaphore, #tpu.memory_space<semaphore_mem>> -> memref<!tpu.dma_semaphore, #tpu.memory_space<semaphore_mem>>
    tpu.wait_indirect_dma semaphore(%dma_wait3A_106 : memref<!tpu.dma_semaphore, #tpu.memory_space<semaphore_mem>>) src(%dma_wait3A_101 : memref<112x128xf32, #tpu.memory_space<vmem>>) dst(%dma_wait3A_104 : memref<10000x128xf32, #tpu.memory_space<vmem_shared>>)
    %add3A_107 = arith.constant 9968 : i32
    %add3A_108 = arith.addi %mul3A_10, %add3A_107 : i32
    %dma_wait3A_109 = arith.constant 0 : i32
    %dma_wait3A_110 = tpu.memref_slice %arg3[%add3A_108] : memref<640000xi32, #tpu.memory_space<hbm>> -> memref<32xi32, #tpu.memory_space<hbm>>
    %dma_wait3A_111 = tpu.memref_slice %arg20[%dma_wait3A_109] : memref<2x!tpu.dma_semaphore, #tpu.memory_space<semaphore_mem>> -> memref<1x!tpu.dma_semaphore, #tpu.memory_space<semaphore_mem>>
    %dma_wait3A_112 = tpu.memref_squeeze %dma_wait3A_111 : memref<1x!tpu.dma_semaphore, #tpu.memory_space<semaphore_mem>> -> memref<!tpu.dma_semaphore, #tpu.memory_space<semaphore_mem>>
    %dma_wait3A_113 = tpu.memref_slice %arg3[%add3A_108] : memref<640000xi32, #tpu.memory_space<hbm>> -> memref<32xi32, #tpu.memory_space<hbm>>
    tpu.wait_dma2 semaphore(%dma_wait3A_112 : memref<!tpu.dma_semaphore, #tpu.memory_space<semaphore_mem>>) src(%dma_wait3A_113 : memref<32xi32, #tpu.memory_space<hbm>>) dst(%arg12 : memref<32xi32, #tpu.memory_space<vmem>>)
    %dma_start3A_114 = arith.constant 0 : i32
    %dma_start3A_115 = arith.constant 0 : i32
    %dma_start3A_116 = arith.constant 0 : i32
    %dma_start3A_117 = tpu.memref_slice %arg2[%dma_start3A_115, %dma_start3A_116] : memref<10000x128xf32, #tpu.memory_space<hbm>> -> memref<10000x128xf32, #tpu.memory_space<hbm>>
    %dma_start3A_118 = tpu.memref_slice %arg20[%dma_start3A_114] : memref<2x!tpu.dma_semaphore, #tpu.memory_space<semaphore_mem>> -> memref<1x!tpu.dma_semaphore, #tpu.memory_space<semaphore_mem>>
    %dma_start3A_119 = tpu.memref_squeeze %dma_start3A_118 : memref<1x!tpu.dma_semaphore, #tpu.memory_space<semaphore_mem>> -> memref<!tpu.dma_semaphore, #tpu.memory_space<semaphore_mem>>
    tpu.enqueue_indirect_dma source(%dma_start3A_117 : memref<10000x128xf32, #tpu.memory_space<hbm>>) target(%arg15 : memref<32x128xf32, #tpu.memory_space<vmem>>) offsets(%arg12 : memref<32xi32, #tpu.memory_space<vmem>>) semaphore(%dma_start3A_119 : memref<!tpu.dma_semaphore, #tpu.memory_space<semaphore_mem>>)
    %dma_wait3A_120 = arith.constant 0 : i32
    %dma_wait3A_121 = arith.constant 0 : i32
    %dma_wait3A_122 = arith.constant 0 : i32
    %dma_wait3A_123 = tpu.memref_slice %arg2[%dma_wait3A_121, %dma_wait3A_122] : memref<10000x128xf32, #tpu.memory_space<hbm>> -> memref<10000x128xf32, #tpu.memory_space<hbm>>
    %dma_wait3A_124 = tpu.memref_slice %arg20[%dma_wait3A_120] : memref<2x!tpu.dma_semaphore, #tpu.memory_space<semaphore_mem>> -> memref<1x!tpu.dma_semaphore, #tpu.memory_space<semaphore_mem>>
    %dma_wait3A_125 = tpu.memref_squeeze %dma_wait3A_124 : memref<1x!tpu.dma_semaphore, #tpu.memory_space<semaphore_mem>> -> memref<!tpu.dma_semaphore, #tpu.memory_space<semaphore_mem>>
    tpu.wait_indirect_dma semaphore(%dma_wait3A_125 : memref<!tpu.dma_semaphore, #tpu.memory_space<semaphore_mem>>) src(%dma_wait3A_123 : memref<10000x128xf32, #tpu.memory_space<hbm>>) dst(%arg15 : memref<32x128xf32, #tpu.memory_space<vmem>>)
    %add3A_126 = arith.constant 9968 : i32
    %add3A_127 = arith.addi %add3A_12, %add3A_126 : i32
    %dma_wait3A_128 = arith.constant 1 : i32
    %dma_wait3A_129 = tpu.memref_slice %arg3[%add3A_127] : memref<640000xi32, #tpu.memory_space<hbm>> -> memref<32xi32, #tpu.memory_space<hbm>>
    %dma_wait3A_130 = tpu.memref_slice %arg20[%dma_wait3A_128] : memref<2x!tpu.dma_semaphore, #tpu.memory_space<semaphore_mem>> -> memref<1x!tpu.dma_semaphore, #tpu.memory_space<semaphore_mem>>
    %dma_wait3A_131 = tpu.memref_squeeze %dma_wait3A_130 : memref<1x!tpu.dma_semaphore, #tpu.memory_space<semaphore_mem>> -> memref<!tpu.dma_semaphore, #tpu.memory_space<semaphore_mem>>
    %dma_wait3A_132 = tpu.memref_slice %arg3[%add3A_127] : memref<640000xi32, #tpu.memory_space<hbm>> -> memref<32xi32, #tpu.memory_space<hbm>>
    tpu.wait_dma2 semaphore(%dma_wait3A_131 : memref<!tpu.dma_semaphore, #tpu.memory_space<semaphore_mem>>) src(%dma_wait3A_132 : memref<32xi32, #tpu.memory_space<hbm>>) dst(%arg14 : memref<32xi32, #tpu.memory_space<vmem>>)
    %dma_start3A_133 = arith.constant 0 : i32
    %dma_start3A_134 = arith.constant 0 : i32
    %dma_start3A_135 = arith.constant 0 : i32
    %dma_start3A_136 = tpu.memref_slice %arg16[%dma_start3A_134, %dma_start3A_135] : memref<10000x128xf32, #tpu.memory_space<vmem_shared>> -> memref<10000x128xf32, #tpu.memory_space<vmem_shared>>
    %dma_start3A_137 = tpu.memref_slice %arg20[%dma_start3A_133] : memref<2x!tpu.dma_semaphore, #tpu.memory_space<semaphore_mem>> -> memref<1x!tpu.dma_semaphore, #tpu.memory_space<semaphore_mem>>
    %dma_start3A_138 = tpu.memref_squeeze %dma_start3A_137 : memref<1x!tpu.dma_semaphore, #tpu.memory_space<semaphore_mem>> -> memref<!tpu.dma_semaphore, #tpu.memory_space<semaphore_mem>>
    tpu.enqueue_indirect_dma source(%arg15 : memref<32x128xf32, #tpu.memory_space<vmem>>) target(%dma_start3A_136 : memref<10000x128xf32, #tpu.memory_space<vmem_shared>>) offsets(%arg14 : memref<32xi32, #tpu.memory_space<vmem>>) semaphore(%dma_start3A_138 : memref<!tpu.dma_semaphore, #tpu.memory_space<semaphore_mem>>) {add = true}
    %dma_wait3A_139 = arith.constant 0 : i32
    %dma_wait3A_140 = arith.constant 0 : i32
    %dma_wait3A_141 = arith.constant 0 : i32
    %dma_wait3A_142 = tpu.memref_slice %arg16[%dma_wait3A_140, %dma_wait3A_141] : memref<10000x128xf32, #tpu.memory_space<vmem_shared>> -> memref<10000x128xf32, #tpu.memory_space<vmem_shared>>
    %dma_wait3A_143 = tpu.memref_slice %arg20[%dma_wait3A_139] : memref<2x!tpu.dma_semaphore, #tpu.memory_space<semaphore_mem>> -> memref<1x!tpu.dma_semaphore, #tpu.memory_space<semaphore_mem>>
    %dma_wait3A_144 = tpu.memref_squeeze %dma_wait3A_143 : memref<1x!tpu.dma_semaphore, #tpu.memory_space<semaphore_mem>> -> memref<!tpu.dma_semaphore, #tpu.memory_space<semaphore_mem>>
    tpu.wait_indirect_dma semaphore(%dma_wait3A_144 : memref<!tpu.dma_semaphore, #tpu.memory_space<semaphore_mem>>) src(%arg15 : memref<32x128xf32, #tpu.memory_space<vmem>>) dst(%dma_wait3A_142 : memref<10000x128xf32, #tpu.memory_space<vmem_shared>>)
    %barrier3A_145 = arith.constant 0 : index
    tpu.barrier barrier_id(%barrier3A_145)
    %lt3A_146 = arith.constant 15 : i32
    %lt3A_147 = arith.cmpi slt, %arg1, %lt3A_146 : i32
    %convert_element_type3A_148 = arith.extui %lt3A_147 : i1 to i32
    %cond3A_149 = arith.constant 0 : i32
    %cond3A_150 = arith.cmpi ne, %convert_element_type3A_148, %cond3A_149 : i32
    scf.if %cond3A_150 {
      "tpu.region"() ({
        %run_scoped3A = tpu.sem_alloc : memref<!tpu.dma_semaphore, #tpu.memory_space<semaphore_mem>>
        %dma_start3A_156 = arith.constant 0 : i32
        %dma_start3A_157 = tpu.memref_slice %arg5[%arg0, %mul3A_2, %dma_start3A_156] : memref<2x10000x128xf32, #tpu.memory_space<hbm>> -> memref<1x640x128xf32, #tpu.memory_space<hbm>>
        %dma_start3A_158 = tpu.memref_squeeze %dma_start3A_157 : memref<1x640x128xf32, #tpu.memory_space<hbm>> -> memref<640x128xf32, #tpu.memory_space<hbm>>
        %dma_start3A_159 = arith.constant 0 : i32
        %dma_start3A_160 = tpu.memref_slice %arg16[%mul3A_2, %dma_start3A_159] : memref<10000x128xf32, #tpu.memory_space<vmem_shared>> -> memref<640x128xf32, #tpu.memory_space<vmem_shared>>
        tpu.enqueue_dma source(%dma_start3A_160 : memref<640x128xf32, #tpu.memory_space<vmem_shared>>) target(%dma_start3A_158 : memref<640x128xf32, #tpu.memory_space<hbm>>) target_semaphore(%run_scoped3A : memref<!tpu.dma_semaphore, #tpu.memory_space<semaphore_mem>>)
        %dma_wait3A_161 = arith.constant 0 : i32
        %dma_wait3A_162 = tpu.memref_slice %arg5[%arg0, %mul3A_2, %dma_wait3A_161] : memref<2x10000x128xf32, #tpu.memory_space<hbm>> -> memref<1x640x128xf32, #tpu.memory_space<hbm>>
        %dma_wait3A_163 = tpu.memref_squeeze %dma_wait3A_162 : memref<1x640x128xf32, #tpu.memory_space<hbm>> -> memref<640x128xf32, #tpu.memory_space<hbm>>
        %dma_wait3A_164 = arith.constant 0 : i32
        %dma_wait3A_165 = tpu.memref_slice %arg16[%mul3A_2, %dma_wait3A_164] : memref<10000x128xf32, #tpu.memory_space<vmem_shared>> -> memref<640x128xf32, #tpu.memory_space<vmem_shared>>
        tpu.wait_dma2 semaphore(%run_scoped3A : memref<!tpu.dma_semaphore, #tpu.memory_space<semaphore_mem>>) src(%dma_wait3A_165 : memref<640x128xf32, #tpu.memory_space<vmem_shared>>) dst(%dma_wait3A_163 : memref<640x128xf32, #tpu.memory_space<hbm>>)
        tpu.yield
      }) : () -> ()
    } else {
    }
    %eq3A_151 = arith.constant 15 : i32
    %eq3A_152 = arith.cmpi eq, %arg1, %eq3A_151 : i32
    %convert_element_type3A_153 = arith.extui %eq3A_152 : i1 to i32
    %cond3A_154 = arith.constant 0 : i32
    %cond3A_155 = arith.cmpi ne, %convert_element_type3A_153, %cond3A_154 : i32
    scf.if %cond3A_155 {
      "tpu.region"() ({
        %run_scoped3A = tpu.sem_alloc : memref<!tpu.dma_semaphore, #tpu.memory_space<semaphore_mem>>
        %dma_start3A_156 = arith.constant 9600 : i32
        %dma_start3A_157 = arith.constant 0 : i32
        %dma_start3A_158 = tpu.memref_slice %arg5[%arg0, %dma_start3A_156, %dma_start3A_157] : memref<2x10000x128xf32, #tpu.memory_space<hbm>> -> memref<1x400x128xf32, #tpu.memory_space<hbm>>
        %dma_start3A_159 = tpu.memref_squeeze %dma_start3A_158 : memref<1x400x128xf32, #tpu.memory_space<hbm>> -> memref<400x128xf32, #tpu.memory_space<hbm>>
        %dma_start3A_160 = arith.constant 9600 : i32
        %dma_start3A_161 = arith.constant 0 : i32
        %dma_start3A_162 = tpu.memref_slice %arg16[%dma_start3A_160, %dma_start3A_161] : memref<10000x128xf32, #tpu.memory_space<vmem_shared>> -> memref<400x128xf32, #tpu.memory_space<vmem_shared>>
        tpu.enqueue_dma source(%dma_start3A_162 : memref<400x128xf32, #tpu.memory_space<vmem_shared>>) target(%dma_start3A_159 : memref<400x128xf32, #tpu.memory_space<hbm>>) target_semaphore(%run_scoped3A : memref<!tpu.dma_semaphore, #tpu.memory_space<semaphore_mem>>)
        %dma_wait3A_163 = arith.constant 9600 : i32
        %dma_wait3A_164 = arith.constant 0 : i32
        %dma_wait3A_165 = tpu.memref_slice %arg5[%arg0, %dma_wait3A_163, %dma_wait3A_164] : memref<2x10000x128xf32, #tpu.memory_space<hbm>> -> memref<1x400x128xf32, #tpu.memory_space<hbm>>
        %dma_wait3A_166 = tpu.memref_squeeze %dma_wait3A_165 : memref<1x400x128xf32, #tpu.memory_space<hbm>> -> memref<400x128xf32, #tpu.memory_space<hbm>>
        %dma_wait3A_167 = arith.constant 9600 : i32
        %dma_wait3A_168 = arith.constant 0 : i32
        %dma_wait3A_169 = tpu.memref_slice %arg16[%dma_wait3A_167, %dma_wait3A_168] : memref<10000x128xf32, #tpu.memory_space<vmem_shared>> -> memref<400x128xf32, #tpu.memory_space<vmem_shared>>
        tpu.wait_dma2 semaphore(%run_scoped3A : memref<!tpu.dma_semaphore, #tpu.memory_space<semaphore_mem>>) src(%dma_wait3A_169 : memref<400x128xf32, #tpu.memory_space<vmem_shared>>) dst(%dma_wait3A_166 : memref<400x128xf32, #tpu.memory_space<hbm>>)
        tpu.yield
      }) : () -> ()
    } else {
    }
    return
  }
}

module attributes {stable_mosaic.version = 14 : i64} {
  func.func @_pre_body(%arg0: i32, %arg1: memref<2000x128xf32, #tpu.memory_space<vmem>>, %arg2: memref<2000x128xf32, #tpu.memory_space<vmem>>, %arg3: memref<128x128xf32, #tpu.memory_space<vmem>>, %arg4: memref<1x128xf32, #tpu.memory_space<vmem>>, %arg5: memref<2000x128xf32, #tpu.memory_space<vmem>>) attributes {dimension_semantics = [#tpu.dimension_semantics<arbitrary>], iteration_bounds = array<i64: 5>, scalar_prefetch = 0 : i64, scratch_operands = 0 : i64, tpu.core_type = #tpu.core_type<tc>, window_params = [{transform_indices = @transform_0, window_bounds = array<i64: 2000, 128>}, {transform_indices = @transform_1, window_bounds = array<i64: 2000, 128>}, {pipeline_mode = #tpu.pipeline_mode<synchronous>, transform_indices = @transform_2, window_bounds = array<i64: 128, 128>}, {pipeline_mode = #tpu.pipeline_mode<synchronous>, transform_indices = @transform_3, window_bounds = array<i64: 1, 128>}, {transform_indices = @transform_4, window_bounds = array<i64: 2000, 128>}]} {
    %get3A = arith.constant 0 : index
    %get3A_0 = arith.constant 0 : index
    %get3A_1 = vector.load %arg1[%get3A, %get3A_0] : memref<2000x128xf32, #tpu.memory_space<vmem>>, vector<2000x128xf32>
    %get3A_2 = arith.constant 0 : index
    %get3A_3 = arith.constant 0 : index
    %get3A_4 = vector.load %arg3[%get3A_2, %get3A_3] : memref<128x128xf32, #tpu.memory_space<vmem>>, vector<128x128xf32>
    %dot_general3A = arith.constant dense<0.000000e+00> : vector<2000x128xf32>
    %dot_general3A_5 = tpu.matmul %get3A_1, %get3A_4, %dot_general3A {dimension_numbers = #tpu.dot_dimension_numbers<[1], [0], [0], [1], [0, 0, 1, 1], [], []>, transpose_lhs_hint = false} : vector<2000x128xf32>, vector<128x128xf32>, vector<2000x128xf32> -> vector<2000x128xf32>
    %get3A_6 = arith.constant 0 : index
    %get3A_7 = arith.constant 0 : index
    %get3A_8 = vector.load %arg2[%get3A_6, %get3A_7] : memref<2000x128xf32, #tpu.memory_space<vmem>>, vector<2000x128xf32>
    %add3A = arith.addf %dot_general3A_5, %get3A_8 : vector<2000x128xf32>
    %get3A_9 = arith.constant 0 : index
    %get3A_10 = arith.constant 0 : index
    %get3A_11 = vector.load %arg4[%get3A_9, %get3A_10] : memref<1x128xf32, #tpu.memory_space<vmem>>, vector<1x128xf32>
    %add3A_12 = vector.broadcast %get3A_11 : vector<1x128xf32> to vector<2000x128xf32>
    %add3A_13 = arith.addf %add3A, %add3A_12 : vector<2000x128xf32>
    %swap3A = arith.constant 0 : index
    %swap3A_14 = arith.constant 0 : index
    %swap3A_15 = vector.load %arg5[%swap3A, %swap3A_14] : memref<2000x128xf32, #tpu.memory_space<vmem>>, vector<2000x128xf32>
    tpu.vector_store %arg5[%swap3A, %swap3A_14], %add3A_13 {strides = array<i32>} : memref<2000x128xf32, #tpu.memory_space<vmem>>, vector<2000x128xf32>,
    return
  }
  func.func @transform_0(%arg0: i32) -> (i32, i32) {
    %c0_i32 = arith.constant 0 : i32
    %c0_i32_0 = arith.constant 0 : i32
    return %arg0, %c0_i32 : i32, i32
  }
  func.func @transform_1(%arg0: i32) -> (i32, i32) {
    %c0_i32 = arith.constant 0 : i32
    %c0_i32_0 = arith.constant 0 : i32
    return %arg0, %c0_i32 : i32, i32
  }
  func.func @transform_2(%arg0: i32) -> (i32, i32) {
    %c0_i32 = arith.constant 0 : i32
    %c0_i32_0 = arith.constant 0 : i32
    %c0_i32_1 = arith.constant 0 : i32
    return %c0_i32, %c0_i32_0 : i32, i32
  }
  func.func @transform_3(%arg0: i32) -> (i32, i32) {
    %c0_i32 = arith.constant 0 : i32
    %c0_i32_0 = arith.constant 0 : i32
    %c0_i32_1 = arith.constant 0 : i32
    return %c0_i32, %c0_i32_0 : i32, i32
  }
  func.func @transform_4(%arg0: i32) -> (i32, i32) {
    %c0_i32 = arith.constant 0 : i32
    %c0_i32_0 = arith.constant 0 : i32
    return %arg0, %c0_i32 : i32, i32
  }
}

module attributes {stable_mosaic.version = 14 : i64} {
  func.func @_embed_body(%arg0: i32, %arg1: memref<2000x128xf32, #tpu.memory_space<vmem>>, %arg2: memref<128x128xf32, #tpu.memory_space<vmem>>, %arg3: memref<1x128xf32, #tpu.memory_space<vmem>>, %arg4: memref<2000x128xf32, #tpu.memory_space<vmem>>) attributes {dimension_semantics = [#tpu.dimension_semantics<arbitrary>], iteration_bounds = array<i64: 5>, scalar_prefetch = 0 : i64, scratch_operands = 0 : i64, tpu.core_type = #tpu.core_type<tc>, window_params = [{transform_indices = @transform_0, window_bounds = array<i64: 2000, 128>}, {pipeline_mode = #tpu.pipeline_mode<synchronous>, transform_indices = @transform_1, window_bounds = array<i64: 128, 128>}, {pipeline_mode = #tpu.pipeline_mode<synchronous>, transform_indices = @transform_2, window_bounds = array<i64: 1, 128>}, {transform_indices = @transform_3, window_bounds = array<i64: 2000, 128>}]} {
    %get3A = arith.constant 0 : index
    %get3A_0 = arith.constant 0 : index
    %get3A_1 = vector.load %arg1[%get3A, %get3A_0] : memref<2000x128xf32, #tpu.memory_space<vmem>>, vector<2000x128xf32>
    %get3A_2 = arith.constant 0 : index
    %get3A_3 = arith.constant 0 : index
    %get3A_4 = vector.load %arg2[%get3A_2, %get3A_3] : memref<128x128xf32, #tpu.memory_space<vmem>>, vector<128x128xf32>
    %dot_general3A = arith.constant dense<0.000000e+00> : vector<2000x128xf32>
    %dot_general3A_5 = tpu.matmul %get3A_1, %get3A_4, %dot_general3A {dimension_numbers = #tpu.dot_dimension_numbers<[1], [0], [0], [1], [0, 0, 1, 1], [], []>, transpose_lhs_hint = false} : vector<2000x128xf32>, vector<128x128xf32>, vector<2000x128xf32> -> vector<2000x128xf32>
    %get3A_6 = arith.constant 0 : index
    %get3A_7 = arith.constant 0 : index
    %get3A_8 = vector.load %arg3[%get3A_6, %get3A_7] : memref<1x128xf32, #tpu.memory_space<vmem>>, vector<1x128xf32>
    %add3A = vector.broadcast %get3A_8 : vector<1x128xf32> to vector<2000x128xf32>
    %add3A_9 = arith.addf %dot_general3A_5, %add3A : vector<2000x128xf32>
    %tanh3A = math.tanh %add3A_9 : vector<2000x128xf32>
    %swap3A = arith.constant 0 : index
    %swap3A_10 = arith.constant 0 : index
    %swap3A_11 = vector.load %arg4[%swap3A, %swap3A_10] : memref<2000x128xf32, #tpu.memory_space<vmem>>, vector<2000x128xf32>
    tpu.vector_store %arg4[%swap3A, %swap3A_10], %tanh3A {strides = array<i32>} : memref<2000x128xf32, #tpu.memory_space<vmem>>, vector<2000x128xf32>,
    return
  }
  func.func @transform_0(%arg0: i32) -> (i32, i32) {
    %c0_i32 = arith.constant 0 : i32
    %c0_i32_0 = arith.constant 0 : i32
    return %arg0, %c0_i32 : i32, i32
  }
  func.func @transform_1(%arg0: i32) -> (i32, i32) {
    %c0_i32 = arith.constant 0 : i32
    %c0_i32_0 = arith.constant 0 : i32
    %c0_i32_1 = arith.constant 0 : i32
    return %c0_i32, %c0_i32_0 : i32, i32
  }
  func.func @transform_2(%arg0: i32) -> (i32, i32) {
    %c0_i32 = arith.constant 0 : i32
    %c0_i32_0 = arith.constant 0 : i32
    %c0_i32_1 = arith.constant 0 : i32
    return %c0_i32, %c0_i32_0 : i32, i32
  }
  func.func @transform_3(%arg0: i32) -> (i32, i32) {
    %c0_i32 = arith.constant 0 : i32
    %c0_i32_0 = arith.constant 0 : i32
    return %arg0, %c0_i32 : i32, i32
  }
}

module attributes {stable_mosaic.version = 14 : i64} {
  func.func @_fin_body(%arg0: i32, %arg1: memref<2x2000x128xf32, #tpu.memory_space<vmem>>, %arg2: memref<2000x128xf32, #tpu.memory_space<vmem>>, %arg3: memref<128x128xf32, #tpu.memory_space<vmem>>, %arg4: memref<2000x128xf32, #tpu.memory_space<vmem>>) attributes {dimension_semantics = [#tpu.dimension_semantics<arbitrary>], iteration_bounds = array<i64: 5>, scalar_prefetch = 0 : i64, scratch_operands = 0 : i64, tpu.core_type = #tpu.core_type<tc>, window_params = [{transform_indices = @transform_0, window_bounds = array<i64: 2, 2000, 128>}, {transform_indices = @transform_1, window_bounds = array<i64: 2000, 128>}, {pipeline_mode = #tpu.pipeline_mode<synchronous>, transform_indices = @transform_2, window_bounds = array<i64: 128, 128>}, {transform_indices = @transform_3, window_bounds = array<i64: 2000, 128>}]} {
    %get3A = arith.constant 0 : index
    %get3A_0 = arith.constant 0 : index
    %get3A_1 = arith.constant 0 : index
    %get3A_2 = vector.load %arg1[%get3A, %get3A_0, %get3A_1] : memref<2x2000x128xf32, #tpu.memory_space<vmem>>, vector<1x2000x128xf32>
    %get3A_3 = vector.shape_cast %get3A_2 : vector<1x2000x128xf32> to vector<2000x128xf32>
    %get3A_4 = arith.constant 1 : index
    %get3A_5 = arith.constant 0 : index
    %get3A_6 = arith.constant 0 : index
    %get3A_7 = vector.load %arg1[%get3A_4, %get3A_5, %get3A_6] : memref<2x2000x128xf32, #tpu.memory_space<vmem>>, vector<1x2000x128xf32>
    %get3A_8 = vector.shape_cast %get3A_7 : vector<1x2000x128xf32> to vector<2000x128xf32>
    %add3A = arith.addf %get3A_3, %get3A_8 : vector<2000x128xf32>
    %get3A_9 = arith.constant 0 : index
    %get3A_10 = arith.constant 0 : index
    %get3A_11 = vector.load %arg3[%get3A_9, %get3A_10] : memref<128x128xf32, #tpu.memory_space<vmem>>, vector<128x128xf32>
    %dot_general3A = arith.constant dense<0.000000e+00> : vector<2000x128xf32>
    %dot_general3A_12 = tpu.matmul %add3A, %get3A_11, %dot_general3A {dimension_numbers = #tpu.dot_dimension_numbers<[1], [0], [0], [1], [0, 0, 1, 1], [], []>, transpose_lhs_hint = false} : vector<2000x128xf32>, vector<128x128xf32>, vector<2000x128xf32> -> vector<2000x128xf32>
    %get3A_13 = arith.constant 0 : index
    %get3A_14 = arith.constant 0 : index
    %get3A_15 = vector.load %arg2[%get3A_13, %get3A_14] : memref<2000x128xf32, #tpu.memory_space<vmem>>, vector<2000x128xf32>
    %add3A_16 = arith.addf %dot_general3A_12, %get3A_15 : vector<2000x128xf32>
    %max3A = arith.constant 0.000000e+00 : f32
    %max3A_17 = vector.broadcast %max3A : f32 to vector<2000x128xf32>
    %max3A_18 = arith.maximumf %add3A_16, %max3A_17 : vector<2000x128xf32>
    %swap3A = arith.constant 0 : index
    %swap3A_19 = arith.constant 0 : index
    %swap3A_20 = vector.load %arg4[%swap3A, %swap3A_19] : memref<2000x128xf32, #tpu.memory_space<vmem>>, vector<2000x128xf32>
    tpu.vector_store %arg4[%swap3A, %swap3A_19], %max3A_18 {strides = array<i32>} : memref<2000x128xf32, #tpu.memory_space<vmem>>, vector<2000x128xf32>,
    return
  }
  func.func @transform_0(%arg0: i32) -> (i32, i32, i32) {
    %c0_i32 = arith.constant 0 : i32
    %c0_i32_0 = arith.constant 0 : i32
    %c0_i32_1 = arith.constant 0 : i32
    return %c0_i32, %arg0, %c0_i32_0 : i32, i32, i32
  }
  func.func @transform_1(%arg0: i32) -> (i32, i32) {
    %c0_i32 = arith.constant 0 : i32
    %c0_i32_0 = arith.constant 0 : i32
    return %arg0, %c0_i32 : i32, i32
  }
  func.func @transform_2(%arg0: i32) -> (i32, i32) {
    %c0_i32 = arith.constant 0 : i32
    %c0_i32_0 = arith.constant 0 : i32
    %c0_i32_1 = arith.constant 0 : i32
    return %c0_i32, %c0_i32_0 : i32, i32
  }
  func.func @transform_3(%arg0: i32) -> (i32, i32) {
    %c0_i32 = arith.constant 0 : i32
    %c0_i32_0 = arith.constant 0 : i32
    return %arg0, %c0_i32 : i32, i32
  }
}

module attributes {stable_mosaic.version = 14 : i64} {
  func.func @_fin_body(%arg0: i32, %arg1: memref<2x2000x128xf32, #tpu.memory_space<vmem>>, %arg2: memref<2000x128xf32, #tpu.memory_space<vmem>>, %arg3: memref<128x128xf32, #tpu.memory_space<vmem>>, %arg4: memref<2000x128xf32, #tpu.memory_space<vmem>>) attributes {dimension_semantics = [#tpu.dimension_semantics<arbitrary>], iteration_bounds = array<i64: 5>, scalar_prefetch = 0 : i64, scratch_operands = 0 : i64, tpu.core_type = #tpu.core_type<tc>, window_params = [{transform_indices = @transform_0, window_bounds = array<i64: 2, 2000, 128>}, {transform_indices = @transform_1, window_bounds = array<i64: 2000, 128>}, {pipeline_mode = #tpu.pipeline_mode<synchronous>, transform_indices = @transform_2, window_bounds = array<i64: 128, 128>}, {transform_indices = @transform_3, window_bounds = array<i64: 2000, 128>}]} {
    %get3A = arith.constant 0 : index
    %get3A_0 = arith.constant 0 : index
    %get3A_1 = arith.constant 0 : index
    %get3A_2 = vector.load %arg1[%get3A, %get3A_0, %get3A_1] : memref<2x2000x128xf32, #tpu.memory_space<vmem>>, vector<1x2000x128xf32>
    %get3A_3 = vector.shape_cast %get3A_2 : vector<1x2000x128xf32> to vector<2000x128xf32>
    %get3A_4 = arith.constant 1 : index
    %get3A_5 = arith.constant 0 : index
    %get3A_6 = arith.constant 0 : index
    %get3A_7 = vector.load %arg1[%get3A_4, %get3A_5, %get3A_6] : memref<2x2000x128xf32, #tpu.memory_space<vmem>>, vector<1x2000x128xf32>
    %get3A_8 = vector.shape_cast %get3A_7 : vector<1x2000x128xf32> to vector<2000x128xf32>
    %add3A = arith.addf %get3A_3, %get3A_8 : vector<2000x128xf32>
    %get3A_9 = arith.constant 0 : index
    %get3A_10 = arith.constant 0 : index
    %get3A_11 = vector.load %arg3[%get3A_9, %get3A_10] : memref<128x128xf32, #tpu.memory_space<vmem>>, vector<128x128xf32>
    %dot_general3A = arith.constant dense<0.000000e+00> : vector<2000x128xf32>
    %dot_general3A_12 = tpu.matmul %add3A, %get3A_11, %dot_general3A {dimension_numbers = #tpu.dot_dimension_numbers<[1], [0], [0], [1], [0, 0, 1, 1], [], []>, transpose_lhs_hint = false} : vector<2000x128xf32>, vector<128x128xf32>, vector<2000x128xf32> -> vector<2000x128xf32>
    %get3A_13 = arith.constant 0 : index
    %get3A_14 = arith.constant 0 : index
    %get3A_15 = vector.load %arg2[%get3A_13, %get3A_14] : memref<2000x128xf32, #tpu.memory_space<vmem>>, vector<2000x128xf32>
    %add3A_16 = arith.addf %dot_general3A_12, %get3A_15 : vector<2000x128xf32>
    %max3A = arith.constant 0.000000e+00 : f32
    %max3A_17 = vector.broadcast %max3A : f32 to vector<2000x128xf32>
    %max3A_18 = arith.maximumf %add3A_16, %max3A_17 : vector<2000x128xf32>
    %swap3A = arith.constant 0 : index
    %swap3A_19 = arith.constant 0 : index
    %swap3A_20 = vector.load %arg4[%swap3A, %swap3A_19] : memref<2000x128xf32, #tpu.memory_space<vmem>>, vector<2000x128xf32>
    tpu.vector_store %arg4[%swap3A, %swap3A_19], %max3A_18 {strides = array<i32>} : memref<2000x128xf32, #tpu.memory_space<vmem>>, vector<2000x128xf32>,
    return
  }
  func.func @transform_0(%arg0: i32) -> (i32, i32, i32) {
    %c0_i32 = arith.constant 0 : i32
    %c0_i32_0 = arith.constant 0 : i32
    %c0_i32_1 = arith.constant 0 : i32
    return %c0_i32, %arg0, %c0_i32_0 : i32, i32, i32
  }
  func.func @transform_1(%arg0: i32) -> (i32, i32) {
    %c0_i32 = arith.constant 0 : i32
    %c0_i32_0 = arith.constant 0 : i32
    return %arg0, %c0_i32 : i32, i32
  }
  func.func @transform_2(%arg0: i32) -> (i32, i32) {
    %c0_i32 = arith.constant 0 : i32
    %c0_i32_0 = arith.constant 0 : i32
    %c0_i32_1 = arith.constant 0 : i32
    return %c0_i32, %c0_i32_0 : i32, i32
  }
  func.func @transform_3(%arg0: i32) -> (i32, i32) {
    %c0_i32 = arith.constant 0 : i32
    %c0_i32_0 = arith.constant 0 : i32
    return %arg0, %c0_i32 : i32, i32
  }
}

</mosaic_0001>

<sc_bundles>
// kernel: kernel.12.cloned.1.call-start
scs
__scs_entry_jumppad:
0x0: {  	(pc) =	sbr.rel $0x88, $3  }
0x1: {  	(tag) =	ssettag $0x0;
	lr =	simm.s32 $0x1  }
0x2: {  	[smem:$0x3F9A] =	sst lr;
	_ =	strace $0xD0000000  }
0x3: {  	_ = 	snop  }
0x4: {  	_ = 	snop  }
0x5: {  	_ = 	snop  }
0x6: {  	_ = 	snop  }
0x7: {  	_ = 	snop  }
__scs_overlays_trampoline_lowered:
0x8: {  	[smem:$0x3FA9] =	sst s0  }
0x9: {  	[smem:$0x3FAA] =	sst s1  }
0xa: {  	[smem:$0x3FAB] =	sst s2  }
0xb: {  	[smem:$0x3FAC] =	sst s3  }
0xc: {  	[smem:$0x3FAD] =	sst s4  }
0xd: {  	[smem:$0x3FAE] =	sst s5  }
0xe: {  	[smem:$0x3FAF] =	sst s6  }
0xf: {  	[smem:$0x3FB0] =	sst s7  }
0x10: {  	[smem:$0x3FB1] =	sst s8  }
0x11: {  	[smem:$0x3FB2] =	sst s9;
	s0 =	simm.s32 @!p0 $0x0  }
0x12: {  	s1 =	sld [smem:$0x3F98];
	s0 =	simm.s32 @p0 $0x1  }
0x13: {  	[smem:$0x3FB3] =	sst s0;
	s0 =	simm.s32 @!p1 $0x0  }
0x14: {  	s2 =	sld [smem:$0x3F97];
	s0 =	simm.s32 @p1 $0x1  }
0x15: {  	[smem:$0x3FB4] =	sst s0;
	s0 =	simm.s32 @!p2 $0x0  }
0x16: {  	s3 =	sld [smem:$0x3FDB];
	s0 =	simm.s32 @p2 $0x1  }
0x17: {  	s4 =	simm.s32 $0x1BF5;
	[smem:$0x3FB6] =	sst s0  }
0x18: {  	s0 =	sld [smem:$0x3F99];
	_ =	swait.ge [sflag:s4], $0x0  }
0x19: {  	s7 =	sld [smem:$0x3F9A]  }
0x1a: {  	s8 =	sadd.s32 $0xFFFFE003, lr  }
0x1b: {  	s9 =	sadd.s32 $0xFFFFFEF7, lr;
	s5 =	simm.s32 $0xFFFFFFFF;
	p2 =	slt.u32 s8, $0xFFFFF086  }
0x1c: {  	p1 =	slt.u32 s9, $0xF7A;
	s5 =	simm.s32 @!p2 $0x0  }
0x1d: {  	s5 =	simm.s32 @p1 $0x1;
	p0 =	seq.s32 s7, s2  }
0x1e: {  	s7 =	smul.u32 @!p0 $0xF7A, s2;
	p2 =	seq.s32 @!p0 s5, $0x0  }
0x1f: {  	s9 =	smul.u32 $0xF7A, s1;
	s8 =	simm.s32 @!p0 $0x1BF5;
	p2 =	por !p2, p0  }
0x20: {  	[sflag:s8] =	ssyncset.s32 @!p0 $0xFFFFF086;
	s6 =	sadd.s32 @!p0 s3, s7;
	s7 =	simm.s32 @!p0 $0x108  }
0x21: {  	s3 =	sadd.s32 s3, s9;
	s6 =	sadd.s32 @!p0 $0x88, s6;
	s7 =	simm.s32 @p2 $0x1082  }
0x22: {  	[simem:s7], [sflag:s8] =	dma.local @!p0 [hbm:s6], $0xF7A  }
0x23: {  	s9 =	sor.u32 $0xD0000000, s2;
	s6 =	simm.s32 $0x108;
	_ =	swait.ge @!p0 [sflag:s8], $0x0  }
0x24: {  	s3 =	sadd.s32 $0x88, s3;
	s6 =	simm.s32 @!p1 $0x1082;
	[sflag:s4] =	ssyncset.s32 $0xFFFFF086  }
0x25: {  	[simem:s6], [sflag:s4] =	dma.local [hbm:s3], $0xF7A  }
0x26: {  	[smem:$0x3F9A] =	sst s1;
	(tag) =	ssettag s2;
	_ =	strace s9  }
0x27: {  	s1 =	sld [smem:$0x3FAA]  }
0x28: {  	s2 =	sld [smem:$0x3FAB]  }
0x29: {  	s4 =	sld [smem:$0x3FAD]  }
0x2a: {  	p0 =	seq.s32 s5, $0x0;
	s5 =	sld [smem:$0x3FAE]  }
0x2b: {  	s6 =	sld [smem:$0x3FAF]  }
0x2c: {  	s7 =	sld [smem:$0x3FB0]  }
0x2d: {  	s3 =	simm.s32 $0x108;
	s8 =	sld [smem:$0x3FB1]  }
0x2e: {  	s3 =	simm.s32 @!p0 $0x1082;
	s9 =	sld [smem:$0x3FB2]  }
0x2f: {  	lr =	sadd.s32 s0, s3;
	s0 =	sld [smem:$0x3FA9]  }
0x30: {  	s3 =	sld [smem:$0x3FAC]  }
0x31: {  	[smem:$0x3FB5] =	sst s10  }
0x32: {  	s10 =	sld [smem:$0x3FB3];
	_ =	sdelay $0x3  }
0x33: {  	p0 =	seq.s32 s10, $0x1;
	s10 =	sld [smem:$0x3FB5];
	_ =	sdelay $0x3  }
0x34: {  	[smem:$0x3FB5] =	sst s10  }
0x35: {  	s10 =	sld [smem:$0x3FB4];
	_ =	sdelay $0x3  }
0x36: {  	p1 =	seq.s32 s10, $0x1;
	s10 =	sld [smem:$0x3FB5];
	_ =	sdelay $0x3  }
0x37: {  	[smem:$0x3FB5] =	sst s10  }
0x38: {  	s10 =	sld [smem:$0x3FB6]  }
0x39: {  	_ = 	snop;
	(pc) =	sbr.ind lr, $3  }
0x3a: {  	_ = 	snop  }
0x3b: {  	_ = 	snop  }
0x3c: {  	p2 =	seq.s32 s10, $0x1;
	s10 =	sld [smem:$0x3FB5]  }
0x3d: {  	_ =	shalt  }
0x3e: {  	_ =	shalt  }
0x3f: {  	_ =	shalt  }
0x40: {  	_ =	shalt  }
0x41: {  	_ =	shalt  }
0x42: {  	_ =	shalt  }
0x43: {  	_ =	shalt  }
0x44: {  	_ =	shalt  }
0x45: {  	_ =	shalt  }
0x46: {  	_ =	shalt  }
0x47: {  	_ =	shalt  }
0x48: {  	_ =	shalt  }
0x49: {  	_ =	shalt  }
0x4a: {  	_ =	shalt  }
0x4b: {  	_ =	shalt  }
0x4c: {  	_ =	shalt  }
0x4d: {  	_ =	shalt  }
0x4e: {  	_ =	shalt  }
0x4f: {  	_ =	shalt  }
0x50: {  	_ =	shalt  }
0x51: {  	_ =	shalt  }
0x52: {  	_ =	shalt  }
0x53: {  	_ =	shalt  }
0x54: {  	_ =	shalt  }
0x55: {  	_ =	shalt  }
0x56: {  	_ =	shalt  }
0x57: {  	_ =	shalt  }
0x58: {  	_ =	shalt  }
0x59: {  	_ =	shalt  }
0x5a: {  	_ =	shalt  }
0x5b: {  	_ =	shalt  }
0x5c: {  	_ =	shalt  }
0x5d: {  	_ =	shalt  }
0x5e: {  	_ =	shalt  }
0x5f: {  	_ =	shalt  }
0x60: {  	_ =	shalt  }
0x61: {  	_ =	shalt  }
0x62: {  	_ =	shalt  }
0x63: {  	_ =	shalt  }
0x64: {  	_ =	shalt  }
0x65: {  	_ =	shalt  }
0x66: {  	_ =	shalt  }
0x67: {  	_ =	shalt  }
0x68: {  	_ =	shalt  }
0x69: {  	_ =	shalt  }
0x6a: {  	_ =	shalt  }
0x6b: {  	_ =	shalt  }
0x6c: {  	_ =	shalt  }
0x6d: {  	_ =	shalt  }
0x6e: {  	_ =	shalt  }
0x6f: {  	_ =	shalt  }
0x70: {  	_ =	shalt  }
0x71: {  	_ =	shalt  }
0x72: {  	_ =	shalt  }
0x73: {  	_ =	shalt  }
0x74: {  	_ =	shalt  }
0x75: {  	_ =	shalt  }
0x76: {  	_ =	shalt  }
0x77: {  	_ =	shalt  }
0x78: {  	_ =	shalt  }
0x79: {  	_ =	shalt  }
0x7a: {  	_ =	shalt  }
0x7b: {  	_ =	shalt  }
0x7c: {  	_ =	shalt  }
0x7d: {  	_ =	shalt  }
0x7e: {  	_ =	shalt  }
0x7f: {  	_ =	shalt  }
0x80: {  	_ =	shalt  }
0x81: {  	_ =	shalt  }
0x82: {  	_ =	shalt  }
0x83: {  	_ =	shalt  }
0x84: {  	_ =	shalt  }
0x85: {  	_ =	shalt  }
0x86: {  	_ =	shalt  }
0x87: {  	_ =	shalt  }
.Lfunc_end0:
.L_simem_size_0:
called_computation_lowered:
.L_overlay_start_0:
0x88: {  	s2 =	sld [smem:$0x3FD9]  }
0x89: {  	s3 =	sld [smem:$0x3FFE];
	_ =	sdelay $0x1  }
0x8a: {  	s1 =	srdreg.scid  }
0x8b: {  	s0 =	sand.u32 $0x1, s1  }
0x8c: {  	s17 =	sshll.u32 s0, $0xA;
	s2 =	sadd.s32 s3, s2  }
0x8d: {  	s2 =	sadd.s32 s2, s17  }
0x8e: {  	[smem:$0x3FC1] =	sst s2  }
0x8f: {  	_ = 	snop  }
0x90: {  	s2 =	sld [smem:$0x3FD0];
	(tm) =	ssettm $0x1  }
0x91: {  	s18 =	sld [smem:$0x3FFB];
	_ =	sdelay $0x3  }
0x92: {  	_ =	strace s18  }
0x93: {  	s3 =	sld [smem:$0x3FFC];
	_ =	sdelay $0x3  }
0x94: {  	_ =	strace s3  }
0x95: {  	s3 =	sld [smem:$0x3FFD];
	_ =	sdelay $0x3  }
0x96: {  	_ =	strace s3  }
0x97: {  	_ =	strace $0x8FFFFFFF  }
0x98: {  	s19 =	sld [smem:$0x3FDB];
	_ =	sdelay $0x1  }
0x99: {  	s4 =	simm.s32 $_scs_section_size  }
0x9a: {  	s5 =	simm.s32 $_size__tile_overlayer_lowered;
	s6 =	simm.s32 $_tile_overlayer_lowered  }
0x9b: {  	s22 =	simm.s32 $0x1BFF;
	s21 =	sshll.u32 s6, $0x1;
	s3 =	sadd.s32 s4, s19  }
0x9c: {  	s7 =	simm.s32 $0x0;
	s20 =	sshll.u32 s5, $0x1;
	s5 =	sadd.s32 s21, s3  }
0x9d: {  	[timem:s7], [sflag:s22] =	dma.local [hbm:s5], s20  }
0x9e: {  	_ =	swait.ge [sflag:s22], s20  }
0x9f: {  	s4 =	ssub.s32 $0x0, s20;
	[sflag:s22] =	ssyncset.done $0x0  }
0xa0: {  	[sflag:s22] =	ssyncadd.s32 s4;
	_ =	sdelay $0x1  }
0xa1: {  	s23 =	simm.s32 $0x1B8B  }
0xa2: {  	_ =	swait.ge [sflag:s23], $0x1  }
0xa3: {  	[sflag:s23] =	ssyncset.done $0x0  }
0xa4: {  	s25 =	simm.s32 $0x1B8E;
	s24 =	sld [smem:$0x3FFE];
	[sflag:s23] =	ssyncadd.s32 $0xFFFFFFFF  }
0xa5: {  	s26 =	simm.s32 $execute0_lowered;
	[smem:$0x3FD2] =	sst s25  }
0xa6: {  	s5 =	sshll.u32 s26, $0x1;
	_ =	strace $0x80000046;
	[dreg:$0x1] =	wrdreg $0xFFFFFFFF  }
0xa7: {  	s28 =	simm.s32 $_size_execute0_lowered;
	s3 =	sadd.s32 s3, s5;
	[dreg:$0x0] =	wrdreg $0x0  }
0xa8: {  	s5 =	sshll.u32 s28, $0x1;
	[dreg:$0x2] =	wrdreg s3  }
0xa9: {  	[dreg:$0x3] =	wrdreg s5  }
0xaa: {  	[dreg:$0x4] =	wrdreg $0xC0  }
0xab: {  	_ =	task [dreg:s7], $0x5FFFF  }
0xac: {  	[dreg:$0x1] =	wrdreg $0xFFFFFFFF  }
0xad: {  	[dreg:$0x0] =	wrdreg $0x60  }
0xae: {  	[dreg:$0x2] =	wrdreg s2  }
0xaf: {  	[dreg:$0x3] =	wrdreg s24  }
0xb0: {  	[dreg:$0x4] =	wrdreg $0xBC000  }
0xb1: {  	[dreg:$0x5] =	wrdreg $0x9  }
0xb2: {  	_ =	task.clear_ibuf [dreg:s7], $0x6FFFF;
	_ =	strace $0x90000046  }
0xb3: {  	s29 =	simm.s32 $0x9;
	_ =	strace $0x80000048  }
0xb4: {  	_ =	swait.ge [sflag:s29], $0x1  }
0xb5: {  	[sflag:s29] =	ssyncadd.s32 $0xFFFFFFFF  }
0xb6: {  	_ =	strace $0x90000048  }
0xb7: {  	_ =	sfence  }
0xb8: {  	s30 =	sld [smem:$0x0];
	_ =	sdelay $0x2  }
0xb9: {  	s31 =	sshll.u32 s1, $0xD;
	s1 =	sshrl.u32 s1, $0x2  }
0xba: {  	s3 =	sand.u32 $0x4000, s31;
	s1 =	sadd.s32 s1, s30  }
0xbb: {  	s0 =	sor.u32 s3, s0;
	s1 =	sshll.u32 s1, $0x11  }
0xbc: {  	s0 =	sor.u32 s1, s0  }
0xbd: {  	s0 =	sadd.s32 $0x8F2B, s0  }
0xbe: {  	[sflag:s0] =	ssyncadd.remote.s32 $0x1  }
0xbf: {  	_ =	sfence.sel $0xFFFF  }
0xc0: {  	[dreg:$0x0] =	wrdreg $0xFFFFFFFF;
	(pc) =	sbr.abs _section_cstart, $3  }
0xc1: {  	[dreg:$0x1] =	wrdreg $0xFFFFFFFF  }
0xc2: {  	_ =	task.clear_ibuf [dreg:s7], $0x2FFFF;
	_ =	strace $0x9FFFFFFF  }
0xc3: {  	(tm) =	ssettm $0x7FFFFFFF  }
tec
execute0_lowered:
.L_overlay_start_1:
0x0: {  	(tag) =	ssettag $0x1  }
0x1: {  	s1 =	rddreg [dreg:$0x0]  }
0x2: {  	s0 =	rddreg [dreg:$0x1]  }
0x3: {  	s3 =	rddreg [dreg:$0x2];
	s4 =	simm.s32 $0x0;
	s12 =	stileid.u32  }
0x4: {  	s2 =	srdreg.scid;
	s28 =	simm.s32 $0xD;
	s29 =	simm.s32 $0x70  }
0x5: {  	s30 =	simm.s32 $0x380;
	s31 =	simm.s32 $0x7;
	s14 =	simm.s32 $0x100  }
0x6: {  	s15 =	simm.s32 $0x2;
	s16 =	simm.s32 $0x5;
	s5 =	smul.u32 $0x2800, s12  }
0x7: {  	s17 =	simm.s32 $0xE;
	[smem:$0x7FF] =	sst s4;
	s8 =	smul.u32 $0x50000, s12  }
0x8: {  	s2 =	sand.u32 $0x1, s2;
	s6 =	sadd.s32 $0x2A00, s0;
	s20 =	smul.u32 $0x14000, s12  }
0x9: {  	s11 =	sadd.s32 $0x3D600, s0;
	s23 =	smul.u32 $0x2710, s12;
	p0 =	seq.s32 s12, $0xF  }
0xa: {  	_ =	strace $0x80000047;
	s7 =	sshll.u32 s2, $0x4;
	s18 =	smul.u32 $0x138800, s2  }
0xb: {  	s9 =	ssub.s32 $0x2, s2;
	s2 =	smul.u32 $0x27100, s2;
	s5 =	sadd.s32 s5, s0  }
0xc: {  	s7 =	sor.u32 s12, s7;
	s10 =	sshrl.u32 s9, $0x1;
	s8 =	sshrl.u32 s8, $0x2  }
0xd: {  	s0 =	sadd.s32 $0x3BC00, s0;
	s7 =	smul.u32 $0x2710, s7;
	s9 =	ssub.s32 s9, s10  }
0xe: {  	s8 =	sadd.s32 s8, s3;
	s5 =	sadd.s32 $0x16400, s5;
	[dreg:$0x5] =	wrdreg s0  }
0xf: {  	s0 =	sshrl.u32 s18, $0x3;
	s24 =	sadd.s32 s23, s2;
	s10 =	simm.s32 $0x300  }
0x10: {  	s23 =	simm.s32 $0x1;
	[dreg:$0x4] =	wrdreg s5;
	s5 =	sadd.s32 $0x12C000, s3  }
0x11: {  	s0 =	sadd.s32 s11, s0;
	s25 =	smax.u32 s9, $0x1;
	s26 =	sadd.s32 $0xE0, s24  }
0x12: {  	s7 =	sshrl.u32 s7, $0x3;
	s0 =	sadd.s32 $0x25800, s0;
	[dreg:$0xe] =	wrdreg s25  }
0x13: {  	s2 =	sshrl.u32 s26, $0x3;
	s13 =	sadd.s32 s6, s7;
	[dreg:$0xd] =	wrdreg s0  }
0x14: {  	s9 =	simm.s32 $0xA;
	s2 =	sadd.s32 s2, s6;
	[dreg:$0x6] =	wrdreg s13  }
0x15: {  	s25 =	simm.s32 $0x80;
	s7 =	sadd.s32 $0x4DE, s13;
	[dreg:$0xf] =	wrdreg s2  }
0x16: {  	s26 =	simm.s32 $0x200;
	s19 =	sadd.s32 $0xA11E, s13;
	[dreg:$0x7] =	wrdreg s7  }
0x17: {  	s0 =	sadd.s32 $0x4E2E0, s24;
	s21 =	sadd.s32 $0x9C40, s13;
	[dreg:$0x8] =	wrdreg s19  }
0x18: {  	s24 =	simm.s32 $0x180;
	s22 =	sadd.s32 $0xE, s13;
	[dreg:$0x9] =	wrdreg s21  }
0x19: {  	s13 =	sadd.s32 $0x9C4E, s13;
	s0 =	sshrl.u32 s0, $0x3;
	[dreg:$0xa] =	wrdreg s22  }
0x1a: {  	s2 =	simm.s32 $0x6;
	s7 =	sadd.s32 s20, s18;
	[dreg:$0xb] =	wrdreg s13  }
0x1b: {  	s0 =	sadd.s32 s0, s6;
	s19 =	sshrl.u32 @p0 s5, $0x3;
	s21 =	sshrl.u32 @!p0 s8, $0x3  }
0x1c: {  	s5 =	simm.s32 $0x280;
	s6 =	simm.s32 $0x7380;
	s13 =	simm.s32 $0xF  }
.Ltmp0:
0x1d: {  	s22 =	simm.s32 $0x3B80;
	s20 =	simm.s32 $0x4;
	(pc) =	sbr.rel .LBB2_1-.Ltmp0, $4  }
0x1e: {  	s7 =	sshrl.u32 s7, $0x3;
	[dreg:$0x10] =	wrdreg s0;
	s0 =	sshll.u32 @!p0 s12, $0x6  }
0x1f: {  	s18 =	simm.s32 $0x0;
	s7 =	sadd.s32 s11, s7;
	[dreg:$0x11] =	wrdreg s0  }
0x20: {  	s12 =	simm.s32 $0xB;
	s0 =	sor.u32 @!p0 $0x1C0C, s0;
	[dreg:$0xc] =	wrdreg s7  }
0x21: {  	s11 =	simm.s32 $0xAB80;
	[dreg:$0x12] =	wrdreg s0;
	s0 =	simm.s32 $0x3  }
.LBB2_20:
0x22: {  	_ =	swait.ge [sflag:s31], $0x3800  }
0x23: {  	[sflag:s31] =	ssyncset.done $0x0  }
0x24: {  	s7 =	simm.s32 $0x8;
	[sflag:s31] =	ssyncadd.s32 $0xFFFFC800  }
0x25: {  	_ =	swait.ge [sflag:s7], $0x3800  }
0x26: {  	[sflag:s7] =	ssyncset.done $0x0  }
0x27: {  	[sflag:s7] =	ssyncadd.s32 $0xFFFFC800  }
0x28: {  	_ =	swait.ge [sflag:s9], $0x20  }
0x29: {  	s10 =	simm.s32 $0x300;
	[sflag:s9] =	ssyncset.done $0x0  }
0x2a: {  	s8 =	simm.s32 $0xAC00;
	s7 =	simm.s32 $0x20;
	[sflag:s9] =	ssyncadd.s32 $0xFFFFFFE0  }
0x2b: {  	[tilespmem:s8], [sflag:$0xA] =	stream.indirect.gather [hbm4b:s1+s7], $0x80, s10, s7, $0xb8;
	[tilespmem:$0x1F480] =	vst v63  }
0x2c: {  	_ =	swait.ge [sflag:s9], $0x1000  }
0x2d: {  	[sflag:s9] =	ssyncset.done $0x0  }
0x2e: {  	[sflag:s9] =	ssyncadd.s32 $0xFFFFF000  }
0x2f: {  	_ =	swait.ge [sflag:s12], $0x20  }
0x30: {  	[sflag:s12] =	ssyncset.done $0x0  }
0x31: {  	s11 =	simm.s32 $0xAB80;
	[sflag:s12] =	ssyncadd.s32 $0xFFFFFFE0  }
0x32: {  	[spmem:s3] =	stream.indirect.scatter.add.f32 [tilespmem:s8], [sflag:$0xA], $0x80, s11, s7, $0xb8;
	[tilespmem:$0x1F480] =	vst v63  }
0x33: {  	_ =	swait.ge [sflag:s9], $0x1000  }
0x34: {  	[sflag:s9] =	ssyncset.done $0x0  }
0x35: {  	[sflag:s9] =	ssyncadd.s32 $0xFFFFF000  }
0x36: {  	[bflag:$0x0] =	sbarrier.arrive $0xFFFF  }
0x37: {  	s7 =	simm.s32 @p0 $0x1FD0;
	s8 =	rddreg [dreg:$0xd]  }
0x38: {  	[hbm:s8], [sflag:s7] =	dma.local @p0 [spmem:s19], $0x1900  }
0x39: {  	s7 =	simm.s32 @p0 $0x10  }
0x3a: {  	_ =	swait.ge @p0 [sflag:s7], $0x1900  }
0x3b: {  	[sflag:s7] =	ssyncset.done @p0 $0x0  }
0x3c: {  	[sflag:s7] =	ssyncadd.s32 @p0 $0xFFFFE700;
	s7 =	rddreg [dreg:$0x11]  }
0x3d: {  	s8 =	rddreg [dreg:$0xc];
	s7 =	sor.u32 @!p0 $0x1C10, s7  }
0x3e: {  	[hbm:s8], [sflag:s7] =	dma.local @!p0 [spmem:s21], $0x2800  }
0x3f: {  	s7 =	simm.s32 @!p0 $0x10  }
0x40: {  	_ =	swait.ge @!p0 [sflag:s7], $0x2800  }
0x41: {  	s18 =	sadd.s32 $0x1, s18;
	s8 =	rddreg [dreg:$0xe]  }
0x42: {  	p1 =	sne.s32 s18, s8  }
.Ltmp1:
0x43: {  	_ = 	snop;
	(pc) =	sbr.rel @!p1 .LBB2_21-.Ltmp1, $3  }
0x44: {  	_ =	sdelay $0x1  }
0x45: {  	[sflag:s7] =	ssyncset.done @!p0 $0x0  }
0x46: {  	[sflag:s7] =	ssyncadd.s32 @!p0 $0xFFFFD800  }
.LBB2_1:
0x47: {  	s7 =	simm.s32 @p0 $0x1FCC;
	s8 =	rddreg [dreg:$0x5]  }
0x48: {  	[spmem:s19], [sflag:s7] =	dma.local @p0 [hbm:s8], $0x1900  }
0x49: {  	s7 =	rddreg [dreg:$0x4]  }
0x4a: {  	s8 =	rddreg [dreg:$0x12]  }
0x4b: {  	[spmem:s21], [sflag:s8] =	dma.local @!p0 [hbm:s7], $0x2800  }
0x4c: {  	s7 =	rddreg [dreg:$0x7]  }
0x4d: {  	[tilespmem:s10], [sflag:$0xA] =	stream.linear.gather [hbm4b:s7+s4], $0x20, $0x38;
	[tilespmem:$0x1F480] =	vst v63  }
0x4e: {  	s10 =	rddreg [dreg:$0x8]  }
0x4f: {  	[tilespmem:s11], [sflag:$0xB] =	stream.linear.gather [hbm4b:s10+s4], $0x20, $0x38;
	[tilespmem:$0x1F480] =	vst v63  }
0x50: {  	s11 =	rddreg [dreg:$0x6]  }
0x51: {  	[tilespmem:s4], [sflag:$0xD] =	stream.linear.gather [hbm4b:s11+s4], $0x70, $0x38;
	[tilespmem:$0x1F480] =	vst v63  }
0x52: {  	s8 =	rddreg [dreg:$0x9]  }
0x53: {  	[tilespmem:s24], [sflag:$0x4] =	stream.linear.gather [hbm4b:s8+s4], $0x70, $0x38;
	[tilespmem:$0x1F480] =	vst v63  }
0x54: {  	s10 =	rddreg [dreg:$0xa]  }
0x55: {  	[tilespmem:s25], [sflag:$0xE] =	stream.linear.gather [hbm4b:s10+s4], $0x70, $0x38;
	[tilespmem:$0x1F480] =	vst v63  }
0x56: {  	s11 =	rddreg [dreg:$0xb]  }
0x57: {  	[tilespmem:s26], [sflag:$0x5] =	stream.linear.gather [hbm4b:s11+s4], $0x70, $0x38;
	[tilespmem:$0x1F480] =	vst v63  }
0x58: {  	_ =	swait.ge [sflag:s28], $0x70  }
0x59: {  	[sflag:s28] =	ssyncset.done $0x0  }
0x5a: {  	s7 =	simm.s32 @p0 $0xC;
	[sflag:s28] =	ssyncadd.s32 $0xFFFFFF90  }
0x5b: {  	[tilespmem:s30], [sflag:$0x1] =	stream.indirect.gather [hbm4b:s1+s29], $0x80, s4, s29, $0xb8;
	[tilespmem:$0x1F480] =	vst v63  }
0x5c: {  	_ =	swait.ge @p0 [sflag:s7], $0x1900  }
0x5d: {  	[sflag:s7] =	ssyncset.done @p0 $0x0  }
0x5e: {  	[sflag:s7] =	ssyncadd.s32 @p0 $0xFFFFE700;
	s7 =	simm.s32 @!p0 $0xC  }
0x5f: {  	_ =	swait.ge @!p0 [sflag:s7], $0x2800  }
.Ltmp2:
0x60: {  	[sflag:s7] =	ssyncset.done @!p0 $0x0;
	(pc) =	sbr.rel .LBB2_2-.Ltmp2, $4  }
0x61: {  	[sflag:s7] =	ssyncadd.s32 @!p0 $0xFFFFD800  }
0x62: {  	[bflag:$0x0] =	sbarrier.arrive $0xFFFF  }
0x63: {  	s7 =	rddreg [dreg:$0x10]  }
0x64: {  	s11 =	simm.s32 $0x0;
	s10 =	rddreg [dreg:$0xf]  }
.LBB2_10:
0x65: {  	[tilespmem:s4], [sflag:$0xD] =	stream.linear.gather [hbm4b:s10+s4], $0x70, $0x38;
	[tilespmem:$0x1F480] =	vst v63  }
0x66: {  	_ = 	snop  }
0x67: {  	[tilespmem:s24], [sflag:$0x4] =	stream.linear.gather [hbm4b:s7+s4], $0x70, $0x38;
	[tilespmem:$0x1F480] =	vst v63  }
.LBB2_12:
0x68: {  	_ =	swait.ge [sflag:s13], $0x70  }
0x69: {  	[sflag:s13] =	ssyncset.done $0x0  }
0x6a: {  	[sflag:s13] =	ssyncadd.s32 $0xFFFFFF90  }
0x6b: {  	[tilespmem:s6], [sflag:$0x3] =	stream.indirect.gather [hbm4b:s1+s29], $0x80, s14, s29, $0xb8;
	[tilespmem:$0x1F480] =	vst v63  }
.LBB2_13:
0x6c: {  	_ =	swait.ge [sflag:s15], $0x3800  }
0x6d: {  	[sflag:s15] =	ssyncset.done $0x0  }
0x6e: {  	[sflag:s15] =	ssyncadd.s32 $0xFFFFC800  }
0x6f: {  	_ =	swait.ge [sflag:s16], $0x70  }
0x70: {  	[sflag:s16] =	ssyncset.done $0x0  }
0x71: {  	[sflag:s16] =	ssyncadd.s32 $0xFFFFFF90  }
0x72: {  	[spmem:s3] =	stream.indirect.scatter.add.f32 [tilespmem:s22], [sflag:$0x8], $0x80, s26, s29, $0xb8;
	[tilespmem:$0x1F480] =	vst v63  }
.LBB2_19:
0x73: {  	s11 =	sadd.s32 $0x1, s11  }
0x74: {  	p1 =	sne.s32 s11, $0x59  }
.Ltmp3:
0x75: {  	_ = 	snop;
	(pc) =	sbr.rel @!p1 .LBB2_20-.Ltmp3, $2  }
0x76: {  	_ =	sdelay $0x2  }
0x77: {  	s10 =	sadd.s32 $0xE, s10;
	s7 =	sadd.s32 $0xE, s7  }
.LBB2_2:
0x78: {  	s8 =	smul.u32 $0xAB, s11;
	_ =	sdelay $0x1  }
0x79: {  	s8 =	sshrl.u32 s8, $0x9  }
0x7a: {  	s8 =	sand.u32 $0x7F, s8  }
0x7b: {  	s8 =	smul.u32 $0x3, s8;
	_ =	sdelay $0x1  }
0x7c: {  	s8 =	ssub.s32 s11, s8  }
0x7d: {  	s8 =	sand.u32 $0xFF, s8  }
0x7e: {  	p1 =	seq.s32 s8, $0x2  }
.Ltmp4:
0x7f: {  	_ = 	snop;
	(pc) =	sbr.rel @p1 .LBB2_14-.Ltmp4, $1  }
0x80: {  	_ =	sdelay $0x3  }
0x81: {  	p1 =	seq.s32 s8, $0x1  }
.Ltmp5:
0x82: {  	_ = 	snop;
	(pc) =	sbr.rel @!p1 .LBB2_4-.Ltmp5, $1  }
0x83: {  	_ =	sdelay $0x3  }
0x84: {  	p1 =	slt.u32 s11, $0x2  }
0x85: {  	p2 =	sgt.u32 @!p1 s11, $0x56  }
0x86: {  	p2 =	por p1, !p2  }
.Ltmp6:
0x87: {  	_ = 	snop;
	(pc) =	sbr.rel @p2 .LBB2_10-.Ltmp6, $4  }
0x88: {  	s8 =	simm.s32 @!p1 $0x9  }
0x89: {  	_ =	swait.ge @!p1 [sflag:s8], $0x3800  }
0x8a: {  	[sflag:s8] =	ssyncset.done @!p1 $0x0  }
0x8b: {  	[sflag:s8] =	ssyncadd.s32 @!p1 $0xFFFFC800  }
0x8c: {  	p1 =	seq.s32 s11, $0x58  }
.Ltmp7:
0x8d: {  	_ = 	snop;
	(pc) =	sbr.rel @p1 .LBB2_13-.Ltmp7, $4  }
.Ltmp8:
0x8e: {  	_ = 	snop;
	(pc) =	sbr.rel @!p1 .LBB2_12-.Ltmp8, $4  }
0x8f: {  	_ = 	snop  }
0x90: {  	_ = 	snop  }
0x91: {  	_ = 	snop  }
0x92: {  	_ = 	snop  }
.LBB2_14:
0x93: {  	p1 =	sgt.u32 s11, $0x56  }
.Ltmp9:
0x94: {  	_ = 	snop;
	(pc) =	sbr.rel @p1 .LBB2_16-.Ltmp9, $4  }
0x95: {  	_ = 	snop  }
0x96: {  	_ =	swait.ge [sflag:s31], $0x3800  }
0x97: {  	[sflag:s31] =	ssyncset.done $0x0  }
0x98: {  	[sflag:s31] =	ssyncadd.s32 $0xFFFFC800  }
.Ltmp10:
0x99: {  	(pc) =	sbr.rel .LBB2_17-.Ltmp10, $4  }
0x9a: {  	_ = 	snop  }
0x9b: {  	[tilespmem:s25], [sflag:$0xE] =	stream.linear.gather [hbm4b:s10+s4], $0x70, $0x38;
	[tilespmem:$0x1F480] =	vst v63  }
0x9c: {  	_ = 	snop  }
0x9d: {  	[tilespmem:s26], [sflag:$0x5] =	stream.linear.gather [hbm4b:s7+s4], $0x70, $0x38;
	[tilespmem:$0x1F480] =	vst v63  }
.LBB2_4:
0x9e: {  	p1 =	slt.u32 s11, $0x2  }
0x9f: {  	p2 =	sgt.u32 @!p1 s11, $0x56  }
0xa0: {  	p2 =	por p1, !p2  }
.Ltmp11:
0xa1: {  	_ = 	snop;
	(pc) =	sbr.rel @!p2 .LBB2_6-.Ltmp11, $4  }
0xa2: {  	s8 =	simm.s32 @!p1 $0x8  }
0xa3: {  	_ =	swait.ge @!p1 [sflag:s8], $0x3800  }
0xa4: {  	[sflag:s8] =	ssyncset.done @!p1 $0x0  }
0xa5: {  	[sflag:s8] =	ssyncadd.s32 @!p1 $0xFFFFC800  }
.Ltmp12:
0xa6: {  	(pc) =	sbr.rel .LBB2_7-.Ltmp12, $4  }
0xa7: {  	_ = 	snop  }
0xa8: {  	[tilespmem:s14], [sflag:$0xF] =	stream.linear.gather [hbm4b:s10+s4], $0x70, $0x38;
	[tilespmem:$0x1F480] =	vst v63  }
0xa9: {  	_ = 	snop  }
0xaa: {  	[tilespmem:s5], [sflag:$0x6] =	stream.linear.gather [hbm4b:s7+s4], $0x70, $0x38;
	[tilespmem:$0x1F480] =	vst v63  }
.LBB2_16:
0xab: {  	p1 =	seq.s32 s11, $0x58  }
.Ltmp13:
0xac: {  	_ = 	snop;
	(pc) =	sbr.rel @p1 .LBB2_18-.Ltmp13, $1  }
0xad: {  	_ =	sdelay $0x3  }
.LBB2_17:
0xae: {  	_ =	swait.ge [sflag:s28], $0x70  }
0xaf: {  	[sflag:s28] =	ssyncset.done $0x0  }
0xb0: {  	[sflag:s28] =	ssyncadd.s32 $0xFFFFFF90  }
0xb1: {  	[tilespmem:s30], [sflag:$0x1] =	stream.indirect.gather [hbm4b:s1+s29], $0x80, s4, s29, $0xb8;
	[tilespmem:$0x1F480] =	vst v63  }
.LBB2_18:
0xb2: {  	_ =	swait.ge [sflag:s0], $0x3800  }
0xb3: {  	[sflag:s0] =	ssyncset.done $0x0  }
.Ltmp14:
0xb4: {  	[sflag:s0] =	ssyncadd.s32 $0xFFFFC800;
	(pc) =	sbr.rel .LBB2_19-.Ltmp14, $4  }
0xb5: {  	_ =	swait.ge [sflag:s2], $0x70  }
0xb6: {  	[sflag:s2] =	ssyncset.done $0x0  }
0xb7: {  	[sflag:s2] =	ssyncadd.s32 $0xFFFFFF90  }
0xb8: {  	[spmem:s3] =	stream.indirect.scatter.add.f32 [tilespmem:s6], [sflag:$0x9], $0x80, s5, s29, $0xb8;
	[tilespmem:$0x1F480] =	vst v63  }
.LBB2_6:
0xb9: {  	p1 =	seq.s32 s11, $0x58  }
.Ltmp15:
0xba: {  	_ = 	snop;
	(pc) =	sbr.rel @p1 .LBB2_8-.Ltmp15, $1  }
0xbb: {  	_ =	sdelay $0x3  }
.LBB2_7:
0xbc: {  	_ =	swait.ge [sflag:s17], $0x70  }
0xbd: {  	[sflag:s17] =	ssyncset.done $0x0  }
0xbe: {  	[sflag:s17] =	ssyncadd.s32 $0xFFFFFF90  }
0xbf: {  	[tilespmem:s22], [sflag:$0x2] =	stream.indirect.gather [hbm4b:s1+s29], $0x80, s25, s29, $0xb8;
	[tilespmem:$0x1F480] =	vst v63  }
.LBB2_8:
0xc0: {  	_ =	swait.ge [sflag:s23], $0x3800  }
0xc1: {  	[sflag:s23] =	ssyncset.done $0x0  }
.Ltmp16:
0xc2: {  	[sflag:s23] =	ssyncadd.s32 $0xFFFFC800;
	(pc) =	sbr.rel .LBB2_19-.Ltmp16, $4  }
0xc3: {  	_ =	swait.ge [sflag:s20], $0x70  }
0xc4: {  	[sflag:s20] =	ssyncset.done $0x0  }
0xc5: {  	[sflag:s20] =	ssyncadd.s32 $0xFFFFFF90  }
0xc6: {  	[spmem:s3] =	stream.indirect.scatter.add.f32 [tilespmem:s30], [sflag:$0x7], $0x80, s24, s29, $0xb8;
	[tilespmem:$0x1F480] =	vst v63  }
.LBB2_21:
0xc7: {  	_ =	sfence.sel $0x180000  }
0xc8: {  	[bflag:$0x0] =	sbarrier.arrive $0xFFFF  }
0xc9: {  	_ =	strace $0x90000047  }
0xca: {  	s0 =	stileid.u32;
	[bflag:$0x2] =	sbarrier.arrive $0xFFFF  }
0xcb: {  	p0 =	sne.s32 s0, $0x0;
	s0 =	rddreg [dreg:$0x3]  }
0xcc: {  	s0 =	sadd.s32 @!p0 $0x100000, s0  }
0xcd: {  	[sflag:s0] =	ssyncadd.tile.s32 @!p0 $0x1;
	_ =	shalt  }
.Lfunc_end2:
_tile_overlayer_lowered:
.L_overlay_start_2:
0xce: {  	(tag) =	ssettag $0x2  }
0xcf: {  	s0 =	rddreg [dreg:$0x0];
	s2 =	stileid.u32  }
0xd0: {  	s1 =	rddreg [dreg:$0x1];
	p0 =	sne.s32 s2, $0x0  }
0xd1: {  	s3 =	rddreg [dreg:$0x2];
	[bflag:$0x3] =	sbarrier.arrive $0xFFFF;
	s2 =	simm.s32 @!p0 $0x1C10  }
0xd2: {  	[timem:s3], [sflag:s2] =	dma.local @!p0 [hbm:s0], s1  }
0xd3: {  	s0 =	simm.s32 @!p0 $0x10  }
0xd4: {  	_ =	swait.ge @!p0 [sflag:s0], s1  }
0xd5: {  	s1 =	ssub.s32 @!p0 $0x0, s1;
	[sflag:s0] =	ssyncset.done @!p0 $0x0  }
0xd6: {  	[sflag:s0] =	ssyncadd.s32 @!p0 s1  }
0xd7: {  	[bflag:$0x3] =	sbarrier.arrive $0xFFFF  }
0xd8: {  	_ =	shalt  }

// kernel: kernel.15.cloned.1.call-start
scs
__scs_entry_jumppad:
0x0: {  	(pc) =	sbr.rel $0x88, $3  }
0x1: {  	(tag) =	ssettag $0x0;
	lr =	simm.s32 $0x1  }
0x2: {  	[smem:$0x3F9A] =	sst lr;
	_ =	strace $0xD0000000  }
0x3: {  	_ = 	snop  }
0x4: {  	_ = 	snop  }
0x5: {  	_ = 	snop  }
0x6: {  	_ = 	snop  }
0x7: {  	_ = 	snop  }
__scs_overlays_trampoline_lowered:
0x8: {  	[smem:$0x3FA9] =	sst s0  }
0x9: {  	[smem:$0x3FAA] =	sst s1  }
0xa: {  	[smem:$0x3FAB] =	sst s2  }
0xb: {  	[smem:$0x3FAC] =	sst s3  }
0xc: {  	[smem:$0x3FAD] =	sst s4  }
0xd: {  	[smem:$0x3FAE] =	sst s5  }
0xe: {  	[smem:$0x3FAF] =	sst s6  }
0xf: {  	[smem:$0x3FB0] =	sst s7  }
0x10: {  	[smem:$0x3FB1] =	sst s8  }
0x11: {  	[smem:$0x3FB2] =	sst s9;
	s0 =	simm.s32 @!p0 $0x0  }
0x12: {  	s1 =	sld [smem:$0x3F98];
	s0 =	simm.s32 @p0 $0x1  }
0x13: {  	[smem:$0x3FB3] =	sst s0;
	s0 =	simm.s32 @!p1 $0x0  }
0x14: {  	s2 =	sld [smem:$0x3F97];
	s0 =	simm.s32 @p1 $0x1  }
0x15: {  	[smem:$0x3FB4] =	sst s0;
	s0 =	simm.s32 @!p2 $0x0  }
0x16: {  	s3 =	sld [smem:$0x3FDB];
	s0 =	simm.s32 @p2 $0x1  }
0x17: {  	s4 =	simm.s32 $0x1BF5;
	[smem:$0x3FB6] =	sst s0  }
0x18: {  	s0 =	sld [smem:$0x3F99];
	_ =	swait.ge [sflag:s4], $0x0  }
0x19: {  	s7 =	sld [smem:$0x3F9A]  }
0x1a: {  	s8 =	sadd.s32 $0xFFFFE003, lr  }
0x1b: {  	s9 =	sadd.s32 $0xFFFFFEF7, lr;
	s5 =	simm.s32 $0xFFFFFFFF;
	p2 =	slt.u32 s8, $0xFFFFF086  }
0x1c: {  	p1 =	slt.u32 s9, $0xF7A;
	s5 =	simm.s32 @!p2 $0x0  }
0x1d: {  	s5 =	simm.s32 @p1 $0x1;
	p0 =	seq.s32 s7, s2  }
0x1e: {  	s7 =	smul.u32 @!p0 $0xF7A, s2;
	p2 =	seq.s32 @!p0 s5, $0x0  }
0x1f: {  	s9 =	smul.u32 $0xF7A, s1;
	s8 =	simm.s32 @!p0 $0x1BF5;
	p2 =	por !p2, p0  }
0x20: {  	[sflag:s8] =	ssyncset.s32 @!p0 $0xFFFFF086;
	s6 =	sadd.s32 @!p0 s3, s7;
	s7 =	simm.s32 @!p0 $0x108  }
0x21: {  	s3 =	sadd.s32 s3, s9;
	s6 =	sadd.s32 @!p0 $0x88, s6;
	s7 =	simm.s32 @p2 $0x1082  }
0x22: {  	[simem:s7], [sflag:s8] =	dma.local @!p0 [hbm:s6], $0xF7A  }
0x23: {  	s9 =	sor.u32 $0xD0000000, s2;
	s6 =	simm.s32 $0x108;
	_ =	swait.ge @!p0 [sflag:s8], $0x0  }
0x24: {  	s3 =	sadd.s32 $0x88, s3;
	s6 =	simm.s32 @!p1 $0x1082;
	[sflag:s4] =	ssyncset.s32 $0xFFFFF086  }
0x25: {  	[simem:s6], [sflag:s4] =	dma.local [hbm:s3], $0xF7A  }
0x26: {  	[smem:$0x3F9A] =	sst s1;
	(tag) =	ssettag s2;
	_ =	strace s9  }
0x27: {  	s1 =	sld [smem:$0x3FAA]  }
0x28: {  	s2 =	sld [smem:$0x3FAB]  }
0x29: {  	s4 =	sld [smem:$0x3FAD]  }
0x2a: {  	p0 =	seq.s32 s5, $0x0;
	s5 =	sld [smem:$0x3FAE]  }
0x2b: {  	s6 =	sld [smem:$0x3FAF]  }
0x2c: {  	s7 =	sld [smem:$0x3FB0]  }
0x2d: {  	s3 =	simm.s32 $0x108;
	s8 =	sld [smem:$0x3FB1]  }
0x2e: {  	s3 =	simm.s32 @!p0 $0x1082;
	s9 =	sld [smem:$0x3FB2]  }
0x2f: {  	lr =	sadd.s32 s0, s3;
	s0 =	sld [smem:$0x3FA9]  }
0x30: {  	s3 =	sld [smem:$0x3FAC]  }
0x31: {  	[smem:$0x3FB5] =	sst s10  }
0x32: {  	s10 =	sld [smem:$0x3FB3];
	_ =	sdelay $0x3  }
0x33: {  	p0 =	seq.s32 s10, $0x1;
	s10 =	sld [smem:$0x3FB5];
	_ =	sdelay $0x3  }
0x34: {  	[smem:$0x3FB5] =	sst s10  }
0x35: {  	s10 =	sld [smem:$0x3FB4];
	_ =	sdelay $0x3  }
0x36: {  	p1 =	seq.s32 s10, $0x1;
	s10 =	sld [smem:$0x3FB5];
	_ =	sdelay $0x3  }
0x37: {  	[smem:$0x3FB5] =	sst s10  }
0x38: {  	s10 =	sld [smem:$0x3FB6]  }
0x39: {  	_ = 	snop;
	(pc) =	sbr.ind lr, $3  }
0x3a: {  	_ = 	snop  }
0x3b: {  	_ = 	snop  }
0x3c: {  	p2 =	seq.s32 s10, $0x1;
	s10 =	sld [smem:$0x3FB5]  }
0x3d: {  	_ =	shalt  }
0x3e: {  	_ =	shalt  }
0x3f: {  	_ =	shalt  }
0x40: {  	_ =	shalt  }
0x41: {  	_ =	shalt  }
0x42: {  	_ =	shalt  }
0x43: {  	_ =	shalt  }
0x44: {  	_ =	shalt  }
0x45: {  	_ =	shalt  }
0x46: {  	_ =	shalt  }
0x47: {  	_ =	shalt  }
0x48: {  	_ =	shalt  }
0x49: {  	_ =	shalt  }
0x4a: {  	_ =	shalt  }
0x4b: {  	_ =	shalt  }
0x4c: {  	_ =	shalt  }
0x4d: {  	_ =	shalt  }
0x4e: {  	_ =	shalt  }
0x4f: {  	_ =	shalt  }
0x50: {  	_ =	shalt  }
0x51: {  	_ =	shalt  }
0x52: {  	_ =	shalt  }
0x53: {  	_ =	shalt  }
0x54: {  	_ =	shalt  }
0x55: {  	_ =	shalt  }
0x56: {  	_ =	shalt  }
0x57: {  	_ =	shalt  }
0x58: {  	_ =	shalt  }
0x59: {  	_ =	shalt  }
0x5a: {  	_ =	shalt  }
0x5b: {  	_ =	shalt  }
0x5c: {  	_ =	shalt  }
0x5d: {  	_ =	shalt  }
0x5e: {  	_ =	shalt  }
0x5f: {  	_ =	shalt  }
0x60: {  	_ =	shalt  }
0x61: {  	_ =	shalt  }
0x62: {  	_ =	shalt  }
0x63: {  	_ =	shalt  }
0x64: {  	_ =	shalt  }
0x65: {  	_ =	shalt  }
0x66: {  	_ =	shalt  }
0x67: {  	_ =	shalt  }
0x68: {  	_ =	shalt  }
0x69: {  	_ =	shalt  }
0x6a: {  	_ =	shalt  }
0x6b: {  	_ =	shalt  }
0x6c: {  	_ =	shalt  }
0x6d: {  	_ =	shalt  }
0x6e: {  	_ =	shalt  }
0x6f: {  	_ =	shalt  }
0x70: {  	_ =	shalt  }
0x71: {  	_ =	shalt  }
0x72: {  	_ =	shalt  }
0x73: {  	_ =	shalt  }
0x74: {  	_ =	shalt  }
0x75: {  	_ =	shalt  }
0x76: {  	_ =	shalt  }
0x77: {  	_ =	shalt  }
0x78: {  	_ =	shalt  }
0x79: {  	_ =	shalt  }
0x7a: {  	_ =	shalt  }
0x7b: {  	_ =	shalt  }
0x7c: {  	_ =	shalt  }
0x7d: {  	_ =	shalt  }
0x7e: {  	_ =	shalt  }
0x7f: {  	_ =	shalt  }
0x80: {  	_ =	shalt  }
0x81: {  	_ =	shalt  }
0x82: {  	_ =	shalt  }
0x83: {  	_ =	shalt  }
0x84: {  	_ =	shalt  }
0x85: {  	_ =	shalt  }
0x86: {  	_ =	shalt  }
0x87: {  	_ =	shalt  }
.Lfunc_end0:
.L_simem_size_0:
called_computation.1_lowered:
.L_overlay_start_0:
0x88: {  	s2 =	sld [smem:$0x3FD9]  }
0x89: {  	s3 =	sld [smem:$0x3FFE];
	_ =	sdelay $0x1  }
0x8a: {  	s1 =	srdreg.scid  }
0x8b: {  	s0 =	sand.u32 $0x1, s1  }
0x8c: {  	s17 =	sshll.u32 s0, $0xA;
	s2 =	sadd.s32 s3, s2  }
0x8d: {  	s2 =	sadd.s32 s2, s17  }
0x8e: {  	[smem:$0x3FC1] =	sst s2  }
0x8f: {  	_ = 	snop  }
0x90: {  	s2 =	sld [smem:$0x3FD0];
	(tm) =	ssettm $0x1  }
0x91: {  	s18 =	sld [smem:$0x3FFB];
	_ =	sdelay $0x3  }
0x92: {  	_ =	strace s18  }
0x93: {  	s3 =	sld [smem:$0x3FFC];
	_ =	sdelay $0x3  }
0x94: {  	_ =	strace s3  }
0x95: {  	s3 =	sld [smem:$0x3FFD];
	_ =	sdelay $0x3  }
0x96: {  	_ =	strace s3  }
0x97: {  	_ =	strace $0x8FFFFFFF  }
0x98: {  	s19 =	sld [smem:$0x3FDB];
	_ =	sdelay $0x1  }
0x99: {  	s4 =	simm.s32 $_scs_section_size  }
0x9a: {  	s5 =	simm.s32 $_size__tile_overlayer_lowered;
	s6 =	simm.s32 $_tile_overlayer_lowered  }
0x9b: {  	s22 =	simm.s32 $0x1BFF;
	s21 =	sshll.u32 s6, $0x1;
	s3 =	sadd.s32 s4, s19  }
0x9c: {  	s7 =	simm.s32 $0x0;
	s20 =	sshll.u32 s5, $0x1;
	s5 =	sadd.s32 s21, s3  }
0x9d: {  	[timem:s7], [sflag:s22] =	dma.local [hbm:s5], s20  }
0x9e: {  	_ =	swait.ge [sflag:s22], s20  }
0x9f: {  	s4 =	ssub.s32 $0x0, s20;
	[sflag:s22] =	ssyncset.done $0x0  }
0xa0: {  	[sflag:s22] =	ssyncadd.s32 s4;
	_ =	sdelay $0x1  }
0xa1: {  	s23 =	simm.s32 $0x1B8B  }
0xa2: {  	_ =	swait.ge [sflag:s23], $0x1  }
0xa3: {  	[sflag:s23] =	ssyncset.done $0x0  }
0xa4: {  	s25 =	simm.s32 $0x1B8E;
	s24 =	sld [smem:$0x3FFE];
	[sflag:s23] =	ssyncadd.s32 $0xFFFFFFFF  }
0xa5: {  	s26 =	simm.s32 $execute0_lowered;
	[smem:$0x3FD2] =	sst s25  }
0xa6: {  	s5 =	sshll.u32 s26, $0x1;
	_ =	strace $0x80000049;
	[dreg:$0x1] =	wrdreg $0xFFFFFFFF  }
0xa7: {  	s28 =	simm.s32 $_size_execute0_lowered;
	s3 =	sadd.s32 s3, s5;
	[dreg:$0x0] =	wrdreg $0x0  }
0xa8: {  	s5 =	sshll.u32 s28, $0x1;
	[dreg:$0x2] =	wrdreg s3  }
0xa9: {  	[dreg:$0x3] =	wrdreg s5  }
0xaa: {  	[dreg:$0x4] =	wrdreg $0xC0  }
0xab: {  	_ =	task [dreg:s7], $0x5FFFF  }
0xac: {  	[dreg:$0x1] =	wrdreg $0xFFFFFFFF  }
0xad: {  	[dreg:$0x0] =	wrdreg $0x60  }
0xae: {  	[dreg:$0x2] =	wrdreg s2  }
0xaf: {  	[dreg:$0x3] =	wrdreg s24  }
0xb0: {  	[dreg:$0x4] =	wrdreg $0xBC000  }
0xb1: {  	[dreg:$0x5] =	wrdreg $0x9  }
0xb2: {  	_ =	task.clear_ibuf [dreg:s7], $0x6FFFF;
	_ =	strace $0x90000049  }
0xb3: {  	s29 =	simm.s32 $0x9;
	_ =	strace $0x8000004B  }
0xb4: {  	_ =	swait.ge [sflag:s29], $0x1  }
0xb5: {  	[sflag:s29] =	ssyncadd.s32 $0xFFFFFFFF  }
0xb6: {  	_ =	strace $0x9000004B  }
0xb7: {  	_ =	sfence  }
0xb8: {  	s30 =	sld [smem:$0x0];
	_ =	sdelay $0x2  }
0xb9: {  	s31 =	sshll.u32 s1, $0xD;
	s1 =	sshrl.u32 s1, $0x2  }
0xba: {  	s3 =	sand.u32 $0x4000, s31;
	s1 =	sadd.s32 s1, s30  }
0xbb: {  	s0 =	sor.u32 s3, s0;
	s1 =	sshll.u32 s1, $0x11  }
0xbc: {  	s0 =	sor.u32 s1, s0  }
0xbd: {  	s0 =	sadd.s32 $0x8F2B, s0  }
0xbe: {  	[sflag:s0] =	ssyncadd.remote.s32 $0x1  }
0xbf: {  	_ =	sfence.sel $0xFFFF  }
0xc0: {  	[dreg:$0x0] =	wrdreg $0xFFFFFFFF;
	(pc) =	sbr.abs _section_cstart, $3  }
0xc1: {  	[dreg:$0x1] =	wrdreg $0xFFFFFFFF  }
0xc2: {  	_ =	task.clear_ibuf [dreg:s7], $0x2FFFF;
	_ =	strace $0x9FFFFFFF  }
0xc3: {  	(tm) =	ssettm $0x7FFFFFFF  }
tec
execute0_lowered:
.L_overlay_start_1:
0x0: {  	(tag) =	ssettag $0x1  }
0x1: {  	s1 =	rddreg [dreg:$0x0]  }
0x2: {  	s0 =	rddreg [dreg:$0x1]  }
0x3: {  	s3 =	rddreg [dreg:$0x2];
	s4 =	simm.s32 $0x0;
	s12 =	stileid.u32  }
0x4: {  	s2 =	srdreg.scid;
	s28 =	simm.s32 $0xD;
	s29 =	simm.s32 $0x70  }
0x5: {  	s30 =	simm.s32 $0x380;
	s31 =	simm.s32 $0x7;
	s14 =	simm.s32 $0x100  }
0x6: {  	s15 =	simm.s32 $0x2;
	s16 =	simm.s32 $0x5;
	s5 =	smul.u32 $0x2800, s12  }
0x7: {  	s17 =	simm.s32 $0xE;
	[smem:$0x7FF] =	sst s4;
	s8 =	smul.u32 $0x50000, s12  }
0x8: {  	s2 =	sand.u32 $0x1, s2;
	s6 =	sadd.s32 $0x2A00, s0;
	s20 =	smul.u32 $0x14000, s12  }
0x9: {  	s11 =	sadd.s32 $0x3D600, s0;
	s23 =	smul.u32 $0x2710, s12;
	p0 =	seq.s32 s12, $0xF  }
0xa: {  	_ =	strace $0x8000004A;
	s7 =	sshll.u32 s2, $0x4;
	s18 =	smul.u32 $0x138800, s2  }
0xb: {  	s9 =	ssub.s32 $0x2, s2;
	s2 =	smul.u32 $0x27100, s2;
	s5 =	sadd.s32 s5, s0  }
0xc: {  	s7 =	sor.u32 s12, s7;
	s10 =	sshrl.u32 s9, $0x1;
	s8 =	sshrl.u32 s8, $0x2  }
0xd: {  	s0 =	sadd.s32 $0x3BC00, s0;
	s7 =	smul.u32 $0x2710, s7;
	s9 =	ssub.s32 s9, s10  }
0xe: {  	s8 =	sadd.s32 s8, s3;
	s5 =	sadd.s32 $0x16400, s5;
	[dreg:$0x5] =	wrdreg s0  }
0xf: {  	s0 =	sshrl.u32 s18, $0x3;
	s24 =	sadd.s32 s23, s2;
	s10 =	simm.s32 $0x300  }
0x10: {  	s23 =	simm.s32 $0x1;
	[dreg:$0x4] =	wrdreg s5;
	s5 =	sadd.s32 $0x12C000, s3  }
0x11: {  	s0 =	sadd.s32 s11, s0;
	s25 =	smax.u32 s9, $0x1;
	s26 =	sadd.s32 $0xE0, s24  }
0x12: {  	s7 =	sshrl.u32 s7, $0x3;
	s0 =	sadd.s32 $0x25800, s0;
	[dreg:$0xe] =	wrdreg s25  }
0x13: {  	s2 =	sshrl.u32 s26, $0x3;
	s13 =	sadd.s32 s6, s7;
	[dreg:$0xd] =	wrdreg s0  }
0x14: {  	s9 =	simm.s32 $0xA;
	s2 =	sadd.s32 s2, s6;
	[dreg:$0x6] =	wrdreg s13  }
0x15: {  	s25 =	simm.s32 $0x80;
	s7 =	sadd.s32 $0x4DE, s13;
	[dreg:$0xf] =	wrdreg s2  }
0x16: {  	s26 =	simm.s32 $0x200;
	s19 =	sadd.s32 $0xA11E, s13;
	[dreg:$0x7] =	wrdreg s7  }
0x17: {  	s0 =	sadd.s32 $0x4E2E0, s24;
	s21 =	sadd.s32 $0x9C40, s13;
	[dreg:$0x8] =	wrdreg s19  }
0x18: {  	s24 =	simm.s32 $0x180;
	s22 =	sadd.s32 $0xE, s13;
	[dreg:$0x9] =	wrdreg s21  }
0x19: {  	s13 =	sadd.s32 $0x9C4E, s13;
	s0 =	sshrl.u32 s0, $0x3;
	[dreg:$0xa] =	wrdreg s22  }
0x1a: {  	s2 =	simm.s32 $0x6;
	s7 =	sadd.s32 s20, s18;
	[dreg:$0xb] =	wrdreg s13  }
0x1b: {  	s0 =	sadd.s32 s0, s6;
	s19 =	sshrl.u32 @p0 s5, $0x3;
	s21 =	sshrl.u32 @!p0 s8, $0x3  }
0x1c: {  	s5 =	simm.s32 $0x280;
	s6 =	simm.s32 $0x7380;
	s13 =	simm.s32 $0xF  }
.Ltmp0:
0x1d: {  	s22 =	simm.s32 $0x3B80;
	s20 =	simm.s32 $0x4;
	(pc) =	sbr.rel .LBB2_1-.Ltmp0, $4  }
0x1e: {  	s7 =	sshrl.u32 s7, $0x3;
	[dreg:$0x10] =	wrdreg s0;
	s0 =	sshll.u32 @!p0 s12, $0x6  }
0x1f: {  	s18 =	simm.s32 $0x0;
	s7 =	sadd.s32 s11, s7;
	[dreg:$0x11] =	wrdreg s0  }
0x20: {  	s12 =	simm.s32 $0xB;
	s0 =	sor.u32 @!p0 $0x1C0C, s0;
	[dreg:$0xc] =	wrdreg s7  }
0x21: {  	s11 =	simm.s32 $0xAB80;
	[dreg:$0x12] =	wrdreg s0;
	s0 =	simm.s32 $0x3  }
.LBB2_20:
0x22: {  	_ =	swait.ge [sflag:s31], $0x3800  }
0x23: {  	[sflag:s31] =	ssyncset.done $0x0  }
0x24: {  	s7 =	simm.s32 $0x8;
	[sflag:s31] =	ssyncadd.s32 $0xFFFFC800  }
0x25: {  	_ =	swait.ge [sflag:s7], $0x3800  }
0x26: {  	[sflag:s7] =	ssyncset.done $0x0  }
0x27: {  	[sflag:s7] =	ssyncadd.s32 $0xFFFFC800  }
0x28: {  	_ =	swait.ge [sflag:s9], $0x20  }
0x29: {  	s10 =	simm.s32 $0x300;
	[sflag:s9] =	ssyncset.done $0x0  }
0x2a: {  	s8 =	simm.s32 $0xAC00;
	s7 =	simm.s32 $0x20;
	[sflag:s9] =	ssyncadd.s32 $0xFFFFFFE0  }
0x2b: {  	[tilespmem:s8], [sflag:$0xA] =	stream.indirect.gather [hbm4b:s1+s7], $0x80, s10, s7, $0xb8;
	[tilespmem:$0x1F480] =	vst v63  }
0x2c: {  	_ =	swait.ge [sflag:s9], $0x1000  }
0x2d: {  	[sflag:s9] =	ssyncset.done $0x0  }
0x2e: {  	[sflag:s9] =	ssyncadd.s32 $0xFFFFF000  }
0x2f: {  	_ =	swait.ge [sflag:s12], $0x20  }
0x30: {  	[sflag:s12] =	ssyncset.done $0x0  }
0x31: {  	s11 =	simm.s32 $0xAB80;
	[sflag:s12] =	ssyncadd.s32 $0xFFFFFFE0  }
0x32: {  	[spmem:s3] =	stream.indirect.scatter.add.f32 [tilespmem:s8], [sflag:$0xA], $0x80, s11, s7, $0xb8;
	[tilespmem:$0x1F480] =	vst v63  }
0x33: {  	_ =	swait.ge [sflag:s9], $0x1000  }
0x34: {  	[sflag:s9] =	ssyncset.done $0x0  }
0x35: {  	[sflag:s9] =	ssyncadd.s32 $0xFFFFF000  }
0x36: {  	[bflag:$0x0] =	sbarrier.arrive $0xFFFF  }
0x37: {  	s7 =	simm.s32 @p0 $0x1FD0;
	s8 =	rddreg [dreg:$0xd]  }
0x38: {  	[hbm:s8], [sflag:s7] =	dma.local @p0 [spmem:s19], $0x1900  }
0x39: {  	s7 =	simm.s32 @p0 $0x10  }
0x3a: {  	_ =	swait.ge @p0 [sflag:s7], $0x1900  }
0x3b: {  	[sflag:s7] =	ssyncset.done @p0 $0x0  }
0x3c: {  	[sflag:s7] =	ssyncadd.s32 @p0 $0xFFFFE700;
	s7 =	rddreg [dreg:$0x11]  }
0x3d: {  	s8 =	rddreg [dreg:$0xc];
	s7 =	sor.u32 @!p0 $0x1C10, s7  }
0x3e: {  	[hbm:s8], [sflag:s7] =	dma.local @!p0 [spmem:s21], $0x2800  }
0x3f: {  	s7 =	simm.s32 @!p0 $0x10  }
0x40: {  	_ =	swait.ge @!p0 [sflag:s7], $0x2800  }
0x41: {  	s18 =	sadd.s32 $0x1, s18;
	s8 =	rddreg [dreg:$0xe]  }
0x42: {  	p1 =	sne.s32 s18, s8  }
.Ltmp1:
0x43: {  	_ = 	snop;
	(pc) =	sbr.rel @!p1 .LBB2_21-.Ltmp1, $3  }
0x44: {  	_ =	sdelay $0x1  }
0x45: {  	[sflag:s7] =	ssyncset.done @!p0 $0x0  }
0x46: {  	[sflag:s7] =	ssyncadd.s32 @!p0 $0xFFFFD800  }
.LBB2_1:
0x47: {  	s7 =	simm.s32 @p0 $0x1FCC;
	s8 =	rddreg [dreg:$0x5]  }
0x48: {  	[spmem:s19], [sflag:s7] =	dma.local @p0 [hbm:s8], $0x1900  }
0x49: {  	s7 =	rddreg [dreg:$0x4]  }
0x4a: {  	s8 =	rddreg [dreg:$0x12]  }
0x4b: {  	[spmem:s21], [sflag:s8] =	dma.local @!p0 [hbm:s7], $0x2800  }
0x4c: {  	s7 =	rddreg [dreg:$0x7]  }
0x4d: {  	[tilespmem:s10], [sflag:$0xA] =	stream.linear.gather [hbm4b:s7+s4], $0x20, $0x38;
	[tilespmem:$0x1F480] =	vst v63  }
0x4e: {  	s10 =	rddreg [dreg:$0x8]  }
0x4f: {  	[tilespmem:s11], [sflag:$0xB] =	stream.linear.gather [hbm4b:s10+s4], $0x20, $0x38;
	[tilespmem:$0x1F480] =	vst v63  }
0x50: {  	s11 =	rddreg [dreg:$0x6]  }
0x51: {  	[tilespmem:s4], [sflag:$0xD] =	stream.linear.gather [hbm4b:s11+s4], $0x70, $0x38;
	[tilespmem:$0x1F480] =	vst v63  }
0x52: {  	s8 =	rddreg [dreg:$0x9]  }
0x53: {  	[tilespmem:s24], [sflag:$0x4] =	stream.linear.gather [hbm4b:s8+s4], $0x70, $0x38;
	[tilespmem:$0x1F480] =	vst v63  }
0x54: {  	s10 =	rddreg [dreg:$0xa]  }
0x55: {  	[tilespmem:s25], [sflag:$0xE] =	stream.linear.gather [hbm4b:s10+s4], $0x70, $0x38;
	[tilespmem:$0x1F480] =	vst v63  }
0x56: {  	s11 =	rddreg [dreg:$0xb]  }
0x57: {  	[tilespmem:s26], [sflag:$0x5] =	stream.linear.gather [hbm4b:s11+s4], $0x70, $0x38;
	[tilespmem:$0x1F480] =	vst v63  }
0x58: {  	_ =	swait.ge [sflag:s28], $0x70  }
0x59: {  	[sflag:s28] =	ssyncset.done $0x0  }
0x5a: {  	s7 =	simm.s32 @p0 $0xC;
	[sflag:s28] =	ssyncadd.s32 $0xFFFFFF90  }
0x5b: {  	[tilespmem:s30], [sflag:$0x1] =	stream.indirect.gather [hbm4b:s1+s29], $0x80, s4, s29, $0xb8;
	[tilespmem:$0x1F480] =	vst v63  }
0x5c: {  	_ =	swait.ge @p0 [sflag:s7], $0x1900  }
0x5d: {  	[sflag:s7] =	ssyncset.done @p0 $0x0  }
0x5e: {  	[sflag:s7] =	ssyncadd.s32 @p0 $0xFFFFE700;
	s7 =	simm.s32 @!p0 $0xC  }
0x5f: {  	_ =	swait.ge @!p0 [sflag:s7], $0x2800  }
.Ltmp2:
0x60: {  	[sflag:s7] =	ssyncset.done @!p0 $0x0;
	(pc) =	sbr.rel .LBB2_2-.Ltmp2, $4  }
0x61: {  	[sflag:s7] =	ssyncadd.s32 @!p0 $0xFFFFD800  }
0x62: {  	[bflag:$0x0] =	sbarrier.arrive $0xFFFF  }
0x63: {  	s7 =	rddreg [dreg:$0x10]  }
0x64: {  	s11 =	simm.s32 $0x0;
	s10 =	rddreg [dreg:$0xf]  }
.LBB2_10:
0x65: {  	[tilespmem:s4], [sflag:$0xD] =	stream.linear.gather [hbm4b:s10+s4], $0x70, $0x38;
	[tilespmem:$0x1F480] =	vst v63  }
0x66: {  	_ = 	snop  }
0x67: {  	[tilespmem:s24], [sflag:$0x4] =	stream.linear.gather [hbm4b:s7+s4], $0x70, $0x38;
	[tilespmem:$0x1F480] =	vst v63  }
.LBB2_12:
0x68: {  	_ =	swait.ge [sflag:s13], $0x70  }
0x69: {  	[sflag:s13] =	ssyncset.done $0x0  }
0x6a: {  	[sflag:s13] =	ssyncadd.s32 $0xFFFFFF90  }
0x6b: {  	[tilespmem:s6], [sflag:$0x3] =	stream.indirect.gather [hbm4b:s1+s29], $0x80, s14, s29, $0xb8;
	[tilespmem:$0x1F480] =	vst v63  }
.LBB2_13:
0x6c: {  	_ =	swait.ge [sflag:s15], $0x3800  }
0x6d: {  	[sflag:s15] =	ssyncset.done $0x0  }
0x6e: {  	[sflag:s15] =	ssyncadd.s32 $0xFFFFC800  }
0x6f: {  	_ =	swait.ge [sflag:s16], $0x70  }
0x70: {  	[sflag:s16] =	ssyncset.done $0x0  }
0x71: {  	[sflag:s16] =	ssyncadd.s32 $0xFFFFFF90  }
0x72: {  	[spmem:s3] =	stream.indirect.scatter.add.f32 [tilespmem:s22], [sflag:$0x8], $0x80, s26, s29, $0xb8;
	[tilespmem:$0x1F480] =	vst v63  }
.LBB2_19:
0x73: {  	s11 =	sadd.s32 $0x1, s11  }
0x74: {  	p1 =	sne.s32 s11, $0x59  }
.Ltmp3:
0x75: {  	_ = 	snop;
	(pc) =	sbr.rel @!p1 .LBB2_20-.Ltmp3, $2  }
0x76: {  	_ =	sdelay $0x2  }
0x77: {  	s10 =	sadd.s32 $0xE, s10;
	s7 =	sadd.s32 $0xE, s7  }
.LBB2_2:
0x78: {  	s8 =	smul.u32 $0xAB, s11;
	_ =	sdelay $0x1  }
0x79: {  	s8 =	sshrl.u32 s8, $0x9  }
0x7a: {  	s8 =	sand.u32 $0x7F, s8  }
0x7b: {  	s8 =	smul.u32 $0x3, s8;
	_ =	sdelay $0x1  }
0x7c: {  	s8 =	ssub.s32 s11, s8  }
0x7d: {  	s8 =	sand.u32 $0xFF, s8  }
0x7e: {  	p1 =	seq.s32 s8, $0x2  }
.Ltmp4:
0x7f: {  	_ = 	snop;
	(pc) =	sbr.rel @p1 .LBB2_14-.Ltmp4, $1  }
0x80: {  	_ =	sdelay $0x3  }
0x81: {  	p1 =	seq.s32 s8, $0x1  }
.Ltmp5:
0x82: {  	_ = 	snop;
	(pc) =	sbr.rel @!p1 .LBB2_4-.Ltmp5, $1  }
0x83: {  	_ =	sdelay $0x3  }
0x84: {  	p1 =	slt.u32 s11, $0x2  }
0x85: {  	p2 =	sgt.u32 @!p1 s11, $0x56  }
0x86: {  	p2 =	por p1, !p2  }
.Ltmp6:
0x87: {  	_ = 	snop;
	(pc) =	sbr.rel @p2 .LBB2_10-.Ltmp6, $4  }
0x88: {  	s8 =	simm.s32 @!p1 $0x9  }
0x89: {  	_ =	swait.ge @!p1 [sflag:s8], $0x3800  }
0x8a: {  	[sflag:s8] =	ssyncset.done @!p1 $0x0  }
0x8b: {  	[sflag:s8] =	ssyncadd.s32 @!p1 $0xFFFFC800  }
0x8c: {  	p1 =	seq.s32 s11, $0x58  }
.Ltmp7:
0x8d: {  	_ = 	snop;
	(pc) =	sbr.rel @p1 .LBB2_13-.Ltmp7, $4  }
.Ltmp8:
0x8e: {  	_ = 	snop;
	(pc) =	sbr.rel @!p1 .LBB2_12-.Ltmp8, $4  }
0x8f: {  	_ = 	snop  }
0x90: {  	_ = 	snop  }
0x91: {  	_ = 	snop  }
0x92: {  	_ = 	snop  }
.LBB2_14:
0x93: {  	p1 =	sgt.u32 s11, $0x56  }
.Ltmp9:
0x94: {  	_ = 	snop;
	(pc) =	sbr.rel @p1 .LBB2_16-.Ltmp9, $4  }
0x95: {  	_ = 	snop  }
0x96: {  	_ =	swait.ge [sflag:s31], $0x3800  }
0x97: {  	[sflag:s31] =	ssyncset.done $0x0  }
0x98: {  	[sflag:s31] =	ssyncadd.s32 $0xFFFFC800  }
.Ltmp10:
0x99: {  	(pc) =	sbr.rel .LBB2_17-.Ltmp10, $4  }
0x9a: {  	_ = 	snop  }
0x9b: {  	[tilespmem:s25], [sflag:$0xE] =	stream.linear.gather [hbm4b:s10+s4], $0x70, $0x38;
	[tilespmem:$0x1F480] =	vst v63  }
0x9c: {  	_ = 	snop  }
0x9d: {  	[tilespmem:s26], [sflag:$0x5] =	stream.linear.gather [hbm4b:s7+s4], $0x70, $0x38;
	[tilespmem:$0x1F480] =	vst v63  }
.LBB2_4:
0x9e: {  	p1 =	slt.u32 s11, $0x2  }
0x9f: {  	p2 =	sgt.u32 @!p1 s11, $0x56  }
0xa0: {  	p2 =	por p1, !p2  }
.Ltmp11:
0xa1: {  	_ = 	snop;
	(pc) =	sbr.rel @!p2 .LBB2_6-.Ltmp11, $4  }
0xa2: {  	s8 =	simm.s32 @!p1 $0x8  }
0xa3: {  	_ =	swait.ge @!p1 [sflag:s8], $0x3800  }
0xa4: {  	[sflag:s8] =	ssyncset.done @!p1 $0x0  }
0xa5: {  	[sflag:s8] =	ssyncadd.s32 @!p1 $0xFFFFC800  }
.Ltmp12:
0xa6: {  	(pc) =	sbr.rel .LBB2_7-.Ltmp12, $4  }
0xa7: {  	_ = 	snop  }
0xa8: {  	[tilespmem:s14], [sflag:$0xF] =	stream.linear.gather [hbm4b:s10+s4], $0x70, $0x38;
	[tilespmem:$0x1F480] =	vst v63  }
0xa9: {  	_ = 	snop  }
0xaa: {  	[tilespmem:s5], [sflag:$0x6] =	stream.linear.gather [hbm4b:s7+s4], $0x70, $0x38;
	[tilespmem:$0x1F480] =	vst v63  }
.LBB2_16:
0xab: {  	p1 =	seq.s32 s11, $0x58  }
.Ltmp13:
0xac: {  	_ = 	snop;
	(pc) =	sbr.rel @p1 .LBB2_18-.Ltmp13, $1  }
0xad: {  	_ =	sdelay $0x3  }
.LBB2_17:
0xae: {  	_ =	swait.ge [sflag:s28], $0x70  }
0xaf: {  	[sflag:s28] =	ssyncset.done $0x0  }
0xb0: {  	[sflag:s28] =	ssyncadd.s32 $0xFFFFFF90  }
0xb1: {  	[tilespmem:s30], [sflag:$0x1] =	stream.indirect.gather [hbm4b:s1+s29], $0x80, s4, s29, $0xb8;
	[tilespmem:$0x1F480] =	vst v63  }
.LBB2_18:
0xb2: {  	_ =	swait.ge [sflag:s0], $0x3800  }
0xb3: {  	[sflag:s0] =	ssyncset.done $0x0  }
.Ltmp14:
0xb4: {  	[sflag:s0] =	ssyncadd.s32 $0xFFFFC800;
	(pc) =	sbr.rel .LBB2_19-.Ltmp14, $4  }
0xb5: {  	_ =	swait.ge [sflag:s2], $0x70  }
0xb6: {  	[sflag:s2] =	ssyncset.done $0x0  }
0xb7: {  	[sflag:s2] =	ssyncadd.s32 $0xFFFFFF90  }
0xb8: {  	[spmem:s3] =	stream.indirect.scatter.add.f32 [tilespmem:s6], [sflag:$0x9], $0x80, s5, s29, $0xb8;
	[tilespmem:$0x1F480] =	vst v63  }
.LBB2_6:
0xb9: {  	p1 =	seq.s32 s11, $0x58  }
.Ltmp15:
0xba: {  	_ = 	snop;
	(pc) =	sbr.rel @p1 .LBB2_8-.Ltmp15, $1  }
0xbb: {  	_ =	sdelay $0x3  }
.LBB2_7:
0xbc: {  	_ =	swait.ge [sflag:s17], $0x70  }
0xbd: {  	[sflag:s17] =	ssyncset.done $0x0  }
0xbe: {  	[sflag:s17] =	ssyncadd.s32 $0xFFFFFF90  }
0xbf: {  	[tilespmem:s22], [sflag:$0x2] =	stream.indirect.gather [hbm4b:s1+s29], $0x80, s25, s29, $0xb8;
	[tilespmem:$0x1F480] =	vst v63  }
.LBB2_8:
0xc0: {  	_ =	swait.ge [sflag:s23], $0x3800  }
0xc1: {  	[sflag:s23] =	ssyncset.done $0x0  }
.Ltmp16:
0xc2: {  	[sflag:s23] =	ssyncadd.s32 $0xFFFFC800;
	(pc) =	sbr.rel .LBB2_19-.Ltmp16, $4  }
0xc3: {  	_ =	swait.ge [sflag:s20], $0x70  }
0xc4: {  	[sflag:s20] =	ssyncset.done $0x0  }
0xc5: {  	[sflag:s20] =	ssyncadd.s32 $0xFFFFFF90  }
0xc6: {  	[spmem:s3] =	stream.indirect.scatter.add.f32 [tilespmem:s30], [sflag:$0x7], $0x80, s24, s29, $0xb8;
	[tilespmem:$0x1F480] =	vst v63  }
.LBB2_21:
0xc7: {  	_ =	sfence.sel $0x180000  }
0xc8: {  	[bflag:$0x0] =	sbarrier.arrive $0xFFFF  }
0xc9: {  	_ =	strace $0x9000004A  }
0xca: {  	s0 =	stileid.u32;
	[bflag:$0x2] =	sbarrier.arrive $0xFFFF  }
0xcb: {  	p0 =	sne.s32 s0, $0x0;
	s0 =	rddreg [dreg:$0x3]  }
0xcc: {  	s0 =	sadd.s32 @!p0 $0x100000, s0  }
0xcd: {  	[sflag:s0] =	ssyncadd.tile.s32 @!p0 $0x1;
	_ =	shalt  }
.Lfunc_end2:
_tile_overlayer_lowered:
.L_overlay_start_2:
0xce: {  	(tag) =	ssettag $0x2  }
0xcf: {  	s0 =	rddreg [dreg:$0x0];
	s2 =	stileid.u32  }
0xd0: {  	s1 =	rddreg [dreg:$0x1];
	p0 =	sne.s32 s2, $0x0  }
0xd1: {  	s3 =	rddreg [dreg:$0x2];
	[bflag:$0x3] =	sbarrier.arrive $0xFFFF;
	s2 =	simm.s32 @!p0 $0x1C10  }
0xd2: {  	[timem:s3], [sflag:s2] =	dma.local @!p0 [hbm:s0], s1  }
0xd3: {  	s0 =	simm.s32 @!p0 $0x10  }
0xd4: {  	_ =	swait.ge @!p0 [sflag:s0], s1  }
0xd5: {  	s1 =	ssub.s32 @!p0 $0x0, s1;
	[sflag:s0] =	ssyncset.done @!p0 $0x0  }
0xd6: {  	[sflag:s0] =	ssyncadd.s32 @!p0 s1  }
0xd7: {  	[bflag:$0x3] =	sbarrier.arrive $0xFFFF  }
0xd8: {  	_ =	shalt  }

// kernel: kernel.18.cloned.1.call-start
scs
__scs_entry_jumppad:
0x0: {  	(pc) =	sbr.rel $0x88, $3  }
0x1: {  	(tag) =	ssettag $0x0;
	lr =	simm.s32 $0x1  }
0x2: {  	[smem:$0x3F9A] =	sst lr;
	_ =	strace $0xD0000000  }
0x3: {  	_ = 	snop  }
0x4: {  	_ = 	snop  }
0x5: {  	_ = 	snop  }
0x6: {  	_ = 	snop  }
0x7: {  	_ = 	snop  }
__scs_overlays_trampoline_lowered:
0x8: {  	[smem:$0x3FA9] =	sst s0  }
0x9: {  	[smem:$0x3FAA] =	sst s1  }
0xa: {  	[smem:$0x3FAB] =	sst s2  }
0xb: {  	[smem:$0x3FAC] =	sst s3  }
0xc: {  	[smem:$0x3FAD] =	sst s4  }
0xd: {  	[smem:$0x3FAE] =	sst s5  }
0xe: {  	[smem:$0x3FAF] =	sst s6  }
0xf: {  	[smem:$0x3FB0] =	sst s7  }
0x10: {  	[smem:$0x3FB1] =	sst s8  }
0x11: {  	[smem:$0x3FB2] =	sst s9;
	s0 =	simm.s32 @!p0 $0x0  }
0x12: {  	s1 =	sld [smem:$0x3F98];
	s0 =	simm.s32 @p0 $0x1  }
0x13: {  	[smem:$0x3FB3] =	sst s0;
	s0 =	simm.s32 @!p1 $0x0  }
0x14: {  	s2 =	sld [smem:$0x3F97];
	s0 =	simm.s32 @p1 $0x1  }
0x15: {  	[smem:$0x3FB4] =	sst s0;
	s0 =	simm.s32 @!p2 $0x0  }
0x16: {  	s3 =	sld [smem:$0x3FDB];
	s0 =	simm.s32 @p2 $0x1  }
0x17: {  	s4 =	simm.s32 $0x1BF5;
	[smem:$0x3FB6] =	sst s0  }
0x18: {  	s0 =	sld [smem:$0x3F99];
	_ =	swait.ge [sflag:s4], $0x0  }
0x19: {  	s7 =	sld [smem:$0x3F9A]  }
0x1a: {  	s8 =	sadd.s32 $0xFFFFE003, lr  }
0x1b: {  	s9 =	sadd.s32 $0xFFFFFEF7, lr;
	s5 =	simm.s32 $0xFFFFFFFF;
	p2 =	slt.u32 s8, $0xFFFFF086  }
0x1c: {  	p1 =	slt.u32 s9, $0xF7A;
	s5 =	simm.s32 @!p2 $0x0  }
0x1d: {  	s5 =	simm.s32 @p1 $0x1;
	p0 =	seq.s32 s7, s2  }
0x1e: {  	s7 =	smul.u32 @!p0 $0xF7A, s2;
	p2 =	seq.s32 @!p0 s5, $0x0  }
0x1f: {  	s9 =	smul.u32 $0xF7A, s1;
	s8 =	simm.s32 @!p0 $0x1BF5;
	p2 =	por !p2, p0  }
0x20: {  	[sflag:s8] =	ssyncset.s32 @!p0 $0xFFFFF086;
	s6 =	sadd.s32 @!p0 s3, s7;
	s7 =	simm.s32 @!p0 $0x108  }
0x21: {  	s3 =	sadd.s32 s3, s9;
	s6 =	sadd.s32 @!p0 $0x88, s6;
	s7 =	simm.s32 @p2 $0x1082  }
0x22: {  	[simem:s7], [sflag:s8] =	dma.local @!p0 [hbm:s6], $0xF7A  }
0x23: {  	s9 =	sor.u32 $0xD0000000, s2;
	s6 =	simm.s32 $0x108;
	_ =	swait.ge @!p0 [sflag:s8], $0x0  }
0x24: {  	s3 =	sadd.s32 $0x88, s3;
	s6 =	simm.s32 @!p1 $0x1082;
	[sflag:s4] =	ssyncset.s32 $0xFFFFF086  }
0x25: {  	[simem:s6], [sflag:s4] =	dma.local [hbm:s3], $0xF7A  }
0x26: {  	[smem:$0x3F9A] =	sst s1;
	(tag) =	ssettag s2;
	_ =	strace s9  }
0x27: {  	s1 =	sld [smem:$0x3FAA]  }
0x28: {  	s2 =	sld [smem:$0x3FAB]  }
0x29: {  	s4 =	sld [smem:$0x3FAD]  }
0x2a: {  	p0 =	seq.s32 s5, $0x0;
	s5 =	sld [smem:$0x3FAE]  }
0x2b: {  	s6 =	sld [smem:$0x3FAF]  }
0x2c: {  	s7 =	sld [smem:$0x3FB0]  }
0x2d: {  	s3 =	simm.s32 $0x108;
	s8 =	sld [smem:$0x3FB1]  }
0x2e: {  	s3 =	simm.s32 @!p0 $0x1082;
	s9 =	sld [smem:$0x3FB2]  }
0x2f: {  	lr =	sadd.s32 s0, s3;
	s0 =	sld [smem:$0x3FA9]  }
0x30: {  	s3 =	sld [smem:$0x3FAC]  }
0x31: {  	[smem:$0x3FB5] =	sst s10  }
0x32: {  	s10 =	sld [smem:$0x3FB3];
	_ =	sdelay $0x3  }
0x33: {  	p0 =	seq.s32 s10, $0x1;
	s10 =	sld [smem:$0x3FB5];
	_ =	sdelay $0x3  }
0x34: {  	[smem:$0x3FB5] =	sst s10  }
0x35: {  	s10 =	sld [smem:$0x3FB4];
	_ =	sdelay $0x3  }
0x36: {  	p1 =	seq.s32 s10, $0x1;
	s10 =	sld [smem:$0x3FB5];
	_ =	sdelay $0x3  }
0x37: {  	[smem:$0x3FB5] =	sst s10  }
0x38: {  	s10 =	sld [smem:$0x3FB6]  }
0x39: {  	_ = 	snop;
	(pc) =	sbr.ind lr, $3  }
0x3a: {  	_ = 	snop  }
0x3b: {  	_ = 	snop  }
0x3c: {  	p2 =	seq.s32 s10, $0x1;
	s10 =	sld [smem:$0x3FB5]  }
0x3d: {  	_ =	shalt  }
0x3e: {  	_ =	shalt  }
0x3f: {  	_ =	shalt  }
0x40: {  	_ =	shalt  }
0x41: {  	_ =	shalt  }
0x42: {  	_ =	shalt  }
0x43: {  	_ =	shalt  }
0x44: {  	_ =	shalt  }
0x45: {  	_ =	shalt  }
0x46: {  	_ =	shalt  }
0x47: {  	_ =	shalt  }
0x48: {  	_ =	shalt  }
0x49: {  	_ =	shalt  }
0x4a: {  	_ =	shalt  }
0x4b: {  	_ =	shalt  }
0x4c: {  	_ =	shalt  }
0x4d: {  	_ =	shalt  }
0x4e: {  	_ =	shalt  }
0x4f: {  	_ =	shalt  }
0x50: {  	_ =	shalt  }
0x51: {  	_ =	shalt  }
0x52: {  	_ =	shalt  }
0x53: {  	_ =	shalt  }
0x54: {  	_ =	shalt  }
0x55: {  	_ =	shalt  }
0x56: {  	_ =	shalt  }
0x57: {  	_ =	shalt  }
0x58: {  	_ =	shalt  }
0x59: {  	_ =	shalt  }
0x5a: {  	_ =	shalt  }
0x5b: {  	_ =	shalt  }
0x5c: {  	_ =	shalt  }
0x5d: {  	_ =	shalt  }
0x5e: {  	_ =	shalt  }
0x5f: {  	_ =	shalt  }
0x60: {  	_ =	shalt  }
0x61: {  	_ =	shalt  }
0x62: {  	_ =	shalt  }
0x63: {  	_ =	shalt  }
0x64: {  	_ =	shalt  }
0x65: {  	_ =	shalt  }
0x66: {  	_ =	shalt  }
0x67: {  	_ =	shalt  }
0x68: {  	_ =	shalt  }
0x69: {  	_ =	shalt  }
0x6a: {  	_ =	shalt  }
0x6b: {  	_ =	shalt  }
0x6c: {  	_ =	shalt  }
0x6d: {  	_ =	shalt  }
0x6e: {  	_ =	shalt  }
0x6f: {  	_ =	shalt  }
0x70: {  	_ =	shalt  }
0x71: {  	_ =	shalt  }
0x72: {  	_ =	shalt  }
0x73: {  	_ =	shalt  }
0x74: {  	_ =	shalt  }
0x75: {  	_ =	shalt  }
0x76: {  	_ =	shalt  }
0x77: {  	_ =	shalt  }
0x78: {  	_ =	shalt  }
0x79: {  	_ =	shalt  }
0x7a: {  	_ =	shalt  }
0x7b: {  	_ =	shalt  }
0x7c: {  	_ =	shalt  }
0x7d: {  	_ =	shalt  }
0x7e: {  	_ =	shalt  }
0x7f: {  	_ =	shalt  }
0x80: {  	_ =	shalt  }
0x81: {  	_ =	shalt  }
0x82: {  	_ =	shalt  }
0x83: {  	_ =	shalt  }
0x84: {  	_ =	shalt  }
0x85: {  	_ =	shalt  }
0x86: {  	_ =	shalt  }
0x87: {  	_ =	shalt  }
.Lfunc_end0:
.L_simem_size_0:
called_computation.2_lowered:
.L_overlay_start_0:
0x88: {  	s2 =	sld [smem:$0x3FD9]  }
0x89: {  	s3 =	sld [smem:$0x3FFE];
	_ =	sdelay $0x1  }
0x8a: {  	s1 =	srdreg.scid  }
0x8b: {  	s0 =	sand.u32 $0x1, s1  }
0x8c: {  	s17 =	sshll.u32 s0, $0xA;
	s2 =	sadd.s32 s3, s2  }
0x8d: {  	s2 =	sadd.s32 s2, s17  }
0x8e: {  	[smem:$0x3FC1] =	sst s2  }
0x8f: {  	_ = 	snop  }
0x90: {  	s2 =	sld [smem:$0x3FD0];
	(tm) =	ssettm $0x1  }
0x91: {  	s18 =	sld [smem:$0x3FFB];
	_ =	sdelay $0x3  }
0x92: {  	_ =	strace s18  }
0x93: {  	s3 =	sld [smem:$0x3FFC];
	_ =	sdelay $0x3  }
0x94: {  	_ =	strace s3  }
0x95: {  	s3 =	sld [smem:$0x3FFD];
	_ =	sdelay $0x3  }
0x96: {  	_ =	strace s3  }
0x97: {  	_ =	strace $0x8FFFFFFF  }
0x98: {  	s19 =	sld [smem:$0x3FDB];
	_ =	sdelay $0x1  }
0x99: {  	s4 =	simm.s32 $_scs_section_size  }
0x9a: {  	s5 =	simm.s32 $_size__tile_overlayer_lowered;
	s6 =	simm.s32 $_tile_overlayer_lowered  }
0x9b: {  	s22 =	simm.s32 $0x1BFF;
	s21 =	sshll.u32 s6, $0x1;
	s3 =	sadd.s32 s4, s19  }
0x9c: {  	s7 =	simm.s32 $0x0;
	s20 =	sshll.u32 s5, $0x1;
	s5 =	sadd.s32 s21, s3  }
0x9d: {  	[timem:s7], [sflag:s22] =	dma.local [hbm:s5], s20  }
0x9e: {  	_ =	swait.ge [sflag:s22], s20  }
0x9f: {  	s4 =	ssub.s32 $0x0, s20;
	[sflag:s22] =	ssyncset.done $0x0  }
0xa0: {  	[sflag:s22] =	ssyncadd.s32 s4;
	_ =	sdelay $0x1  }
0xa1: {  	s23 =	simm.s32 $0x1B8B  }
0xa2: {  	_ =	swait.ge [sflag:s23], $0x1  }
0xa3: {  	[sflag:s23] =	ssyncset.done $0x0  }
0xa4: {  	s25 =	simm.s32 $0x1B8E;
	s24 =	sld [smem:$0x3FFE];
	[sflag:s23] =	ssyncadd.s32 $0xFFFFFFFF  }
0xa5: {  	s26 =	simm.s32 $execute0_lowered;
	[smem:$0x3FD2] =	sst s25  }
0xa6: {  	s5 =	sshll.u32 s26, $0x1;
	_ =	strace $0x8000004C;
	[dreg:$0x1] =	wrdreg $0xFFFFFFFF  }
0xa7: {  	s28 =	simm.s32 $_size_execute0_lowered;
	s3 =	sadd.s32 s3, s5;
	[dreg:$0x0] =	wrdreg $0x0  }
0xa8: {  	s5 =	sshll.u32 s28, $0x1;
	[dreg:$0x2] =	wrdreg s3  }
0xa9: {  	[dreg:$0x3] =	wrdreg s5  }
0xaa: {  	[dreg:$0x4] =	wrdreg $0xC0  }
0xab: {  	_ =	task [dreg:s7], $0x5FFFF  }
0xac: {  	[dreg:$0x1] =	wrdreg $0xFFFFFFFF  }
0xad: {  	[dreg:$0x0] =	wrdreg $0x60  }
0xae: {  	[dreg:$0x2] =	wrdreg s2  }
0xaf: {  	[dreg:$0x3] =	wrdreg s24  }
0xb0: {  	[dreg:$0x4] =	wrdreg $0xBC000  }
0xb1: {  	[dreg:$0x5] =	wrdreg $0x9  }
0xb2: {  	_ =	task.clear_ibuf [dreg:s7], $0x6FFFF;
	_ =	strace $0x9000004C  }
0xb3: {  	s29 =	simm.s32 $0x9;
	_ =	strace $0x8000004E  }
0xb4: {  	_ =	swait.ge [sflag:s29], $0x1  }
0xb5: {  	[sflag:s29] =	ssyncadd.s32 $0xFFFFFFFF  }
0xb6: {  	_ =	strace $0x9000004E  }
0xb7: {  	_ =	sfence  }
0xb8: {  	s30 =	sld [smem:$0x0];
	_ =	sdelay $0x2  }
0xb9: {  	s31 =	sshll.u32 s1, $0xD;
	s1 =	sshrl.u32 s1, $0x2  }
0xba: {  	s3 =	sand.u32 $0x4000, s31;
	s1 =	sadd.s32 s1, s30  }
0xbb: {  	s0 =	sor.u32 s3, s0;
	s1 =	sshll.u32 s1, $0x11  }
0xbc: {  	s0 =	sor.u32 s1, s0  }
0xbd: {  	s0 =	sadd.s32 $0x8F2B, s0  }
0xbe: {  	[sflag:s0] =	ssyncadd.remote.s32 $0x1  }
0xbf: {  	_ =	sfence.sel $0xFFFF  }
0xc0: {  	[dreg:$0x0] =	wrdreg $0xFFFFFFFF;
	(pc) =	sbr.abs _section_cstart, $3  }
0xc1: {  	[dreg:$0x1] =	wrdreg $0xFFFFFFFF  }
0xc2: {  	_ =	task.clear_ibuf [dreg:s7], $0x2FFFF;
	_ =	strace $0x9FFFFFFF  }
0xc3: {  	(tm) =	ssettm $0x7FFFFFFF  }
tec
execute0_lowered:
.L_overlay_start_1:
0x0: {  	(tag) =	ssettag $0x1  }
0x1: {  	s1 =	rddreg [dreg:$0x0]  }
0x2: {  	s0 =	rddreg [dreg:$0x1]  }
0x3: {  	s3 =	rddreg [dreg:$0x2];
	s4 =	simm.s32 $0x0;
	s12 =	stileid.u32  }
0x4: {  	s2 =	srdreg.scid;
	s28 =	simm.s32 $0xD;
	s29 =	simm.s32 $0x70  }
0x5: {  	s30 =	simm.s32 $0x380;
	s31 =	simm.s32 $0x7;
	s14 =	simm.s32 $0x100  }
0x6: {  	s15 =	simm.s32 $0x2;
	s16 =	simm.s32 $0x5;
	s5 =	smul.u32 $0x2800, s12  }
0x7: {  	s17 =	simm.s32 $0xE;
	[smem:$0x7FF] =	sst s4;
	s8 =	smul.u32 $0x50000, s12  }
0x8: {  	s2 =	sand.u32 $0x1, s2;
	s6 =	sadd.s32 $0x2A00, s0;
	s20 =	smul.u32 $0x14000, s12  }
0x9: {  	s11 =	sadd.s32 $0x3D600, s0;
	s23 =	smul.u32 $0x2710, s12;
	p0 =	seq.s32 s12, $0xF  }
0xa: {  	_ =	strace $0x8000004D;
	s7 =	sshll.u32 s2, $0x4;
	s18 =	smul.u32 $0x138800, s2  }
0xb: {  	s9 =	ssub.s32 $0x2, s2;
	s2 =	smul.u32 $0x27100, s2;
	s5 =	sadd.s32 s5, s0  }
0xc: {  	s7 =	sor.u32 s12, s7;
	s10 =	sshrl.u32 s9, $0x1;
	s8 =	sshrl.u32 s8, $0x2  }
0xd: {  	s0 =	sadd.s32 $0x3BC00, s0;
	s7 =	smul.u32 $0x2710, s7;
	s9 =	ssub.s32 s9, s10  }
0xe: {  	s8 =	sadd.s32 s8, s3;
	s5 =	sadd.s32 $0x16400, s5;
	[dreg:$0x5] =	wrdreg s0  }
0xf: {  	s0 =	sshrl.u32 s18, $0x3;
	s24 =	sadd.s32 s23, s2;
	s10 =	simm.s32 $0x300  }
0x10: {  	s23 =	simm.s32 $0x1;
	[dreg:$0x4] =	wrdreg s5;
	s5 =	sadd.s32 $0x12C000, s3  }
0x11: {  	s0 =	sadd.s32 s11, s0;
	s25 =	smax.u32 s9, $0x1;
	s26 =	sadd.s32 $0xE0, s24  }
0x12: {  	s7 =	sshrl.u32 s7, $0x3;
	s0 =	sadd.s32 $0x25800, s0;
	[dreg:$0xe] =	wrdreg s25  }
0x13: {  	s2 =	sshrl.u32 s26, $0x3;
	s13 =	sadd.s32 s6, s7;
	[dreg:$0xd] =	wrdreg s0  }
0x14: {  	s9 =	simm.s32 $0xA;
	s2 =	sadd.s32 s2, s6;
	[dreg:$0x6] =	wrdreg s13  }
0x15: {  	s25 =	simm.s32 $0x80;
	s7 =	sadd.s32 $0x4DE, s13;
	[dreg:$0xf] =	wrdreg s2  }
0x16: {  	s26 =	simm.s32 $0x200;
	s19 =	sadd.s32 $0xA11E, s13;
	[dreg:$0x7] =	wrdreg s7  }
0x17: {  	s0 =	sadd.s32 $0x4E2E0, s24;
	s21 =	sadd.s32 $0x9C40, s13;
	[dreg:$0x8] =	wrdreg s19  }
0x18: {  	s24 =	simm.s32 $0x180;
	s22 =	sadd.s32 $0xE, s13;
	[dreg:$0x9] =	wrdreg s21  }
0x19: {  	s13 =	sadd.s32 $0x9C4E, s13;
	s0 =	sshrl.u32 s0, $0x3;
	[dreg:$0xa] =	wrdreg s22  }
0x1a: {  	s2 =	simm.s32 $0x6;
	s7 =	sadd.s32 s20, s18;
	[dreg:$0xb] =	wrdreg s13  }
0x1b: {  	s0 =	sadd.s32 s0, s6;
	s19 =	sshrl.u32 @p0 s5, $0x3;
	s21 =	sshrl.u32 @!p0 s8, $0x3  }
0x1c: {  	s5 =	simm.s32 $0x280;
	s6 =	simm.s32 $0x7380;
	s13 =	simm.s32 $0xF  }
.Ltmp0:
0x1d: {  	s22 =	simm.s32 $0x3B80;
	s20 =	simm.s32 $0x4;
	(pc) =	sbr.rel .LBB2_1-.Ltmp0, $4  }
0x1e: {  	s7 =	sshrl.u32 s7, $0x3;
	[dreg:$0x10] =	wrdreg s0;
	s0 =	sshll.u32 @!p0 s12, $0x6  }
0x1f: {  	s18 =	simm.s32 $0x0;
	s7 =	sadd.s32 s11, s7;
	[dreg:$0x11] =	wrdreg s0  }
0x20: {  	s12 =	simm.s32 $0xB;
	s0 =	sor.u32 @!p0 $0x1C0C, s0;
	[dreg:$0xc] =	wrdreg s7  }
0x21: {  	s11 =	simm.s32 $0xAB80;
	[dreg:$0x12] =	wrdreg s0;
	s0 =	simm.s32 $0x3  }
.LBB2_20:
0x22: {  	_ =	swait.ge [sflag:s31], $0x3800  }
0x23: {  	[sflag:s31] =	ssyncset.done $0x0  }
0x24: {  	s7 =	simm.s32 $0x8;
	[sflag:s31] =	ssyncadd.s32 $0xFFFFC800  }
0x25: {  	_ =	swait.ge [sflag:s7], $0x3800  }
0x26: {  	[sflag:s7] =	ssyncset.done $0x0  }
0x27: {  	[sflag:s7] =	ssyncadd.s32 $0xFFFFC800  }
0x28: {  	_ =	swait.ge [sflag:s9], $0x20  }
0x29: {  	s10 =	simm.s32 $0x300;
	[sflag:s9] =	ssyncset.done $0x0  }
0x2a: {  	s8 =	simm.s32 $0xAC00;
	s7 =	simm.s32 $0x20;
	[sflag:s9] =	ssyncadd.s32 $0xFFFFFFE0  }
0x2b: {  	[tilespmem:s8], [sflag:$0xA] =	stream.indirect.gather [hbm4b:s1+s7], $0x80, s10, s7, $0xb8;
	[tilespmem:$0x1F480] =	vst v63  }
0x2c: {  	_ =	swait.ge [sflag:s9], $0x1000  }
0x2d: {  	[sflag:s9] =	ssyncset.done $0x0  }
0x2e: {  	[sflag:s9] =	ssyncadd.s32 $0xFFFFF000  }
0x2f: {  	_ =	swait.ge [sflag:s12], $0x20  }
0x30: {  	[sflag:s12] =	ssyncset.done $0x0  }
0x31: {  	s11 =	simm.s32 $0xAB80;
	[sflag:s12] =	ssyncadd.s32 $0xFFFFFFE0  }
0x32: {  	[spmem:s3] =	stream.indirect.scatter.add.f32 [tilespmem:s8], [sflag:$0xA], $0x80, s11, s7, $0xb8;
	[tilespmem:$0x1F480] =	vst v63  }
0x33: {  	_ =	swait.ge [sflag:s9], $0x1000  }
0x34: {  	[sflag:s9] =	ssyncset.done $0x0  }
0x35: {  	[sflag:s9] =	ssyncadd.s32 $0xFFFFF000  }
0x36: {  	[bflag:$0x0] =	sbarrier.arrive $0xFFFF  }
0x37: {  	s7 =	simm.s32 @p0 $0x1FD0;
	s8 =	rddreg [dreg:$0xd]  }
0x38: {  	[hbm:s8], [sflag:s7] =	dma.local @p0 [spmem:s19], $0x1900  }
0x39: {  	s7 =	simm.s32 @p0 $0x10  }
0x3a: {  	_ =	swait.ge @p0 [sflag:s7], $0x1900  }
0x3b: {  	[sflag:s7] =	ssyncset.done @p0 $0x0  }
0x3c: {  	[sflag:s7] =	ssyncadd.s32 @p0 $0xFFFFE700;
	s7 =	rddreg [dreg:$0x11]  }
0x3d: {  	s8 =	rddreg [dreg:$0xc];
	s7 =	sor.u32 @!p0 $0x1C10, s7  }
0x3e: {  	[hbm:s8], [sflag:s7] =	dma.local @!p0 [spmem:s21], $0x2800  }
0x3f: {  	s7 =	simm.s32 @!p0 $0x10  }
0x40: {  	_ =	swait.ge @!p0 [sflag:s7], $0x2800  }
0x41: {  	s18 =	sadd.s32 $0x1, s18;
	s8 =	rddreg [dreg:$0xe]  }
0x42: {  	p1 =	sne.s32 s18, s8  }
.Ltmp1:
0x43: {  	_ = 	snop;
	(pc) =	sbr.rel @!p1 .LBB2_21-.Ltmp1, $3  }
0x44: {  	_ =	sdelay $0x1  }
0x45: {  	[sflag:s7] =	ssyncset.done @!p0 $0x0  }
0x46: {  	[sflag:s7] =	ssyncadd.s32 @!p0 $0xFFFFD800  }
.LBB2_1:
0x47: {  	s7 =	simm.s32 @p0 $0x1FCC;
	s8 =	rddreg [dreg:$0x5]  }
0x48: {  	[spmem:s19], [sflag:s7] =	dma.local @p0 [hbm:s8], $0x1900  }
0x49: {  	s7 =	rddreg [dreg:$0x4]  }
0x4a: {  	s8 =	rddreg [dreg:$0x12]  }
0x4b: {  	[spmem:s21], [sflag:s8] =	dma.local @!p0 [hbm:s7], $0x2800  }
0x4c: {  	s7 =	rddreg [dreg:$0x7]  }
0x4d: {  	[tilespmem:s10], [sflag:$0xA] =	stream.linear.gather [hbm4b:s7+s4], $0x20, $0x38;
	[tilespmem:$0x1F480] =	vst v63  }
0x4e: {  	s10 =	rddreg [dreg:$0x8]  }
0x4f: {  	[tilespmem:s11], [sflag:$0xB] =	stream.linear.gather [hbm4b:s10+s4], $0x20, $0x38;
	[tilespmem:$0x1F480] =	vst v63  }
0x50: {  	s11 =	rddreg [dreg:$0x6]  }
0x51: {  	[tilespmem:s4], [sflag:$0xD] =	stream.linear.gather [hbm4b:s11+s4], $0x70, $0x38;
	[tilespmem:$0x1F480] =	vst v63  }
0x52: {  	s8 =	rddreg [dreg:$0x9]  }
0x53: {  	[tilespmem:s24], [sflag:$0x4] =	stream.linear.gather [hbm4b:s8+s4], $0x70, $0x38;
	[tilespmem:$0x1F480] =	vst v63  }
0x54: {  	s10 =	rddreg [dreg:$0xa]  }
0x55: {  	[tilespmem:s25], [sflag:$0xE] =	stream.linear.gather [hbm4b:s10+s4], $0x70, $0x38;
	[tilespmem:$0x1F480] =	vst v63  }
0x56: {  	s11 =	rddreg [dreg:$0xb]  }
0x57: {  	[tilespmem:s26], [sflag:$0x5] =	stream.linear.gather [hbm4b:s11+s4], $0x70, $0x38;
	[tilespmem:$0x1F480] =	vst v63  }
0x58: {  	_ =	swait.ge [sflag:s28], $0x70  }
0x59: {  	[sflag:s28] =	ssyncset.done $0x0  }
0x5a: {  	s7 =	simm.s32 @p0 $0xC;
	[sflag:s28] =	ssyncadd.s32 $0xFFFFFF90  }
0x5b: {  	[tilespmem:s30], [sflag:$0x1] =	stream.indirect.gather [hbm4b:s1+s29], $0x80, s4, s29, $0xb8;
	[tilespmem:$0x1F480] =	vst v63  }
0x5c: {  	_ =	swait.ge @p0 [sflag:s7], $0x1900  }
0x5d: {  	[sflag:s7] =	ssyncset.done @p0 $0x0  }
0x5e: {  	[sflag:s7] =	ssyncadd.s32 @p0 $0xFFFFE700;
	s7 =	simm.s32 @!p0 $0xC  }
0x5f: {  	_ =	swait.ge @!p0 [sflag:s7], $0x2800  }
.Ltmp2:
0x60: {  	[sflag:s7] =	ssyncset.done @!p0 $0x0;
	(pc) =	sbr.rel .LBB2_2-.Ltmp2, $4  }
0x61: {  	[sflag:s7] =	ssyncadd.s32 @!p0 $0xFFFFD800  }
0x62: {  	[bflag:$0x0] =	sbarrier.arrive $0xFFFF  }
0x63: {  	s7 =	rddreg [dreg:$0x10]  }
0x64: {  	s11 =	simm.s32 $0x0;
	s10 =	rddreg [dreg:$0xf]  }
.LBB2_10:
0x65: {  	[tilespmem:s4], [sflag:$0xD] =	stream.linear.gather [hbm4b:s10+s4], $0x70, $0x38;
	[tilespmem:$0x1F480] =	vst v63  }
0x66: {  	_ = 	snop  }
0x67: {  	[tilespmem:s24], [sflag:$0x4] =	stream.linear.gather [hbm4b:s7+s4], $0x70, $0x38;
	[tilespmem:$0x1F480] =	vst v63  }
.LBB2_12:
0x68: {  	_ =	swait.ge [sflag:s13], $0x70  }
0x69: {  	[sflag:s13] =	ssyncset.done $0x0  }
0x6a: {  	[sflag:s13] =	ssyncadd.s32 $0xFFFFFF90  }
0x6b: {  	[tilespmem:s6], [sflag:$0x3] =	stream.indirect.gather [hbm4b:s1+s29], $0x80, s14, s29, $0xb8;
	[tilespmem:$0x1F480] =	vst v63  }
.LBB2_13:
0x6c: {  	_ =	swait.ge [sflag:s15], $0x3800  }
0x6d: {  	[sflag:s15] =	ssyncset.done $0x0  }
0x6e: {  	[sflag:s15] =	ssyncadd.s32 $0xFFFFC800  }
0x6f: {  	_ =	swait.ge [sflag:s16], $0x70  }
0x70: {  	[sflag:s16] =	ssyncset.done $0x0  }
0x71: {  	[sflag:s16] =	ssyncadd.s32 $0xFFFFFF90  }
0x72: {  	[spmem:s3] =	stream.indirect.scatter.add.f32 [tilespmem:s22], [sflag:$0x8], $0x80, s26, s29, $0xb8;
	[tilespmem:$0x1F480] =	vst v63  }
.LBB2_19:
0x73: {  	s11 =	sadd.s32 $0x1, s11  }
0x74: {  	p1 =	sne.s32 s11, $0x59  }
.Ltmp3:
0x75: {  	_ = 	snop;
	(pc) =	sbr.rel @!p1 .LBB2_20-.Ltmp3, $2  }
0x76: {  	_ =	sdelay $0x2  }
0x77: {  	s10 =	sadd.s32 $0xE, s10;
	s7 =	sadd.s32 $0xE, s7  }
.LBB2_2:
0x78: {  	s8 =	smul.u32 $0xAB, s11;
	_ =	sdelay $0x1  }
0x79: {  	s8 =	sshrl.u32 s8, $0x9  }
0x7a: {  	s8 =	sand.u32 $0x7F, s8  }
0x7b: {  	s8 =	smul.u32 $0x3, s8;
	_ =	sdelay $0x1  }
0x7c: {  	s8 =	ssub.s32 s11, s8  }
0x7d: {  	s8 =	sand.u32 $0xFF, s8  }
0x7e: {  	p1 =	seq.s32 s8, $0x2  }
.Ltmp4:
0x7f: {  	_ = 	snop;
	(pc) =	sbr.rel @p1 .LBB2_14-.Ltmp4, $1  }
0x80: {  	_ =	sdelay $0x3  }
0x81: {  	p1 =	seq.s32 s8, $0x1  }
.Ltmp5:
0x82: {  	_ = 	snop;
	(pc) =	sbr.rel @!p1 .LBB2_4-.Ltmp5, $1  }
0x83: {  	_ =	sdelay $0x3  }
0x84: {  	p1 =	slt.u32 s11, $0x2  }
0x85: {  	p2 =	sgt.u32 @!p1 s11, $0x56  }
0x86: {  	p2 =	por p1, !p2  }
.Ltmp6:
0x87: {  	_ = 	snop;
	(pc) =	sbr.rel @p2 .LBB2_10-.Ltmp6, $4  }
0x88: {  	s8 =	simm.s32 @!p1 $0x9  }
0x89: {  	_ =	swait.ge @!p1 [sflag:s8], $0x3800  }
0x8a: {  	[sflag:s8] =	ssyncset.done @!p1 $0x0  }
0x8b: {  	[sflag:s8] =	ssyncadd.s32 @!p1 $0xFFFFC800  }
0x8c: {  	p1 =	seq.s32 s11, $0x58  }
.Ltmp7:
0x8d: {  	_ = 	snop;
	(pc) =	sbr.rel @p1 .LBB2_13-.Ltmp7, $4  }
.Ltmp8:
0x8e: {  	_ = 	snop;
	(pc) =	sbr.rel @!p1 .LBB2_12-.Ltmp8, $4  }
0x8f: {  	_ = 	snop  }
0x90: {  	_ = 	snop  }
0x91: {  	_ = 	snop  }
0x92: {  	_ = 	snop  }
.LBB2_14:
0x93: {  	p1 =	sgt.u32 s11, $0x56  }
.Ltmp9:
0x94: {  	_ = 	snop;
	(pc) =	sbr.rel @p1 .LBB2_16-.Ltmp9, $4  }
0x95: {  	_ = 	snop  }
0x96: {  	_ =	swait.ge [sflag:s31], $0x3800  }
0x97: {  	[sflag:s31] =	ssyncset.done $0x0  }
0x98: {  	[sflag:s31] =	ssyncadd.s32 $0xFFFFC800  }
.Ltmp10:
0x99: {  	(pc) =	sbr.rel .LBB2_17-.Ltmp10, $4  }
0x9a: {  	_ = 	snop  }
0x9b: {  	[tilespmem:s25], [sflag:$0xE] =	stream.linear.gather [hbm4b:s10+s4], $0x70, $0x38;
	[tilespmem:$0x1F480] =	vst v63  }
0x9c: {  	_ = 	snop  }
0x9d: {  	[tilespmem:s26], [sflag:$0x5] =	stream.linear.gather [hbm4b:s7+s4], $0x70, $0x38;
	[tilespmem:$0x1F480] =	vst v63  }
.LBB2_4:
0x9e: {  	p1 =	slt.u32 s11, $0x2  }
0x9f: {  	p2 =	sgt.u32 @!p1 s11, $0x56  }
0xa0: {  	p2 =	por p1, !p2  }
.Ltmp11:
0xa1: {  	_ = 	snop;
	(pc) =	sbr.rel @!p2 .LBB2_6-.Ltmp11, $4  }
0xa2: {  	s8 =	simm.s32 @!p1 $0x8  }
0xa3: {  	_ =	swait.ge @!p1 [sflag:s8], $0x3800  }
0xa4: {  	[sflag:s8] =	ssyncset.done @!p1 $0x0  }
0xa5: {  	[sflag:s8] =	ssyncadd.s32 @!p1 $0xFFFFC800  }
.Ltmp12:
0xa6: {  	(pc) =	sbr.rel .LBB2_7-.Ltmp12, $4  }
0xa7: {  	_ = 	snop  }
0xa8: {  	[tilespmem:s14], [sflag:$0xF] =	stream.linear.gather [hbm4b:s10+s4], $0x70, $0x38;
	[tilespmem:$0x1F480] =	vst v63  }
0xa9: {  	_ = 	snop  }
0xaa: {  	[tilespmem:s5], [sflag:$0x6] =	stream.linear.gather [hbm4b:s7+s4], $0x70, $0x38;
	[tilespmem:$0x1F480] =	vst v63  }
.LBB2_16:
0xab: {  	p1 =	seq.s32 s11, $0x58  }
.Ltmp13:
0xac: {  	_ = 	snop;
	(pc) =	sbr.rel @p1 .LBB2_18-.Ltmp13, $1  }
0xad: {  	_ =	sdelay $0x3  }
.LBB2_17:
0xae: {  	_ =	swait.ge [sflag:s28], $0x70  }
0xaf: {  	[sflag:s28] =	ssyncset.done $0x0  }
0xb0: {  	[sflag:s28] =	ssyncadd.s32 $0xFFFFFF90  }
0xb1: {  	[tilespmem:s30], [sflag:$0x1] =	stream.indirect.gather [hbm4b:s1+s29], $0x80, s4, s29, $0xb8;
	[tilespmem:$0x1F480] =	vst v63  }
.LBB2_18:
0xb2: {  	_ =	swait.ge [sflag:s0], $0x3800  }
0xb3: {  	[sflag:s0] =	ssyncset.done $0x0  }
.Ltmp14:
0xb4: {  	[sflag:s0] =	ssyncadd.s32 $0xFFFFC800;
	(pc) =	sbr.rel .LBB2_19-.Ltmp14, $4  }
0xb5: {  	_ =	swait.ge [sflag:s2], $0x70  }
0xb6: {  	[sflag:s2] =	ssyncset.done $0x0  }
0xb7: {  	[sflag:s2] =	ssyncadd.s32 $0xFFFFFF90  }
0xb8: {  	[spmem:s3] =	stream.indirect.scatter.add.f32 [tilespmem:s6], [sflag:$0x9], $0x80, s5, s29, $0xb8;
	[tilespmem:$0x1F480] =	vst v63  }
.LBB2_6:
0xb9: {  	p1 =	seq.s32 s11, $0x58  }
.Ltmp15:
0xba: {  	_ = 	snop;
	(pc) =	sbr.rel @p1 .LBB2_8-.Ltmp15, $1  }
0xbb: {  	_ =	sdelay $0x3  }
.LBB2_7:
0xbc: {  	_ =	swait.ge [sflag:s17], $0x70  }
0xbd: {  	[sflag:s17] =	ssyncset.done $0x0  }
0xbe: {  	[sflag:s17] =	ssyncadd.s32 $0xFFFFFF90  }
0xbf: {  	[tilespmem:s22], [sflag:$0x2] =	stream.indirect.gather [hbm4b:s1+s29], $0x80, s25, s29, $0xb8;
	[tilespmem:$0x1F480] =	vst v63  }
.LBB2_8:
0xc0: {  	_ =	swait.ge [sflag:s23], $0x3800  }
0xc1: {  	[sflag:s23] =	ssyncset.done $0x0  }
.Ltmp16:
0xc2: {  	[sflag:s23] =	ssyncadd.s32 $0xFFFFC800;
	(pc) =	sbr.rel .LBB2_19-.Ltmp16, $4  }
0xc3: {  	_ =	swait.ge [sflag:s20], $0x70  }
0xc4: {  	[sflag:s20] =	ssyncset.done $0x0  }
0xc5: {  	[sflag:s20] =	ssyncadd.s32 $0xFFFFFF90  }
0xc6: {  	[spmem:s3] =	stream.indirect.scatter.add.f32 [tilespmem:s30], [sflag:$0x7], $0x80, s24, s29, $0xb8;
	[tilespmem:$0x1F480] =	vst v63  }
.LBB2_21:
0xc7: {  	_ =	sfence.sel $0x180000  }
0xc8: {  	[bflag:$0x0] =	sbarrier.arrive $0xFFFF  }
0xc9: {  	_ =	strace $0x9000004D  }
0xca: {  	s0 =	stileid.u32;
	[bflag:$0x2] =	sbarrier.arrive $0xFFFF  }
0xcb: {  	p0 =	sne.s32 s0, $0x0;
	s0 =	rddreg [dreg:$0x3]  }
0xcc: {  	s0 =	sadd.s32 @!p0 $0x100000, s0  }
0xcd: {  	[sflag:s0] =	ssyncadd.tile.s32 @!p0 $0x1;
	_ =	shalt  }
.Lfunc_end2:
_tile_overlayer_lowered:
.L_overlay_start_2:
0xce: {  	(tag) =	ssettag $0x2  }
0xcf: {  	s0 =	rddreg [dreg:$0x0];
	s2 =	stileid.u32  }
0xd0: {  	s1 =	rddreg [dreg:$0x1];
	p0 =	sne.s32 s2, $0x0  }
0xd1: {  	s3 =	rddreg [dreg:$0x2];
	[bflag:$0x3] =	sbarrier.arrive $0xFFFF;
	s2 =	simm.s32 @!p0 $0x1C10  }
0xd2: {  	[timem:s3], [sflag:s2] =	dma.local @!p0 [hbm:s0], s1  }
0xd3: {  	s0 =	simm.s32 @!p0 $0x10  }
0xd4: {  	_ =	swait.ge @!p0 [sflag:s0], s1  }
0xd5: {  	s1 =	ssub.s32 @!p0 $0x0, s1;
	[sflag:s0] =	ssyncset.done @!p0 $0x0  }
0xd6: {  	[sflag:s0] =	ssyncadd.s32 @!p0 s1  }
0xd7: {  	[bflag:$0x3] =	sbarrier.arrive $0xFFFF  }
0xd8: {  	_ =	shalt  }

</sc_bundles>
